<compile_context>
chip_gen: v7x
topology: tpu7x:2x2x1
jax: 0.10.2.dev20260603
libtpu: 0.0.44.dev20260713+nightly
codegen_flags: <defaults>
</compile_context>

<pallas_src>
import functools

import jax
import jax.numpy as jnp
from jax import lax
from jax.experimental import pallas as pl
from jax.experimental.pallas import tpu as pltpu
from jax.experimental.pallas import tpu_sc as plsc

N = 10000
E = 320000
DF = 128
NID = 8
DID = 64
DH = 64
DOUT = 64
OUTF = 128
G = 64

NODE_BLK = 2000


def _prep_body(x_ref, wn_ref, bn_ref, w1i_ref, w1j_ref, wid_ref, bid_ref,
               w1id_ref, b1_ref, a_ref, b_ref, widc_ref, b1t_ref):
    xn = jnp.dot(x_ref[...], wn_ref[...], preferred_element_type=jnp.float32,
                 precision=lax.Precision.HIGHEST) + bn_ref[...]
    a_ref[...] = jnp.dot(xn, w1i_ref[...], preferred_element_type=jnp.float32,
                         precision=lax.Precision.HIGHEST)
    b_ref[...] = jnp.dot(xn, w1j_ref[...], preferred_element_type=jnp.float32,
                         precision=lax.Precision.HIGHEST)

    @pl.when(pl.program_id(0) == 0)
    def _():
        widc_ref[...] = jnp.dot(wid_ref[...], w1id_ref[...],
                                preferred_element_type=jnp.float32,
                                precision=lax.Precision.HIGHEST)
        b1t_ref[...] = jnp.dot(bid_ref[...], w1id_ref[...],
                               preferred_element_type=jnp.float32,
                               precision=lax.Precision.HIGHEST) + b1_ref[...]


def _prep_tables(x, W_node, b_node, W1i, W1j, W_id, b_id, W1id, b1):
    full = lambda shape: pl.BlockSpec(shape, lambda i: tuple(0 for _ in shape))
    return pl.pallas_call(
        _prep_body,
        grid=(N // NODE_BLK,),
        in_specs=[
            pl.BlockSpec((NODE_BLK, DF), lambda i: (i, 0)),
            full((DF, DF)), full((1, DF)),
            full((DF, DH)), full((DF, DH)),
            full((NID, DID)), full((1, DID)),
            full((DID, DH)), full((1, DH)),
        ],
        out_specs=[
            pl.BlockSpec((NODE_BLK, DH), lambda i: (i, 0)),
            pl.BlockSpec((NODE_BLK, DH), lambda i: (i, 0)),
            full((NID, DH)), full((1, DH)),
        ],
        out_shape=[
            jax.ShapeDtypeStruct((N, DH), jnp.float32),
            jax.ShapeDtypeStruct((N, DH), jnp.float32),
            jax.ShapeDtypeStruct((NID, DH), jnp.float32),
            jax.ShapeDtypeStruct((1, DH), jnp.float32),
        ],
    )(x, W_node, b_node, W1i, W1j, W_id, b_id, W1id, b1)


SC_WORKERS = 32
EPW = E // SC_WORKERS
CHUNK = 80
NCHUNK = EPW // CHUNK
NBUF = 4


def _sc_gather_body(src_hbm, dst_hbm, batch_hbm, a_hbm, b_hbm,
                    g_hbm, sege_hbm, sego_hbm,
                    idx_s, idx_d, bufs, wbufs, segs, sege_v, sego_v,
                    sem_a, sem_b, sem_s, sem_wg, sem_ws, sem_wso):
    wid = lax.axis_index("s") * 2 + lax.axis_index("c")
    base0 = wid * EPW

    pltpu.sync_copy(src_hbm.at[pl.ds(base0, EPW)], idx_s)
    pltpu.sync_copy(dst_hbm.at[pl.ds(base0, EPW)], idx_d)

    def s_idx(k):
        return idx_s.at[pl.ds(pl.multiple_of(k * CHUNK, 8), CHUNK)]

    def d_idx(k):
        return idx_d.at[pl.ds(pl.multiple_of(k * CHUNK, 8), CHUNK)]

    def s0(k, b):
        @pl.when(jnp.logical_and(k < NCHUNK, k >= NBUF))
        def _():
            pltpu.make_async_copy(
                wbufs[b],
                g_hbm.at[pl.ds((base0 + (k - NBUF) * CHUNK) // 2, CHUNK // 2)],
                sem_wg[b]).wait()
            rowp = pl.multiple_of((base0 + (k - NBUF) * CHUNK) // 2, 8)
            pltpu.make_async_copy(
                sege_v[b].at[pl.ds(0, CHUNK // 2)],
                sege_hbm.at[pl.ds(rowp, CHUNK // 2)], sem_ws[b]).wait()
            pltpu.make_async_copy(
                sego_v[b].at[pl.ds(0, CHUNK // 2)],
                sego_hbm.at[pl.ds(rowp, CHUNK // 2)], sem_wso[b]).wait()

        @pl.when(k < NCHUNK)
        def _():
            pltpu.async_copy(a_hbm.at[s_idx(k)], bufs[b], sem_a[b])
            pltpu.async_copy(batch_hbm.at[s_idx(k)],
                             segs[b].at[pl.ds(0, CHUNK)], sem_s[b])

    def s1(k, b):
        @pl.when(k < NCHUNK)
        def _():
            pltpu.make_async_copy(a_hbm.at[s_idx(k)], bufs[b],
                                  sem_a[b]).wait()
            pltpu.async_copy(b_hbm.at[d_idx(k)], bufs[b], sem_b[b], add=True)

    def s2(k, b):
        @pl.when(k < NCHUNK)
        def _():
            pltpu.make_async_copy(b_hbm.at[d_idx(k)], bufs[b],
                                  sem_b[b]).wait()
            pltpu.make_async_copy(batch_hbm.at[s_idx(k)],
                                  segs[b].at[pl.ds(0, CHUNK)],
                                  sem_s[b]).wait()
            lanes = lax.iota(jnp.int32, 16)
            for t in range(CHUNK // 32 + 1):
                idx_ev = 32 * t + 2 * lanes
                sege_v[b][pl.ds(16 * t, 16)] = plsc.load_gather(
                    segs[b], [idx_ev])
                sego_v[b][pl.ds(16 * t, 16)] = plsc.load_gather(
                    segs[b], [idx_ev + 1])

            def row(j, carry):
                for c in range(DH // 16):
                    sl = pl.ds(c * 16, 16)
                    wbufs[b][j, sl] = bufs[b][2 * j, sl]
                for c in range(DH // 16):
                    sl = pl.ds(c * 16, 16)
                    slw = pl.ds(DH + c * 16, 16)
                    wbufs[b][j, slw] = bufs[b][2 * j + 1, sl]
                return carry

            @plsc.parallel_loop(0, CHUNK // 2, unroll=4)
            def _(j):
                row(j, 0)
            pltpu.async_copy(wbufs[b],
                             g_hbm.at[pl.ds((base0 + k * CHUNK) // 2,
                                            CHUNK // 2)], sem_wg[b])
            rowp = pl.multiple_of((base0 + k * CHUNK) // 2, 8)
            pltpu.async_copy(sege_v[b].at[pl.ds(0, CHUNK // 2)],
                             sege_hbm.at[pl.ds(rowp, CHUNK // 2)], sem_ws[b])
            pltpu.async_copy(sego_v[b].at[pl.ds(0, CHUNK // 2)],
                             sego_hbm.at[pl.ds(rowp, CHUNK // 2)],
                             sem_wso[b])

    s0(jnp.int32(0), 0)
    s0(jnp.int32(1), 1)
    s1(jnp.int32(0), 0)

    nit = NCHUNK + (NBUF - NCHUNK % NBUF) % NBUF

    def group(i2, carry):
        i0 = i2 * NBUF
        for j in range(NBUF):
            i = i0 + j
            s2(i, j)
            s1(i + 1, (j + 1) % NBUF)
            s0(i + 2, (j + 2) % NBUF)
        return carry

    lax.fori_loop(0, nit // NBUF, group, 0)

    for j in range(NBUF):
        k = NCHUNK - NBUF + j
        b = k % NBUF
        pltpu.make_async_copy(
            wbufs[b],
            g_hbm.at[pl.ds((base0 + k * CHUNK) // 2, CHUNK // 2)],
            sem_wg[b]).wait()
        rowp = pl.multiple_of((base0 + k * CHUNK) // 2, 8)
        pltpu.make_async_copy(
            sege_v[b].at[pl.ds(0, CHUNK // 2)],
            sege_hbm.at[pl.ds(rowp, CHUNK // 2)], sem_ws[b]).wait()
        pltpu.make_async_copy(
            sego_v[b].at[pl.ds(0, CHUNK // 2)],
            sego_hbm.at[pl.ds(rowp, CHUNK // 2)], sem_wso[b]).wait()


def _sc_wrapped_body(src_hbm, dst_hbm, batch_hbm, a_hbm, b_hbm,
                     g_hbm, sege_hbm, sego_hbm, idx_s, idx_d, *rest):
    groups = [rest[i * NBUF:(i + 1) * NBUF] for i in range(11)]
    (bufs, wbufs, segs, sege_v, sego_v, sem_a, sem_b, sem_s, sem_wg,
     sem_ws, sem_wso) = groups
    _sc_gather_body(src_hbm, dst_hbm, batch_hbm, a_hbm, b_hbm, g_hbm,
                    sege_hbm, sego_hbm, idx_s, idx_d, bufs, wbufs, segs,
                    sege_v, sego_v, sem_a, sem_b, sem_s, sem_wg, sem_ws,
                    sem_wso)


_SC_GATHER_CACHE = []


def _sc_gather(src, dst, batch, A, B):
    if not _SC_GATHER_CACHE:
        scratch = [
            pltpu.VMEM((EPW,), jnp.int32),
            pltpu.VMEM((EPW,), jnp.int32),
        ]
        scratch += [pltpu.VMEM((CHUNK, DH), jnp.float32)] * NBUF
        scratch += [pltpu.VMEM((CHUNK // 2, 2 * DH), jnp.float32)] * NBUF
        scratch += [pltpu.VMEM((CHUNK + 16,), jnp.int32)] * NBUF
        scratch += [pltpu.VMEM((CHUNK // 2 + 8,), jnp.int32)] * NBUF
        scratch += [pltpu.VMEM((CHUNK // 2 + 8,), jnp.int32)] * NBUF
        scratch += [pltpu.SemaphoreType.DMA] * (6 * NBUF)
        _SC_GATHER_CACHE.append(functools.partial(
            pl.kernel,
            out_type=(jax.ShapeDtypeStruct((E // 2, 2 * DH), jnp.float32),
                      jax.ShapeDtypeStruct((E // 2,), jnp.int32),
                      jax.ShapeDtypeStruct((E // 2,), jnp.int32)),
            mesh=plsc.VectorSubcoreMesh(core_axis_name="c",
                                        subcore_axis_name="s"),
            scratch_types=scratch,
            compiler_params=pltpu.CompilerParams(use_tc_tiling_on_sc=False, skip_device_barrier=True, needs_layout_passes=False),
        )(_sc_wrapped_body))
    return _SC_GATHER_CACHE[0](src, dst, batch, A, B)


EDGE_BLK = 6400
BLKP = EDGE_BLK // 2


def _reduce_body(g_ref, idst_ref, sege_ref, sego_ref, widc2_ref, b1t2_ref,
                 w2d_ref, b2d_ref, wp_ref, bp_ref, out_ref, acc_ref):
    i = pl.program_id(0)

    @pl.when(i == 0)
    def _():
        acc_ref[...] = jnp.zeros_like(acc_ref)

    c = lax.dot_general(idst_ref[...], widc2_ref[...],
                        (((0,), (0,)), ((), ())),
                        preferred_element_type=jnp.float32)
    h = jnp.maximum(g_ref[...] + c + b1t2_ref[...], 0.0)
    h2 = jnp.dot(h, w2d_ref[...],
                 preferred_element_type=jnp.float32) + b2d_ref[...]
    h2 = jnp.maximum(h2, 0.0)
    seg_e = sege_ref[0, 0, :]
    seg_o = sego_ref[0, 0, :]
    oh_e = (lax.broadcasted_iota(jnp.int32, (G, BLKP), 0)
            == seg_e[None, :]).astype(jnp.float32)
    oh_o = (lax.broadcasted_iota(jnp.int32, (G, BLKP), 0)
            == seg_o[None, :]).astype(jnp.float32)
    pe = jnp.dot(oh_e, h2, preferred_element_type=jnp.float32)
    po = jnp.dot(oh_o, h2, preferred_element_type=jnp.float32)
    acc_ref[...] += pe[:, :DOUT] + po[:, DOUT:]

    @pl.when(i == pl.num_programs(0) - 1)
    def _():
        out_ref[...] = jnp.dot(acc_ref[...], wp_ref[...],
                               preferred_element_type=jnp.float32) + bp_ref[...]


def _reduce(g2, ids2t, sege3, sego3, W_idc2, b1t2, W2d, b2d, Wp, bp):
    full = lambda shape: pl.BlockSpec(shape, lambda i: tuple(0 for _ in shape))
    return pl.pallas_call(
        _reduce_body,
        grid=(E // EDGE_BLK,),
        in_specs=[
            pl.BlockSpec((BLKP, 2 * DH), lambda i: (i, 0)),
            pl.BlockSpec((2 * NID, BLKP), lambda i: (0, i)),
            pl.BlockSpec((1, 1, BLKP), lambda i: (i, 0, 0)),
            pl.BlockSpec((1, 1, BLKP), lambda i: (i, 0, 0)),
            full((2 * NID, 2 * DH)), full((1, 2 * DH)),
            full((2 * DH, 2 * DOUT)), full((1, 2 * DOUT)),
            full((DOUT, OUTF)), full((1, OUTF)),
        ],
        out_specs=pl.BlockSpec((G, OUTF), lambda i: (0, 0)),
        out_shape=jax.ShapeDtypeStruct((G, OUTF), jnp.float32),
        scratch_shapes=[pltpu.VMEM((G, DOUT), jnp.float32)],
    )(g2, ids2t, sege3, sego3, W_idc2, b1t2, W2d, b2d, Wp, bp)


@jax.jit
def kernel(x, degrees, identifiers, W_node, b_node, W_id, b_id, W1, b1, W2,
           b2, Wp, bp, edge_index, batch):
    W1i = W1[:DF]
    W1j = W1[DF:2 * DF]
    W1id = W1[2 * DF:]
    A, B, W_idc, b1t = _prep_tables(
        x, W_node, b_node.reshape(1, DF), W1i, W1j,
        W_id, b_id.reshape(1, DID), W1id, b1.reshape(1, DH))
    src = edge_index[0]
    dst = edge_index[1]
    g2, seg_e, seg_o = _sc_gather(src, dst, batch, A, B)

    z88 = jnp.zeros((NID, DH), jnp.float32)
    W_idc2 = jnp.concatenate([
        jnp.concatenate([W_idc, z88], axis=1),
        jnp.concatenate([z88, W_idc], axis=1)], axis=0)
    b1t2 = jnp.concatenate([b1t, b1t], axis=1)
    z64 = jnp.zeros((DH, DOUT), jnp.float32)
    W2d = jnp.concatenate([
        jnp.concatenate([W2, z64], axis=1),
        jnp.concatenate([z64, W2], axis=1)], axis=0)
    b2d = jnp.concatenate([b2, b2]).reshape(1, 2 * DOUT)

    ids2t = identifiers.reshape(E // 2, 2 * NID).T
    sege3 = seg_e.reshape(E // EDGE_BLK, 1, BLKP)
    sego3 = seg_o.reshape(E // EDGE_BLK, 1, BLKP)
    return _reduce(g2, ids2t, sege3, sego3, W_idc2, b1t2, W2d, b2d, Wp,
                   bp.reshape(1, OUTF))

# --- scband reference (transcript-rebuilt; emitter-appended) ---
"""Pipeline reference for scband-mlpsubstructures-60567628808392 (READ-ONLY COPY).

The authoritative reference and input builder live on the scoring server;
editing this copy changes nothing except your own understanding.
"""

import jax, jax.numpy as jnp
import numpy as np

N = 10000
E = 320000
DF = 128
NID = 8
DID = 64
DH = 64
DOUT = 64
OUTF = 128
G = 64


def setup_inputs(seed: int = 0) -> dict:
    key = jax.random.key(seed)
    ks = jax.random.split(key, 12)
    x = jax.random.normal(ks[0], (N, DF), dtype=jnp.float32)
    edge_index = jax.random.randint(ks[1], (2, E), 0, N, dtype=jnp.int32)
    identifiers = jax.random.uniform(ks[2], (E, NID), dtype=jnp.float32)
    batch = jnp.sort(jax.random.randint(ks[3], (N,), 0, G, dtype=jnp.int32))
    degrees = jnp.zeros((N, 1), dtype=jnp.float32)
    W_node = jax.random.normal(ks[4], (DF, DF), dtype=jnp.float32) / np.sqrt(DF)
    b_node = jnp.zeros((DF,), dtype=jnp.float32)
    W_id = jax.random.normal(ks[5], (NID, DID), dtype=jnp.float32) / np.sqrt(NID)
    b_id = jnp.zeros((DID,), dtype=jnp.float32)
    MIN = 2 * DF + DID
    W1 = jax.random.normal(ks[6], (MIN, DH), dtype=jnp.float32) / np.sqrt(MIN)
    b1 = jnp.zeros((DH,), dtype=jnp.float32)
    W2 = jax.random.normal(ks[7], (DH, DOUT), dtype=jnp.float32) / np.sqrt(DH)
    b2 = jnp.zeros((DOUT,), dtype=jnp.float32)
    Wp = jax.random.normal(ks[8], (DOUT, OUTF), dtype=jnp.float32) / np.sqrt(DOUT)
    bp = jnp.zeros((OUTF,), dtype=jnp.float32)
    return {'x': x, 'degrees': degrees, 'identifiers': identifiers,
            'W_node': W_node, 'b_node': b_node, 'W_id': W_id, 'b_id': b_id,
            'W1': W1, 'b1': b1, 'W2': W2, 'b2': b2, 'Wp': Wp, 'bp': bp,
            'edge_index': edge_index, 'batch': batch}


def reference(x, degrees, identifiers, W_node, b_node, W_id, b_id, W1, b1, W2, b2, Wp, bp, edge_index, batch):
    # degree_as_tag[0]=False: degree encoder output is dead code (degrees unused)
    xn = x @ W_node + b_node                       # input_node_encoder ('linear')
    ids = identifiers @ W_id + b_id                # id_encoder ('linear'), id_scope='local' -> per-edge
    src = edge_index[0]
    dst = edge_index[1]
    x_i = jnp.take(xn, src, axis=0)                # gather over edges
    x_j = jnp.take(xn, dst, axis=0)
    x_in = jnp.concatenate([x_i, x_j, ids], axis=1)
    h = jnp.maximum(x_in @ W1 + b1, 0.0) @ W2 + b2 # conv = 2-layer MLP (bn_mlp=False)
    h = jnp.maximum(h, 0.0)                        # self.activation ('relu'); bn[0]=False
    seg = jnp.take(batch, src)                     # data.batch[edge_index[0]]
    x_global = jax.ops.segment_sum(h, seg, num_segments=G)  # global_add_pool_sparse
    prediction = x_global @ Wp + bp                # lin_proj; dropout p=0 / eval -> no-op
    return prediction

if __name__ == "__main__":
    import jax
    _d = setup_inputs()
    print(jax.jit(kernel)(*tuple(_d.values())))

</pallas_src>

<mosaic_0001>
#map = affine_map<(d0, d1) -> (0)>
#map1 = affine_map<(d0, d1) -> (0, 0)>
module attributes {stable_mosaic.version = 14 : i64} {
  func.func @_sc_wrapped_body(%arg0: i32, %arg1: i32, %arg2: memref<320000xi32, #tpu.memory_space<hbm>>, %arg3: memref<320000xi32, #tpu.memory_space<hbm>>, %arg4: memref<10000xi32, #tpu.memory_space<hbm>>, %arg5: memref<10000x64xf32, #tpu.memory_space<hbm>>, %arg6: memref<10000x64xf32, #tpu.memory_space<hbm>>, %arg7: memref<160000x128xf32, #tpu.memory_space<hbm>>, %arg8: memref<160000xi32, #tpu.memory_space<hbm>>, %arg9: memref<160000xi32, #tpu.memory_space<hbm>>, %arg10: memref<10000xi32, #tpu.memory_space<vmem>>, %arg11: memref<10000xi32, #tpu.memory_space<vmem>>, %arg12: memref<80x64xf32, #tpu.memory_space<vmem>>, %arg13: memref<80x64xf32, #tpu.memory_space<vmem>>, %arg14: memref<80x64xf32, #tpu.memory_space<vmem>>, %arg15: memref<80x64xf32, #tpu.memory_space<vmem>>, %arg16: memref<40x128xf32, #tpu.memory_space<vmem>>, %arg17: memref<40x128xf32, #tpu.memory_space<vmem>>, %arg18: memref<40x128xf32, #tpu.memory_space<vmem>>, %arg19: memref<40x128xf32, #tpu.memory_space<vmem>>, %arg20: memref<96xi32, #tpu.memory_space<vmem>>, %arg21: memref<96xi32, #tpu.memory_space<vmem>>, %arg22: memref<96xi32, #tpu.memory_space<vmem>>, %arg23: memref<96xi32, #tpu.memory_space<vmem>>, %arg24: memref<48xi32, #tpu.memory_space<vmem>>, %arg25: memref<48xi32, #tpu.memory_space<vmem>>, %arg26: memref<48xi32, #tpu.memory_space<vmem>>, %arg27: memref<48xi32, #tpu.memory_space<vmem>>, %arg28: memref<48xi32, #tpu.memory_space<vmem>>, %arg29: memref<48xi32, #tpu.memory_space<vmem>>, %arg30: memref<48xi32, #tpu.memory_space<vmem>>, %arg31: memref<48xi32, #tpu.memory_space<vmem>>, %arg32: memref<!tpu.dma_semaphore, #tpu.memory_space<semaphore_mem>>, %arg33: memref<!tpu.dma_semaphore, #tpu.memory_space<semaphore_mem>>, %arg34: memref<!tpu.dma_semaphore, #tpu.memory_space<semaphore_mem>>, %arg35: memref<!tpu.dma_semaphore, #tpu.memory_space<semaphore_mem>>, %arg36: memref<!tpu.dma_semaphore, #tpu.memory_space<semaphore_mem>>, %arg37: memref<!tpu.dma_semaphore, #tpu.memory_space<semaphore_mem>>, %arg38: memref<!tpu.dma_semaphore, #tpu.memory_space<semaphore_mem>>, %arg39: memref<!tpu.dma_semaphore, #tpu.memory_space<semaphore_mem>>, %arg40: memref<!tpu.dma_semaphore, #tpu.memory_space<semaphore_mem>>, %arg41: memref<!tpu.dma_semaphore, #tpu.memory_space<semaphore_mem>>, %arg42: memref<!tpu.dma_semaphore, #tpu.memory_space<semaphore_mem>>, %arg43: memref<!tpu.dma_semaphore, #tpu.memory_space<semaphore_mem>>, %arg44: memref<!tpu.dma_semaphore, #tpu.memory_space<semaphore_mem>>, %arg45: memref<!tpu.dma_semaphore, #tpu.memory_space<semaphore_mem>>, %arg46: memref<!tpu.dma_semaphore, #tpu.memory_space<semaphore_mem>>, %arg47: memref<!tpu.dma_semaphore, #tpu.memory_space<semaphore_mem>>, %arg48: memref<!tpu.dma_semaphore, #tpu.memory_space<semaphore_mem>>, %arg49: memref<!tpu.dma_semaphore, #tpu.memory_space<semaphore_mem>>, %arg50: memref<!tpu.dma_semaphore, #tpu.memory_space<semaphore_mem>>, %arg51: memref<!tpu.dma_semaphore, #tpu.memory_space<semaphore_mem>>, %arg52: memref<!tpu.dma_semaphore, #tpu.memory_space<semaphore_mem>>, %arg53: memref<!tpu.dma_semaphore, #tpu.memory_space<semaphore_mem>>, %arg54: memref<!tpu.dma_semaphore, #tpu.memory_space<semaphore_mem>>, %arg55: memref<!tpu.dma_semaphore, #tpu.memory_space<semaphore_mem>>) attributes {dimension_semantics = [#tpu.dimension_semantics<core_parallel>, #tpu.dimension_semantics<subcore_parallel>], iteration_bounds = array<i64: 2, 16>, scalar_prefetch = 0 : i64, scratch_operands = 46 : i64, tpu.core_type = #tpu.core_type<sc_vector_subcore>, window_params = [{transform_indices = #map}, {transform_indices = #map}, {transform_indices = #map}, {transform_indices = #map1}, {transform_indices = #map1}, {transform_indices = #map1}, {transform_indices = #map}, {transform_indices = #map}]} {
    %mul3A = arith.constant 2 : i32
    %mul3A_0 = arith.muli %arg1, %mul3A : i32
    %add3A = arith.addi %mul3A_0, %arg0 : i32
    %mul3A_1 = arith.constant 10000 : i32
    %mul3A_2 = arith.muli %add3A, %mul3A_1 : i32
    "tpu.region"() ({
      %run_scoped3A = tpu.sem_alloc : memref<!tpu.dma_semaphore, #tpu.memory_space<semaphore_mem>>
      %dma_start3A = tpu.memref_slice %arg2[%mul3A_2] : memref<320000xi32, #tpu.memory_space<hbm>> -> memref<10000xi32, #tpu.memory_space<hbm>>
      %dma_start3A_313 = tpu.memref_slice %arg2[%mul3A_2] : memref<320000xi32, #tpu.memory_space<hbm>> -> memref<10000xi32, #tpu.memory_space<hbm>>
      tpu.enqueue_dma source(%dma_start3A_313 : memref<10000xi32, #tpu.memory_space<hbm>>) target(%arg10 : memref<10000xi32, #tpu.memory_space<vmem>>) target_semaphore(%run_scoped3A : memref<!tpu.dma_semaphore, #tpu.memory_space<semaphore_mem>>)
      %dma_wait3A_314 = tpu.memref_slice %arg2[%mul3A_2] : memref<320000xi32, #tpu.memory_space<hbm>> -> memref<10000xi32, #tpu.memory_space<hbm>>
      %dma_wait3A_315 = tpu.memref_slice %arg2[%mul3A_2] : memref<320000xi32, #tpu.memory_space<hbm>> -> memref<10000xi32, #tpu.memory_space<hbm>>
      tpu.wait_dma2 semaphore(%run_scoped3A : memref<!tpu.dma_semaphore, #tpu.memory_space<semaphore_mem>>) src(%dma_wait3A_315 : memref<10000xi32, #tpu.memory_space<hbm>>) dst(%arg10 : memref<10000xi32, #tpu.memory_space<vmem>>)
      tpu.yield
    }) : () -> ()
    "tpu.region"() ({
      %run_scoped3A = tpu.sem_alloc : memref<!tpu.dma_semaphore, #tpu.memory_space<semaphore_mem>>
      %dma_start3A = tpu.memref_slice %arg3[%mul3A_2] : memref<320000xi32, #tpu.memory_space<hbm>> -> memref<10000xi32, #tpu.memory_space<hbm>>
      %dma_start3A_313 = tpu.memref_slice %arg3[%mul3A_2] : memref<320000xi32, #tpu.memory_space<hbm>> -> memref<10000xi32, #tpu.memory_space<hbm>>
      tpu.enqueue_dma source(%dma_start3A_313 : memref<10000xi32, #tpu.memory_space<hbm>>) target(%arg11 : memref<10000xi32, #tpu.memory_space<vmem>>) target_semaphore(%run_scoped3A : memref<!tpu.dma_semaphore, #tpu.memory_space<semaphore_mem>>)
      %dma_wait3A_314 = tpu.memref_slice %arg3[%mul3A_2] : memref<320000xi32, #tpu.memory_space<hbm>> -> memref<10000xi32, #tpu.memory_space<hbm>>
      %dma_wait3A_315 = tpu.memref_slice %arg3[%mul3A_2] : memref<320000xi32, #tpu.memory_space<hbm>> -> memref<10000xi32, #tpu.memory_space<hbm>>
      tpu.wait_dma2 semaphore(%run_scoped3A : memref<!tpu.dma_semaphore, #tpu.memory_space<semaphore_mem>>) src(%dma_wait3A_315 : memref<10000xi32, #tpu.memory_space<hbm>>) dst(%arg11 : memref<10000xi32, #tpu.memory_space<vmem>>)
      tpu.yield
    }) : () -> ()
    %lt3A = arith.constant 0 : i32
    %lt3A_3 = arith.constant 125 : i32
    %lt3A_4 = arith.cmpi slt, %lt3A, %lt3A_3 : i32
    %ge3A = arith.constant 0 : i32
    %ge3A_5 = arith.constant 4 : i32
    %ge3A_6 = arith.cmpi sge, %ge3A, %ge3A_5 : i32
    %and3A = arith.andi %lt3A_4, %ge3A_6 : i1
    %convert_element_type3A = arith.extui %and3A : i1 to i32
    %cond3A = arith.constant 0 : i32
    %cond3A_7 = arith.constant 0 : i32
    %cond3A_8 = arith.cmpi ne, %convert_element_type3A, %cond3A_7 : i32
    scf.if %cond3A_8 {
      %sub3A_313 = arith.constant 4 : i32
      %sub3A_314 = arith.subi %cond3A, %sub3A_313 : i32
      %mul3A_315 = arith.constant 80 : i32
      %mul3A_316 = arith.muli %sub3A_314, %mul3A_315 : i32
      %add3A_317 = arith.addi %mul3A_2, %mul3A_316 : i32
      %jit3A_318 = arith.constant 2 : i32
      %div3A_319 = arith.divsi %add3A_317, %jit3A_318 : i32
      %sign3A_320 = arith.constant 0 : i32
      %sign3A_321 = arith.cmpi sgt, %add3A_317, %sign3A_320 : i32
      %sign3A_322 = arith.extui %sign3A_321 : i1 to i32
      %sign3A_323 = arith.constant 0 : i32
      %sign3A_324 = arith.cmpi slt, %add3A_317, %sign3A_323 : i32
      %sign3A_325 = arith.extui %sign3A_324 : i1 to i32
      %sign3A_326 = arith.subi %sign3A_322, %sign3A_325 : i32
      %sign3A_327 = arith.constant 0 : i32
      %sign3A_328 = arith.cmpi sgt, %jit3A_318, %sign3A_327 : i32
      %sign3A_329 = arith.extui %sign3A_328 : i1 to i32
      %sign3A_330 = arith.constant 0 : i32
      %sign3A_331 = arith.cmpi slt, %jit3A_318, %sign3A_330 : i32
      %sign3A_332 = arith.extui %sign3A_331 : i1 to i32
      %sign3A_333 = arith.subi %sign3A_329, %sign3A_332 : i32
      %ne3A_334 = arith.cmpi ne, %sign3A_326, %sign3A_333 : i32
      %rem3A_335 = arith.remsi %add3A_317, %jit3A_318 : i32
      %ne3A_336 = arith.constant 0 : i32
      %ne3A_337 = arith.cmpi ne, %rem3A_335, %ne3A_336 : i32
      %and3A_338 = arith.andi %ne3A_334, %ne3A_337 : i1
      %sub3A_339 = arith.constant 1 : i32
      %sub3A_340 = arith.subi %div3A_319, %sub3A_339 : i32
      %select_n3A_341 = arith.select %and3A_338, %sub3A_340, %div3A_319 : i32
      %dma_wait3A_342 = arith.constant 0 : i32
      %dma_wait3A_343 = tpu.memref_slice %arg7[%select_n3A_341, %dma_wait3A_342] : memref<160000x128xf32, #tpu.memory_space<hbm>> -> memref<40x128xf32, #tpu.memory_space<hbm>>
      %dma_wait3A_344 = arith.constant 0 : i32
      %dma_wait3A_345 = tpu.memref_slice %arg7[%select_n3A_341, %dma_wait3A_344] : memref<160000x128xf32, #tpu.memory_space<hbm>> -> memref<40x128xf32, #tpu.memory_space<hbm>>
      tpu.wait_dma2 semaphore(%arg44 : memref<!tpu.dma_semaphore, #tpu.memory_space<semaphore_mem>>) src(%arg16 : memref<40x128xf32, #tpu.memory_space<vmem>>) dst(%dma_wait3A_345 : memref<40x128xf32, #tpu.memory_space<hbm>>)
      %sub3A_346 = arith.constant 4 : i32
      %sub3A_347 = arith.subi %cond3A, %sub3A_346 : i32
      %mul3A_348 = arith.constant 80 : i32
      %mul3A_349 = arith.muli %sub3A_347, %mul3A_348 : i32
      %add3A_350 = arith.addi %mul3A_2, %mul3A_349 : i32
      %jit3A_351 = arith.constant 2 : i32
      %div3A_352 = arith.divsi %add3A_350, %jit3A_351 : i32
      %sign3A_353 = arith.constant 0 : i32
      %sign3A_354 = arith.cmpi sgt, %add3A_350, %sign3A_353 : i32
      %sign3A_355 = arith.extui %sign3A_354 : i1 to i32
      %sign3A_356 = arith.constant 0 : i32
      %sign3A_357 = arith.cmpi slt, %add3A_350, %sign3A_356 : i32
      %sign3A_358 = arith.extui %sign3A_357 : i1 to i32
      %sign3A_359 = arith.subi %sign3A_355, %sign3A_358 : i32
      %sign3A_360 = arith.constant 0 : i32
      %sign3A_361 = arith.cmpi sgt, %jit3A_351, %sign3A_360 : i32
      %sign3A_362 = arith.extui %sign3A_361 : i1 to i32
      %sign3A_363 = arith.constant 0 : i32
      %sign3A_364 = arith.cmpi slt, %jit3A_351, %sign3A_363 : i32
      %sign3A_365 = arith.extui %sign3A_364 : i1 to i32
      %sign3A_366 = arith.subi %sign3A_362, %sign3A_365 : i32
      %ne3A_367 = arith.cmpi ne, %sign3A_359, %sign3A_366 : i32
      %rem3A_368 = arith.remsi %add3A_350, %jit3A_351 : i32
      %ne3A_369 = arith.constant 0 : i32
      %ne3A_370 = arith.cmpi ne, %rem3A_368, %ne3A_369 : i32
      %and3A_371 = arith.andi %ne3A_367, %ne3A_370 : i1
      %sub3A_372 = arith.constant 1 : i32
      %sub3A_373 = arith.subi %div3A_352, %sub3A_372 : i32
      %select_n3A_374 = arith.select %and3A_371, %sub3A_373, %div3A_352 : i32
      %multiple_of3A_375 = tpu.assume_multiple %select_n3A_374, 8 : i32
      %dma_wait3A_376 = arith.constant 0 : i32
      %dma_wait3A_377 = tpu.memref_slice %arg24[%dma_wait3A_376] : memref<48xi32, #tpu.memory_space<vmem>> -> memref<40xi32, #tpu.memory_space<vmem>>
      %dma_wait3A_378 = tpu.memref_slice %arg8[%multiple_of3A_375] : memref<160000xi32, #tpu.memory_space<hbm>> -> memref<40xi32, #tpu.memory_space<hbm>>
      %dma_wait3A_379 = tpu.memref_slice %arg8[%multiple_of3A_375] : memref<160000xi32, #tpu.memory_space<hbm>> -> memref<40xi32, #tpu.memory_space<hbm>>
      %dma_wait3A_380 = arith.constant 0 : i32
      %dma_wait3A_381 = tpu.memref_slice %arg24[%dma_wait3A_380] : memref<48xi32, #tpu.memory_space<vmem>> -> memref<40xi32, #tpu.memory_space<vmem>>
      tpu.wait_dma2 semaphore(%arg48 : memref<!tpu.dma_semaphore, #tpu.memory_space<semaphore_mem>>) src(%dma_wait3A_381 : memref<40xi32, #tpu.memory_space<vmem>>) dst(%dma_wait3A_379 : memref<40xi32, #tpu.memory_space<hbm>>)
      %dma_wait3A_382 = arith.constant 0 : i32
      %dma_wait3A_383 = tpu.memref_slice %arg28[%dma_wait3A_382] : memref<48xi32, #tpu.memory_space<vmem>> -> memref<40xi32, #tpu.memory_space<vmem>>
      %dma_wait3A_384 = tpu.memref_slice %arg9[%multiple_of3A_375] : memref<160000xi32, #tpu.memory_space<hbm>> -> memref<40xi32, #tpu.memory_space<hbm>>
      %dma_wait3A_385 = tpu.memref_slice %arg9[%multiple_of3A_375] : memref<160000xi32, #tpu.memory_space<hbm>> -> memref<40xi32, #tpu.memory_space<hbm>>
      %dma_wait3A_386 = arith.constant 0 : i32
      %dma_wait3A_387 = tpu.memref_slice %arg28[%dma_wait3A_386] : memref<48xi32, #tpu.memory_space<vmem>> -> memref<40xi32, #tpu.memory_space<vmem>>
      tpu.wait_dma2 semaphore(%arg52 : memref<!tpu.dma_semaphore, #tpu.memory_space<semaphore_mem>>) src(%dma_wait3A_387 : memref<40xi32, #tpu.memory_space<vmem>>) dst(%dma_wait3A_385 : memref<40xi32, #tpu.memory_space<hbm>>)
    } else {
    }
    %lt3A_9 = arith.constant 0 : i32
    %lt3A_10 = arith.constant 125 : i32
    %lt3A_11 = arith.cmpi slt, %lt3A_9, %lt3A_10 : i32
    %convert_element_type3A_12 = arith.extui %lt3A_11 : i1 to i32
    %cond3A_13 = arith.constant 0 : i32
    %cond3A_14 = arith.constant 0 : i32
    %cond3A_15 = arith.cmpi ne, %convert_element_type3A_12, %cond3A_14 : i32
    scf.if %cond3A_15 {
      %mul3A_313 = arith.constant 80 : i32
      %mul3A_314 = arith.muli %cond3A_13, %mul3A_313 : i32
      %multiple_of3A_315 = tpu.assume_multiple %mul3A_314, 8 : i32
      %dma_start3A = tpu.memref_slice %arg10[%multiple_of3A_315] : memref<10000xi32, #tpu.memory_space<vmem>> -> memref<80xi32, #tpu.memory_space<vmem>>
      %dma_start3A_316 = arith.constant 0 : i32
      %dma_start3A_317 = arith.constant 0 : i32
      %dma_start3A_318 = tpu.memref_slice %arg5[%dma_start3A_316, %dma_start3A_317] : memref<10000x64xf32, #tpu.memory_space<hbm>> -> memref<10000x64xf32, #tpu.memory_space<hbm>>
      tpu.enqueue_indirect_dma source(%dma_start3A_318 : memref<10000x64xf32, #tpu.memory_space<hbm>>) target(%arg12 : memref<80x64xf32, #tpu.memory_space<vmem>>) offsets(%dma_start3A : memref<80xi32, #tpu.memory_space<vmem>>) semaphore(%arg32 : memref<!tpu.dma_semaphore, #tpu.memory_space<semaphore_mem>>)
      %mul3A_319 = arith.constant 80 : i32
      %mul3A_320 = arith.muli %cond3A_13, %mul3A_319 : i32
      %multiple_of3A_321 = tpu.assume_multiple %mul3A_320, 8 : i32
      %dma_start3A_322 = arith.constant 0 : i32
      %dma_start3A_323 = tpu.memref_slice %arg20[%dma_start3A_322] : memref<96xi32, #tpu.memory_space<vmem>> -> memref<80xi32, #tpu.memory_space<vmem>>
      %dma_start3A_324 = tpu.memref_slice %arg10[%multiple_of3A_321] : memref<10000xi32, #tpu.memory_space<vmem>> -> memref<80xi32, #tpu.memory_space<vmem>>
      %dma_start3A_325 = arith.constant 0 : i32
      %dma_start3A_326 = tpu.memref_slice %arg4[%dma_start3A_325] : memref<10000xi32, #tpu.memory_space<hbm>> -> memref<10000xi32, #tpu.memory_space<hbm>>
      tpu.enqueue_indirect_dma source(%dma_start3A_326 : memref<10000xi32, #tpu.memory_space<hbm>>) target(%dma_start3A_323 : memref<80xi32, #tpu.memory_space<vmem>>) offsets(%dma_start3A_324 : memref<80xi32, #tpu.memory_space<vmem>>) semaphore(%arg40 : memref<!tpu.dma_semaphore, #tpu.memory_space<semaphore_mem>>)
    } else {
    }
    %lt3A_16 = arith.constant 1 : i32
    %lt3A_17 = arith.constant 125 : i32
    %lt3A_18 = arith.cmpi slt, %lt3A_16, %lt3A_17 : i32
    %ge3A_19 = arith.constant 1 : i32
    %ge3A_20 = arith.constant 4 : i32
    %ge3A_21 = arith.cmpi sge, %ge3A_19, %ge3A_20 : i32
    %and3A_22 = arith.andi %lt3A_18, %ge3A_21 : i1
    %convert_element_type3A_23 = arith.extui %and3A_22 : i1 to i32
    %cond3A_24 = arith.constant 1 : i32
    %cond3A_25 = arith.constant 0 : i32
    %cond3A_26 = arith.cmpi ne, %convert_element_type3A_23, %cond3A_25 : i32
    scf.if %cond3A_26 {
      %sub3A_313 = arith.constant 4 : i32
      %sub3A_314 = arith.subi %cond3A_24, %sub3A_313 : i32
      %mul3A_315 = arith.constant 80 : i32
      %mul3A_316 = arith.muli %sub3A_314, %mul3A_315 : i32
      %add3A_317 = arith.addi %mul3A_2, %mul3A_316 : i32
      %jit3A_318 = arith.constant 2 : i32
      %div3A_319 = arith.divsi %add3A_317, %jit3A_318 : i32
      %sign3A_320 = arith.constant 0 : i32
      %sign3A_321 = arith.cmpi sgt, %add3A_317, %sign3A_320 : i32
      %sign3A_322 = arith.extui %sign3A_321 : i1 to i32
      %sign3A_323 = arith.constant 0 : i32
      %sign3A_324 = arith.cmpi slt, %add3A_317, %sign3A_323 : i32
      %sign3A_325 = arith.extui %sign3A_324 : i1 to i32
      %sign3A_326 = arith.subi %sign3A_322, %sign3A_325 : i32
      %sign3A_327 = arith.constant 0 : i32
      %sign3A_328 = arith.cmpi sgt, %jit3A_318, %sign3A_327 : i32
      %sign3A_329 = arith.extui %sign3A_328 : i1 to i32
      %sign3A_330 = arith.constant 0 : i32
      %sign3A_331 = arith.cmpi slt, %jit3A_318, %sign3A_330 : i32
      %sign3A_332 = arith.extui %sign3A_331 : i1 to i32
      %sign3A_333 = arith.subi %sign3A_329, %sign3A_332 : i32
      %ne3A_334 = arith.cmpi ne, %sign3A_326, %sign3A_333 : i32
      %rem3A_335 = arith.remsi %add3A_317, %jit3A_318 : i32
      %ne3A_336 = arith.constant 0 : i32
      %ne3A_337 = arith.cmpi ne, %rem3A_335, %ne3A_336 : i32
      %and3A_338 = arith.andi %ne3A_334, %ne3A_337 : i1
      %sub3A_339 = arith.constant 1 : i32
      %sub3A_340 = arith.subi %div3A_319, %sub3A_339 : i32
      %select_n3A_341 = arith.select %and3A_338, %sub3A_340, %div3A_319 : i32
      %dma_wait3A_342 = arith.constant 0 : i32
      %dma_wait3A_343 = tpu.memref_slice %arg7[%select_n3A_341, %dma_wait3A_342] : memref<160000x128xf32, #tpu.memory_space<hbm>> -> memref<40x128xf32, #tpu.memory_space<hbm>>
      %dma_wait3A_344 = arith.constant 0 : i32
      %dma_wait3A_345 = tpu.memref_slice %arg7[%select_n3A_341, %dma_wait3A_344] : memref<160000x128xf32, #tpu.memory_space<hbm>> -> memref<40x128xf32, #tpu.memory_space<hbm>>
      tpu.wait_dma2 semaphore(%arg45 : memref<!tpu.dma_semaphore, #tpu.memory_space<semaphore_mem>>) src(%arg17 : memref<40x128xf32, #tpu.memory_space<vmem>>) dst(%dma_wait3A_345 : memref<40x128xf32, #tpu.memory_space<hbm>>)
      %sub3A_346 = arith.constant 4 : i32
      %sub3A_347 = arith.subi %cond3A_24, %sub3A_346 : i32
      %mul3A_348 = arith.constant 80 : i32
      %mul3A_349 = arith.muli %sub3A_347, %mul3A_348 : i32
      %add3A_350 = arith.addi %mul3A_2, %mul3A_349 : i32
      %jit3A_351 = arith.constant 2 : i32
      %div3A_352 = arith.divsi %add3A_350, %jit3A_351 : i32
      %sign3A_353 = arith.constant 0 : i32
      %sign3A_354 = arith.cmpi sgt, %add3A_350, %sign3A_353 : i32
      %sign3A_355 = arith.extui %sign3A_354 : i1 to i32
      %sign3A_356 = arith.constant 0 : i32
      %sign3A_357 = arith.cmpi slt, %add3A_350, %sign3A_356 : i32
      %sign3A_358 = arith.extui %sign3A_357 : i1 to i32
      %sign3A_359 = arith.subi %sign3A_355, %sign3A_358 : i32
      %sign3A_360 = arith.constant 0 : i32
      %sign3A_361 = arith.cmpi sgt, %jit3A_351, %sign3A_360 : i32
      %sign3A_362 = arith.extui %sign3A_361 : i1 to i32
      %sign3A_363 = arith.constant 0 : i32
      %sign3A_364 = arith.cmpi slt, %jit3A_351, %sign3A_363 : i32
      %sign3A_365 = arith.extui %sign3A_364 : i1 to i32
      %sign3A_366 = arith.subi %sign3A_362, %sign3A_365 : i32
      %ne3A_367 = arith.cmpi ne, %sign3A_359, %sign3A_366 : i32
      %rem3A_368 = arith.remsi %add3A_350, %jit3A_351 : i32
      %ne3A_369 = arith.constant 0 : i32
      %ne3A_370 = arith.cmpi ne, %rem3A_368, %ne3A_369 : i32
      %and3A_371 = arith.andi %ne3A_367, %ne3A_370 : i1
      %sub3A_372 = arith.constant 1 : i32
      %sub3A_373 = arith.subi %div3A_352, %sub3A_372 : i32
      %select_n3A_374 = arith.select %and3A_371, %sub3A_373, %div3A_352 : i32
      %multiple_of3A_375 = tpu.assume_multiple %select_n3A_374, 8 : i32
      %dma_wait3A_376 = arith.constant 0 : i32
      %dma_wait3A_377 = tpu.memref_slice %arg25[%dma_wait3A_376] : memref<48xi32, #tpu.memory_space<vmem>> -> memref<40xi32, #tpu.memory_space<vmem>>
      %dma_wait3A_378 = tpu.memref_slice %arg8[%multiple_of3A_375] : memref<160000xi32, #tpu.memory_space<hbm>> -> memref<40xi32, #tpu.memory_space<hbm>>
      %dma_wait3A_379 = tpu.memref_slice %arg8[%multiple_of3A_375] : memref<160000xi32, #tpu.memory_space<hbm>> -> memref<40xi32, #tpu.memory_space<hbm>>
      %dma_wait3A_380 = arith.constant 0 : i32
      %dma_wait3A_381 = tpu.memref_slice %arg25[%dma_wait3A_380] : memref<48xi32, #tpu.memory_space<vmem>> -> memref<40xi32, #tpu.memory_space<vmem>>
      tpu.wait_dma2 semaphore(%arg49 : memref<!tpu.dma_semaphore, #tpu.memory_space<semaphore_mem>>) src(%dma_wait3A_381 : memref<40xi32, #tpu.memory_space<vmem>>) dst(%dma_wait3A_379 : memref<40xi32, #tpu.memory_space<hbm>>)
      %dma_wait3A_382 = arith.constant 0 : i32
      %dma_wait3A_383 = tpu.memref_slice %arg29[%dma_wait3A_382] : memref<48xi32, #tpu.memory_space<vmem>> -> memref<40xi32, #tpu.memory_space<vmem>>
      %dma_wait3A_384 = tpu.memref_slice %arg9[%multiple_of3A_375] : memref<160000xi32, #tpu.memory_space<hbm>> -> memref<40xi32, #tpu.memory_space<hbm>>
      %dma_wait3A_385 = tpu.memref_slice %arg9[%multiple_of3A_375] : memref<160000xi32, #tpu.memory_space<hbm>> -> memref<40xi32, #tpu.memory_space<hbm>>
      %dma_wait3A_386 = arith.constant 0 : i32
      %dma_wait3A_387 = tpu.memref_slice %arg29[%dma_wait3A_386] : memref<48xi32, #tpu.memory_space<vmem>> -> memref<40xi32, #tpu.memory_space<vmem>>
      tpu.wait_dma2 semaphore(%arg53 : memref<!tpu.dma_semaphore, #tpu.memory_space<semaphore_mem>>) src(%dma_wait3A_387 : memref<40xi32, #tpu.memory_space<vmem>>) dst(%dma_wait3A_385 : memref<40xi32, #tpu.memory_space<hbm>>)
    } else {
    }
    %lt3A_27 = arith.constant 1 : i32
    %lt3A_28 = arith.constant 125 : i32
    %lt3A_29 = arith.cmpi slt, %lt3A_27, %lt3A_28 : i32
    %convert_element_type3A_30 = arith.extui %lt3A_29 : i1 to i32
    %cond3A_31 = arith.constant 1 : i32
    %cond3A_32 = arith.constant 0 : i32
    %cond3A_33 = arith.cmpi ne, %convert_element_type3A_30, %cond3A_32 : i32
    scf.if %cond3A_33 {
      %mul3A_313 = arith.constant 80 : i32
      %mul3A_314 = arith.muli %cond3A_31, %mul3A_313 : i32
      %multiple_of3A_315 = tpu.assume_multiple %mul3A_314, 8 : i32
      %dma_start3A = tpu.memref_slice %arg10[%multiple_of3A_315] : memref<10000xi32, #tpu.memory_space<vmem>> -> memref<80xi32, #tpu.memory_space<vmem>>
      %dma_start3A_316 = arith.constant 0 : i32
      %dma_start3A_317 = arith.constant 0 : i32
      %dma_start3A_318 = tpu.memref_slice %arg5[%dma_start3A_316, %dma_start3A_317] : memref<10000x64xf32, #tpu.memory_space<hbm>> -> memref<10000x64xf32, #tpu.memory_space<hbm>>
      tpu.enqueue_indirect_dma source(%dma_start3A_318 : memref<10000x64xf32, #tpu.memory_space<hbm>>) target(%arg13 : memref<80x64xf32, #tpu.memory_space<vmem>>) offsets(%dma_start3A : memref<80xi32, #tpu.memory_space<vmem>>) semaphore(%arg33 : memref<!tpu.dma_semaphore, #tpu.memory_space<semaphore_mem>>)
      %mul3A_319 = arith.constant 80 : i32
      %mul3A_320 = arith.muli %cond3A_31, %mul3A_319 : i32
      %multiple_of3A_321 = tpu.assume_multiple %mul3A_320, 8 : i32
      %dma_start3A_322 = arith.constant 0 : i32
      %dma_start3A_323 = tpu.memref_slice %arg21[%dma_start3A_322] : memref<96xi32, #tpu.memory_space<vmem>> -> memref<80xi32, #tpu.memory_space<vmem>>
      %dma_start3A_324 = tpu.memref_slice %arg10[%multiple_of3A_321] : memref<10000xi32, #tpu.memory_space<vmem>> -> memref<80xi32, #tpu.memory_space<vmem>>
      %dma_start3A_325 = arith.constant 0 : i32
      %dma_start3A_326 = tpu.memref_slice %arg4[%dma_start3A_325] : memref<10000xi32, #tpu.memory_space<hbm>> -> memref<10000xi32, #tpu.memory_space<hbm>>
      tpu.enqueue_indirect_dma source(%dma_start3A_326 : memref<10000xi32, #tpu.memory_space<hbm>>) target(%dma_start3A_323 : memref<80xi32, #tpu.memory_space<vmem>>) offsets(%dma_start3A_324 : memref<80xi32, #tpu.memory_space<vmem>>) semaphore(%arg41 : memref<!tpu.dma_semaphore, #tpu.memory_space<semaphore_mem>>)
    } else {
    }
    %lt3A_34 = arith.constant 0 : i32
    %lt3A_35 = arith.constant 125 : i32
    %lt3A_36 = arith.cmpi slt, %lt3A_34, %lt3A_35 : i32
    %convert_element_type3A_37 = arith.extui %lt3A_36 : i1 to i32
    %cond3A_38 = arith.constant 0 : i32
    %cond3A_39 = arith.constant 0 : i32
    %cond3A_40 = arith.cmpi ne, %convert_element_type3A_37, %cond3A_39 : i32
    scf.if %cond3A_40 {
      %mul3A_313 = arith.constant 80 : i32
      %mul3A_314 = arith.muli %cond3A_38, %mul3A_313 : i32
      %multiple_of3A_315 = tpu.assume_multiple %mul3A_314, 8 : i32
      %dma_wait3A_316 = tpu.memref_slice %arg10[%multiple_of3A_315] : memref<10000xi32, #tpu.memory_space<vmem>> -> memref<80xi32, #tpu.memory_space<vmem>>
      %dma_wait3A_317 = arith.constant 0 : i32
      %dma_wait3A_318 = arith.constant 0 : i32
      %dma_wait3A_319 = tpu.memref_slice %arg5[%dma_wait3A_317, %dma_wait3A_318] : memref<10000x64xf32, #tpu.memory_space<hbm>> -> memref<10000x64xf32, #tpu.memory_space<hbm>>
      tpu.wait_indirect_dma semaphore(%arg32 : memref<!tpu.dma_semaphore, #tpu.memory_space<semaphore_mem>>) src(%dma_wait3A_319 : memref<10000x64xf32, #tpu.memory_space<hbm>>) dst(%arg12 : memref<80x64xf32, #tpu.memory_space<vmem>>)
      %mul3A_320 = arith.constant 80 : i32
      %mul3A_321 = arith.muli %cond3A_38, %mul3A_320 : i32
      %multiple_of3A_322 = tpu.assume_multiple %mul3A_321, 8 : i32
      %dma_start3A = tpu.memref_slice %arg11[%multiple_of3A_322] : memref<10000xi32, #tpu.memory_space<vmem>> -> memref<80xi32, #tpu.memory_space<vmem>>
      %dma_start3A_323 = arith.constant 0 : i32
      %dma_start3A_324 = arith.constant 0 : i32
      %dma_start3A_325 = tpu.memref_slice %arg6[%dma_start3A_323, %dma_start3A_324] : memref<10000x64xf32, #tpu.memory_space<hbm>> -> memref<10000x64xf32, #tpu.memory_space<hbm>>
      tpu.enqueue_indirect_dma source(%dma_start3A_325 : memref<10000x64xf32, #tpu.memory_space<hbm>>) target(%arg12 : memref<80x64xf32, #tpu.memory_space<vmem>>) offsets(%dma_start3A : memref<80xi32, #tpu.memory_space<vmem>>) semaphore(%arg36 : memref<!tpu.dma_semaphore, #tpu.memory_space<semaphore_mem>>) {add = true}
    } else {
    }
    %scan3A = arith.constant 0 : i32
    %scan3A_41 = arith.constant 0 : i32
    %scan3A_42 = arith.constant 32 : i32
    %scan3A_43 = arith.addi %scan3A_41, %scan3A_42 : i32
    %scan3A_44 = arith.constant 1 : i32
    scf.for %scan3A_313 = %scan3A_41 to %scan3A_43 step %scan3A_44  : i32 {
      %mul3A_314 = arith.constant 4 : i32
      %mul3A_315 = arith.muli %scan3A_313, %mul3A_314 : i32
      %add3A_316 = arith.constant 0 : i32
      %add3A_317 = arith.addi %mul3A_315, %add3A_316 : i32
      %lt3A_318 = arith.constant 125 : i32
      %lt3A_319 = arith.cmpi slt, %add3A_317, %lt3A_318 : i32
      %convert_element_type3A_320 = arith.extui %lt3A_319 : i1 to i32
      %cond3A_321 = arith.constant 0 : i32
      %cond3A_322 = arith.cmpi ne, %convert_element_type3A_320, %cond3A_321 : i32
      scf.if %cond3A_322 {
        %mul3A_432 = arith.constant 80 : i32
        %mul3A_433 = arith.muli %add3A_317, %mul3A_432 : i32
        %multiple_of3A_434 = tpu.assume_multiple %mul3A_433, 8 : i32
        %dma_wait3A_435 = tpu.memref_slice %arg11[%multiple_of3A_434] : memref<10000xi32, #tpu.memory_space<vmem>> -> memref<80xi32, #tpu.memory_space<vmem>>
        %dma_wait3A_436 = arith.constant 0 : i32
        %dma_wait3A_437 = arith.constant 0 : i32
        %dma_wait3A_438 = tpu.memref_slice %arg6[%dma_wait3A_436, %dma_wait3A_437] : memref<10000x64xf32, #tpu.memory_space<hbm>> -> memref<10000x64xf32, #tpu.memory_space<hbm>>
        tpu.wait_indirect_dma semaphore(%arg36 : memref<!tpu.dma_semaphore, #tpu.memory_space<semaphore_mem>>) src(%dma_wait3A_438 : memref<10000x64xf32, #tpu.memory_space<hbm>>) dst(%arg12 : memref<80x64xf32, #tpu.memory_space<vmem>>)
        %mul3A_439 = arith.constant 80 : i32
        %mul3A_440 = arith.muli %add3A_317, %mul3A_439 : i32
        %multiple_of3A_441 = tpu.assume_multiple %mul3A_440, 8 : i32
        %dma_wait3A_442 = arith.constant 0 : i32
        %dma_wait3A_443 = tpu.memref_slice %arg20[%dma_wait3A_442] : memref<96xi32, #tpu.memory_space<vmem>> -> memref<80xi32, #tpu.memory_space<vmem>>
        %dma_wait3A_444 = tpu.memref_slice %arg10[%multiple_of3A_441] : memref<10000xi32, #tpu.memory_space<vmem>> -> memref<80xi32, #tpu.memory_space<vmem>>
        %dma_wait3A_445 = arith.constant 0 : i32
        %dma_wait3A_446 = tpu.memref_slice %arg4[%dma_wait3A_445] : memref<10000xi32, #tpu.memory_space<hbm>> -> memref<10000xi32, #tpu.memory_space<hbm>>
        tpu.wait_indirect_dma semaphore(%arg40 : memref<!tpu.dma_semaphore, #tpu.memory_space<semaphore_mem>>) src(%dma_wait3A_446 : memref<10000xi32, #tpu.memory_space<hbm>>) dst(%dma_wait3A_443 : memref<80xi32, #tpu.memory_space<vmem>>)
        %iota3A = tpu.iota {dimensions = array<i32: 0>} : vector<16xi32>
        %mul3A_447 = arith.constant 2 : i32
        %mul3A_448 = vector.broadcast %mul3A_447 : i32 to vector<16xi32>
        %mul3A_449 = arith.muli %mul3A_448, %iota3A : vector<16xi32>
        %add3A_450 = arith.constant 0 : i32
        %add3A_451 = vector.broadcast %add3A_450 : i32 to vector<16xi32>
        %add3A_452 = arith.addi %add3A_451, %mul3A_449 : vector<16xi32>
        %gather3A = tpu.vector_load_idx %arg20[%add3A_452] : memref<96xi32, #tpu.memory_space<vmem>>[vector<16xi32>], vector<16xi32>,
        %swap3A = arith.constant 0 : index
        %swap3A_453 = tpu.vector_load %arg24[%swap3A] {strides = array<i32>} : memref<48xi32, #tpu.memory_space<vmem>>, vector<16xi32>,
        tpu.vector_store %arg24[%swap3A], %gather3A {strides = array<i32>} : memref<48xi32, #tpu.memory_space<vmem>>, vector<16xi32>,
        %add3A_454 = arith.constant 1 : i32
        %add3A_455 = vector.broadcast %add3A_454 : i32 to vector<16xi32>
        %add3A_456 = arith.addi %add3A_452, %add3A_455 : vector<16xi32>
        %gather3A_457 = tpu.vector_load_idx %arg20[%add3A_456] : memref<96xi32, #tpu.memory_space<vmem>>[vector<16xi32>], vector<16xi32>,
        %swap3A_458 = arith.constant 0 : index
        %swap3A_459 = tpu.vector_load %arg28[%swap3A_458] {strides = array<i32>} : memref<48xi32, #tpu.memory_space<vmem>>, vector<16xi32>,
        tpu.vector_store %arg28[%swap3A_458], %gather3A_457 {strides = array<i32>} : memref<48xi32, #tpu.memory_space<vmem>>, vector<16xi32>,
        %mul3A_460 = arith.constant 2 : i32
        %mul3A_461 = vector.broadcast %mul3A_460 : i32 to vector<16xi32>
        %mul3A_462 = arith.muli %mul3A_461, %iota3A : vector<16xi32>
        %add3A_463 = arith.constant 32 : i32
        %add3A_464 = vector.broadcast %add3A_463 : i32 to vector<16xi32>
        %add3A_465 = arith.addi %add3A_464, %mul3A_462 : vector<16xi32>
        %gather3A_466 = tpu.vector_load_idx %arg20[%add3A_465] : memref<96xi32, #tpu.memory_space<vmem>>[vector<16xi32>], vector<16xi32>,
        %swap3A_467 = arith.constant 16 : index
        %swap3A_468 = tpu.vector_load %arg24[%swap3A_467] {strides = array<i32>} : memref<48xi32, #tpu.memory_space<vmem>>, vector<16xi32>,
        tpu.vector_store %arg24[%swap3A_467], %gather3A_466 {strides = array<i32>} : memref<48xi32, #tpu.memory_space<vmem>>, vector<16xi32>,
        %add3A_469 = arith.constant 1 : i32
        %add3A_470 = vector.broadcast %add3A_469 : i32 to vector<16xi32>
        %add3A_471 = arith.addi %add3A_465, %add3A_470 : vector<16xi32>
        %gather3A_472 = tpu.vector_load_idx %arg20[%add3A_471] : memref<96xi32, #tpu.memory_space<vmem>>[vector<16xi32>], vector<16xi32>,
        %swap3A_473 = arith.constant 16 : index
        %swap3A_474 = tpu.vector_load %arg28[%swap3A_473] {strides = array<i32>} : memref<48xi32, #tpu.memory_space<vmem>>, vector<16xi32>,
        tpu.vector_store %arg28[%swap3A_473], %gather3A_472 {strides = array<i32>} : memref<48xi32, #tpu.memory_space<vmem>>, vector<16xi32>,
        %mul3A_475 = arith.constant 2 : i32
        %mul3A_476 = vector.broadcast %mul3A_475 : i32 to vector<16xi32>
        %mul3A_477 = arith.muli %mul3A_476, %iota3A : vector<16xi32>
        %add3A_478 = arith.constant 64 : i32
        %add3A_479 = vector.broadcast %add3A_478 : i32 to vector<16xi32>
        %add3A_480 = arith.addi %add3A_479, %mul3A_477 : vector<16xi32>
        %gather3A_481 = tpu.vector_load_idx %arg20[%add3A_480] : memref<96xi32, #tpu.memory_space<vmem>>[vector<16xi32>], vector<16xi32>,
        %swap3A_482 = arith.constant 32 : index
        %swap3A_483 = tpu.vector_load %arg24[%swap3A_482] {strides = array<i32>} : memref<48xi32, #tpu.memory_space<vmem>>, vector<16xi32>,
        tpu.vector_store %arg24[%swap3A_482], %gather3A_481 {strides = array<i32>} : memref<48xi32, #tpu.memory_space<vmem>>, vector<16xi32>,
        %add3A_484 = arith.constant 1 : i32
        %add3A_485 = vector.broadcast %add3A_484 : i32 to vector<16xi32>
        %add3A_486 = arith.addi %add3A_480, %add3A_485 : vector<16xi32>
        %gather3A_487 = tpu.vector_load_idx %arg20[%add3A_486] : memref<96xi32, #tpu.memory_space<vmem>>[vector<16xi32>], vector<16xi32>,
        %swap3A_488 = arith.constant 32 : index
        %swap3A_489 = tpu.vector_load %arg28[%swap3A_488] {strides = array<i32>} : memref<48xi32, #tpu.memory_space<vmem>>, vector<16xi32>,
        tpu.vector_store %arg28[%swap3A_488], %gather3A_487 {strides = array<i32>} : memref<48xi32, #tpu.memory_space<vmem>>, vector<16xi32>,
        %parallel_loop3A = arith.constant 0 : i32
        %parallel_loop3A_490 = arith.constant 40 : i32
        %parallel_loop3A_491 = arith.constant 1 : i32
        scf.for %parallel_loop3A_562 = %parallel_loop3A to %parallel_loop3A_490 step %parallel_loop3A_491  : i32 {
          %parallel_loop3A_563 = arith.constant 2 : i32
          %parallel_loop3A_564 = arith.muli %parallel_loop3A_563, %parallel_loop3A_562 : i32
          %parallel_loop3A_565 = arith.index_cast %parallel_loop3A_564 : i32 to index
          %parallel_loop3A_566 = arith.constant 0 : index
          %parallel_loop3A_567 = tpu.vector_load %arg12[%parallel_loop3A_565, %parallel_loop3A_566] {strides = array<i32>} : memref<80x64xf32, #tpu.memory_space<vmem>>, vector<16xf32>,
          %parallel_loop3A_568 = arith.index_cast %parallel_loop3A_562 : i32 to index
          %parallel_loop3A_569 = arith.constant 0 : index
          %parallel_loop3A_570 = tpu.vector_load %arg16[%parallel_loop3A_568, %parallel_loop3A_569] {strides = array<i32>} : memref<40x128xf32, #tpu.memory_space<vmem>>, vector<16xf32>,
          tpu.vector_store %arg16[%parallel_loop3A_568, %parallel_loop3A_569], %parallel_loop3A_567 {strides = array<i32>} : memref<40x128xf32, #tpu.memory_space<vmem>>, vector<16xf32>,
          %parallel_loop3A_571 = arith.constant 2 : i32
          %parallel_loop3A_572 = arith.muli %parallel_loop3A_571, %parallel_loop3A_562 : i32
          %parallel_loop3A_573 = arith.index_cast %parallel_loop3A_572 : i32 to index
          %parallel_loop3A_574 = arith.constant 16 : index
          %parallel_loop3A_575 = tpu.vector_load %arg12[%parallel_loop3A_573, %parallel_loop3A_574] {strides = array<i32>} : memref<80x64xf32, #tpu.memory_space<vmem>>, vector<16xf32>,
          %parallel_loop3A_576 = arith.index_cast %parallel_loop3A_562 : i32 to index
          %parallel_loop3A_577 = arith.constant 16 : index
          %parallel_loop3A_578 = tpu.vector_load %arg16[%parallel_loop3A_576, %parallel_loop3A_577] {strides = array<i32>} : memref<40x128xf32, #tpu.memory_space<vmem>>, vector<16xf32>,
          tpu.vector_store %arg16[%parallel_loop3A_576, %parallel_loop3A_577], %parallel_loop3A_575 {strides = array<i32>} : memref<40x128xf32, #tpu.memory_space<vmem>>, vector<16xf32>,
          %parallel_loop3A_579 = arith.constant 2 : i32
          %parallel_loop3A_580 = arith.muli %parallel_loop3A_579, %parallel_loop3A_562 : i32
          %parallel_loop3A_581 = arith.index_cast %parallel_loop3A_580 : i32 to index
          %parallel_loop3A_582 = arith.constant 32 : index
          %parallel_loop3A_583 = tpu.vector_load %arg12[%parallel_loop3A_581, %parallel_loop3A_582] {strides = array<i32>} : memref<80x64xf32, #tpu.memory_space<vmem>>, vector<16xf32>,
          %parallel_loop3A_584 = arith.index_cast %parallel_loop3A_562 : i32 to index
          %parallel_loop3A_585 = arith.constant 32 : index
          %parallel_loop3A_586 = tpu.vector_load %arg16[%parallel_loop3A_584, %parallel_loop3A_585] {strides = array<i32>} : memref<40x128xf32, #tpu.memory_space<vmem>>, vector<16xf32>,
          tpu.vector_store %arg16[%parallel_loop3A_584, %parallel_loop3A_585], %parallel_loop3A_583 {strides = array<i32>} : memref<40x128xf32, #tpu.memory_space<vmem>>, vector<16xf32>,
          %parallel_loop3A_587 = arith.constant 2 : i32
          %parallel_loop3A_588 = arith.muli %parallel_loop3A_587, %parallel_loop3A_562 : i32
          %parallel_loop3A_589 = arith.index_cast %parallel_loop3A_588 : i32 to index
          %parallel_loop3A_590 = arith.constant 48 : index
          %parallel_loop3A_591 = tpu.vector_load %arg12[%parallel_loop3A_589, %parallel_loop3A_590] {strides = array<i32>} : memref<80x64xf32, #tpu.memory_space<vmem>>, vector<16xf32>,
          %parallel_loop3A_592 = arith.index_cast %parallel_loop3A_562 : i32 to index
          %parallel_loop3A_593 = arith.constant 48 : index
          %parallel_loop3A_594 = tpu.vector_load %arg16[%parallel_loop3A_592, %parallel_loop3A_593] {strides = array<i32>} : memref<40x128xf32, #tpu.memory_space<vmem>>, vector<16xf32>,
          tpu.vector_store %arg16[%parallel_loop3A_592, %parallel_loop3A_593], %parallel_loop3A_591 {strides = array<i32>} : memref<40x128xf32, #tpu.memory_space<vmem>>, vector<16xf32>,
          %parallel_loop3A_595 = arith.constant 2 : i32
          %parallel_loop3A_596 = arith.muli %parallel_loop3A_595, %parallel_loop3A_562 : i32
          %parallel_loop3A_597 = arith.constant 1 : i32
          %parallel_loop3A_598 = arith.addi %parallel_loop3A_596, %parallel_loop3A_597 : i32
          %parallel_loop3A_599 = arith.index_cast %parallel_loop3A_598 : i32 to index
          %parallel_loop3A_600 = arith.constant 0 : index
          %parallel_loop3A_601 = tpu.vector_load %arg12[%parallel_loop3A_599, %parallel_loop3A_600] {strides = array<i32>} : memref<80x64xf32, #tpu.memory_space<vmem>>, vector<16xf32>,
          %parallel_loop3A_602 = arith.index_cast %parallel_loop3A_562 : i32 to index
          %parallel_loop3A_603 = arith.constant 64 : index
          %parallel_loop3A_604 = tpu.vector_load %arg16[%parallel_loop3A_602, %parallel_loop3A_603] {strides = array<i32>} : memref<40x128xf32, #tpu.memory_space<vmem>>, vector<16xf32>,
          tpu.vector_store %arg16[%parallel_loop3A_602, %parallel_loop3A_603], %parallel_loop3A_601 {strides = array<i32>} : memref<40x128xf32, #tpu.memory_space<vmem>>, vector<16xf32>,
          %parallel_loop3A_605 = arith.constant 2 : i32
          %parallel_loop3A_606 = arith.muli %parallel_loop3A_605, %parallel_loop3A_562 : i32
          %parallel_loop3A_607 = arith.constant 1 : i32
          %parallel_loop3A_608 = arith.addi %parallel_loop3A_606, %parallel_loop3A_607 : i32
          %parallel_loop3A_609 = arith.index_cast %parallel_loop3A_608 : i32 to index
          %parallel_loop3A_610 = arith.constant 16 : index
          %parallel_loop3A_611 = tpu.vector_load %arg12[%parallel_loop3A_609, %parallel_loop3A_610] {strides = array<i32>} : memref<80x64xf32, #tpu.memory_space<vmem>>, vector<16xf32>,
          %parallel_loop3A_612 = arith.index_cast %parallel_loop3A_562 : i32 to index
          %parallel_loop3A_613 = arith.constant 80 : index
          %parallel_loop3A_614 = tpu.vector_load %arg16[%parallel_loop3A_612, %parallel_loop3A_613] {strides = array<i32>} : memref<40x128xf32, #tpu.memory_space<vmem>>, vector<16xf32>,
          tpu.vector_store %arg16[%parallel_loop3A_612, %parallel_loop3A_613], %parallel_loop3A_611 {strides = array<i32>} : memref<40x128xf32, #tpu.memory_space<vmem>>, vector<16xf32>,
          %parallel_loop3A_615 = arith.constant 2 : i32
          %parallel_loop3A_616 = arith.muli %parallel_loop3A_615, %parallel_loop3A_562 : i32
          %parallel_loop3A_617 = arith.constant 1 : i32
          %parallel_loop3A_618 = arith.addi %parallel_loop3A_616, %parallel_loop3A_617 : i32
          %parallel_loop3A_619 = arith.index_cast %parallel_loop3A_618 : i32 to index
          %parallel_loop3A_620 = arith.constant 32 : index
          %parallel_loop3A_621 = tpu.vector_load %arg12[%parallel_loop3A_619, %parallel_loop3A_620] {strides = array<i32>} : memref<80x64xf32, #tpu.memory_space<vmem>>, vector<16xf32>,
          %parallel_loop3A_622 = arith.index_cast %parallel_loop3A_562 : i32 to index
          %parallel_loop3A_623 = arith.constant 96 : index
          %parallel_loop3A_624 = tpu.vector_load %arg16[%parallel_loop3A_622, %parallel_loop3A_623] {strides = array<i32>} : memref<40x128xf32, #tpu.memory_space<vmem>>, vector<16xf32>,
          tpu.vector_store %arg16[%parallel_loop3A_622, %parallel_loop3A_623], %parallel_loop3A_621 {strides = array<i32>} : memref<40x128xf32, #tpu.memory_space<vmem>>, vector<16xf32>,
          %parallel_loop3A_625 = arith.constant 2 : i32
          %parallel_loop3A_626 = arith.muli %parallel_loop3A_625, %parallel_loop3A_562 : i32
          %parallel_loop3A_627 = arith.constant 1 : i32
          %parallel_loop3A_628 = arith.addi %parallel_loop3A_626, %parallel_loop3A_627 : i32
          %parallel_loop3A_629 = arith.index_cast %parallel_loop3A_628 : i32 to index
          %parallel_loop3A_630 = arith.constant 48 : index
          %parallel_loop3A_631 = tpu.vector_load %arg12[%parallel_loop3A_629, %parallel_loop3A_630] {strides = array<i32>} : memref<80x64xf32, #tpu.memory_space<vmem>>, vector<16xf32>,
          %parallel_loop3A_632 = arith.index_cast %parallel_loop3A_562 : i32 to index
          %parallel_loop3A_633 = arith.constant 112 : index
          %parallel_loop3A_634 = tpu.vector_load %arg16[%parallel_loop3A_632, %parallel_loop3A_633] {strides = array<i32>} : memref<40x128xf32, #tpu.memory_space<vmem>>, vector<16xf32>,
          tpu.vector_store %arg16[%parallel_loop3A_632, %parallel_loop3A_633], %parallel_loop3A_631 {strides = array<i32>} : memref<40x128xf32, #tpu.memory_space<vmem>>, vector<16xf32>,
        } {sc.loop_unroll_factor = 4 : i64, sc.parallel_access}
        %mul3A_492 = arith.constant 80 : i32
        %mul3A_493 = arith.muli %add3A_317, %mul3A_492 : i32
        %add3A_494 = arith.addi %mul3A_2, %mul3A_493 : i32
        %jit3A_495 = arith.constant 2 : i32
        %div3A_496 = arith.divsi %add3A_494, %jit3A_495 : i32
        %sign3A_497 = arith.constant 0 : i32
        %sign3A_498 = arith.cmpi sgt, %add3A_494, %sign3A_497 : i32
        %sign3A_499 = arith.extui %sign3A_498 : i1 to i32
        %sign3A_500 = arith.constant 0 : i32
        %sign3A_501 = arith.cmpi slt, %add3A_494, %sign3A_500 : i32
        %sign3A_502 = arith.extui %sign3A_501 : i1 to i32
        %sign3A_503 = arith.subi %sign3A_499, %sign3A_502 : i32
        %sign3A_504 = arith.constant 0 : i32
        %sign3A_505 = arith.cmpi sgt, %jit3A_495, %sign3A_504 : i32
        %sign3A_506 = arith.extui %sign3A_505 : i1 to i32
        %sign3A_507 = arith.constant 0 : i32
        %sign3A_508 = arith.cmpi slt, %jit3A_495, %sign3A_507 : i32
        %sign3A_509 = arith.extui %sign3A_508 : i1 to i32
        %sign3A_510 = arith.subi %sign3A_506, %sign3A_509 : i32
        %ne3A_511 = arith.cmpi ne, %sign3A_503, %sign3A_510 : i32
        %rem3A_512 = arith.remsi %add3A_494, %jit3A_495 : i32
        %ne3A_513 = arith.constant 0 : i32
        %ne3A_514 = arith.cmpi ne, %rem3A_512, %ne3A_513 : i32
        %and3A_515 = arith.andi %ne3A_511, %ne3A_514 : i1
        %sub3A_516 = arith.constant 1 : i32
        %sub3A_517 = arith.subi %div3A_496, %sub3A_516 : i32
        %select_n3A_518 = arith.select %and3A_515, %sub3A_517, %div3A_496 : i32
        %dma_start3A = arith.constant 0 : i32
        %dma_start3A_519 = tpu.memref_slice %arg7[%select_n3A_518, %dma_start3A] : memref<160000x128xf32, #tpu.memory_space<hbm>> -> memref<40x128xf32, #tpu.memory_space<hbm>>
        %dma_start3A_520 = arith.constant 0 : i32
        %dma_start3A_521 = tpu.memref_slice %arg7[%select_n3A_518, %dma_start3A_520] : memref<160000x128xf32, #tpu.memory_space<hbm>> -> memref<40x128xf32, #tpu.memory_space<hbm>>
        tpu.enqueue_dma source(%arg16 : memref<40x128xf32, #tpu.memory_space<vmem>>) target(%dma_start3A_521 : memref<40x128xf32, #tpu.memory_space<hbm>>) target_semaphore(%arg44 : memref<!tpu.dma_semaphore, #tpu.memory_space<semaphore_mem>>)
        %mul3A_522 = arith.constant 80 : i32
        %mul3A_523 = arith.muli %add3A_317, %mul3A_522 : i32
        %add3A_524 = arith.addi %mul3A_2, %mul3A_523 : i32
        %jit3A_525 = arith.constant 2 : i32
        %div3A_526 = arith.divsi %add3A_524, %jit3A_525 : i32
        %sign3A_527 = arith.constant 0 : i32
        %sign3A_528 = arith.cmpi sgt, %add3A_524, %sign3A_527 : i32
        %sign3A_529 = arith.extui %sign3A_528 : i1 to i32
        %sign3A_530 = arith.constant 0 : i32
        %sign3A_531 = arith.cmpi slt, %add3A_524, %sign3A_530 : i32
        %sign3A_532 = arith.extui %sign3A_531 : i1 to i32
        %sign3A_533 = arith.subi %sign3A_529, %sign3A_532 : i32
        %sign3A_534 = arith.constant 0 : i32
        %sign3A_535 = arith.cmpi sgt, %jit3A_525, %sign3A_534 : i32
        %sign3A_536 = arith.extui %sign3A_535 : i1 to i32
        %sign3A_537 = arith.constant 0 : i32
        %sign3A_538 = arith.cmpi slt, %jit3A_525, %sign3A_537 : i32
        %sign3A_539 = arith.extui %sign3A_538 : i1 to i32
        %sign3A_540 = arith.subi %sign3A_536, %sign3A_539 : i32
        %ne3A_541 = arith.cmpi ne, %sign3A_533, %sign3A_540 : i32
        %rem3A_542 = arith.remsi %add3A_524, %jit3A_525 : i32
        %ne3A_543 = arith.constant 0 : i32
        %ne3A_544 = arith.cmpi ne, %rem3A_542, %ne3A_543 : i32
        %and3A_545 = arith.andi %ne3A_541, %ne3A_544 : i1
        %sub3A_546 = arith.constant 1 : i32
        %sub3A_547 = arith.subi %div3A_526, %sub3A_546 : i32
        %select_n3A_548 = arith.select %and3A_545, %sub3A_547, %div3A_526 : i32
        %multiple_of3A_549 = tpu.assume_multiple %select_n3A_548, 8 : i32
        %dma_start3A_550 = arith.constant 0 : i32
        %dma_start3A_551 = tpu.memref_slice %arg24[%dma_start3A_550] : memref<48xi32, #tpu.memory_space<vmem>> -> memref<40xi32, #tpu.memory_space<vmem>>
        %dma_start3A_552 = tpu.memref_slice %arg8[%multiple_of3A_549] : memref<160000xi32, #tpu.memory_space<hbm>> -> memref<40xi32, #tpu.memory_space<hbm>>
        %dma_start3A_553 = tpu.memref_slice %arg8[%multiple_of3A_549] : memref<160000xi32, #tpu.memory_space<hbm>> -> memref<40xi32, #tpu.memory_space<hbm>>
        %dma_start3A_554 = arith.constant 0 : i32
        %dma_start3A_555 = tpu.memref_slice %arg24[%dma_start3A_554] : memref<48xi32, #tpu.memory_space<vmem>> -> memref<40xi32, #tpu.memory_space<vmem>>
        tpu.enqueue_dma source(%dma_start3A_555 : memref<40xi32, #tpu.memory_space<vmem>>) target(%dma_start3A_553 : memref<40xi32, #tpu.memory_space<hbm>>) target_semaphore(%arg48 : memref<!tpu.dma_semaphore, #tpu.memory_space<semaphore_mem>>)
        %dma_start3A_556 = arith.constant 0 : i32
        %dma_start3A_557 = tpu.memref_slice %arg28[%dma_start3A_556] : memref<48xi32, #tpu.memory_space<vmem>> -> memref<40xi32, #tpu.memory_space<vmem>>
        %dma_start3A_558 = tpu.memref_slice %arg9[%multiple_of3A_549] : memref<160000xi32, #tpu.memory_space<hbm>> -> memref<40xi32, #tpu.memory_space<hbm>>
        %dma_start3A_559 = tpu.memref_slice %arg9[%multiple_of3A_549] : memref<160000xi32, #tpu.memory_space<hbm>> -> memref<40xi32, #tpu.memory_space<hbm>>
        %dma_start3A_560 = arith.constant 0 : i32
        %dma_start3A_561 = tpu.memref_slice %arg28[%dma_start3A_560] : memref<48xi32, #tpu.memory_space<vmem>> -> memref<40xi32, #tpu.memory_space<vmem>>
        tpu.enqueue_dma source(%dma_start3A_561 : memref<40xi32, #tpu.memory_space<vmem>>) target(%dma_start3A_559 : memref<40xi32, #tpu.memory_space<hbm>>) target_semaphore(%arg52 : memref<!tpu.dma_semaphore, #tpu.memory_space<semaphore_mem>>)
      } else {
      }
      %add3A_323 = arith.constant 1 : i32
      %add3A_324 = arith.addi %add3A_317, %add3A_323 : i32
      %lt3A_325 = arith.constant 125 : i32
      %lt3A_326 = arith.cmpi slt, %add3A_324, %lt3A_325 : i32
      %convert_element_type3A_327 = arith.extui %lt3A_326 : i1 to i32
      %cond3A_328 = arith.constant 0 : i32
      %cond3A_329 = arith.cmpi ne, %convert_element_type3A_327, %cond3A_328 : i32
      scf.if %cond3A_329 {
        %mul3A_432 = arith.constant 80 : i32
        %mul3A_433 = arith.muli %add3A_324, %mul3A_432 : i32
        %multiple_of3A_434 = tpu.assume_multiple %mul3A_433, 8 : i32
        %dma_wait3A_435 = tpu.memref_slice %arg10[%multiple_of3A_434] : memref<10000xi32, #tpu.memory_space<vmem>> -> memref<80xi32, #tpu.memory_space<vmem>>
        %dma_wait3A_436 = arith.constant 0 : i32
        %dma_wait3A_437 = arith.constant 0 : i32
        %dma_wait3A_438 = tpu.memref_slice %arg5[%dma_wait3A_436, %dma_wait3A_437] : memref<10000x64xf32, #tpu.memory_space<hbm>> -> memref<10000x64xf32, #tpu.memory_space<hbm>>
        tpu.wait_indirect_dma semaphore(%arg33 : memref<!tpu.dma_semaphore, #tpu.memory_space<semaphore_mem>>) src(%dma_wait3A_438 : memref<10000x64xf32, #tpu.memory_space<hbm>>) dst(%arg13 : memref<80x64xf32, #tpu.memory_space<vmem>>)
        %mul3A_439 = arith.constant 80 : i32
        %mul3A_440 = arith.muli %add3A_324, %mul3A_439 : i32
        %multiple_of3A_441 = tpu.assume_multiple %mul3A_440, 8 : i32
        %dma_start3A = tpu.memref_slice %arg11[%multiple_of3A_441] : memref<10000xi32, #tpu.memory_space<vmem>> -> memref<80xi32, #tpu.memory_space<vmem>>
        %dma_start3A_442 = arith.constant 0 : i32
        %dma_start3A_443 = arith.constant 0 : i32
        %dma_start3A_444 = tpu.memref_slice %arg6[%dma_start3A_442, %dma_start3A_443] : memref<10000x64xf32, #tpu.memory_space<hbm>> -> memref<10000x64xf32, #tpu.memory_space<hbm>>
        tpu.enqueue_indirect_dma source(%dma_start3A_444 : memref<10000x64xf32, #tpu.memory_space<hbm>>) target(%arg13 : memref<80x64xf32, #tpu.memory_space<vmem>>) offsets(%dma_start3A : memref<80xi32, #tpu.memory_space<vmem>>) semaphore(%arg37 : memref<!tpu.dma_semaphore, #tpu.memory_space<semaphore_mem>>) {add = true}
      } else {
      }
      %add3A_330 = arith.constant 2 : i32
      %add3A_331 = arith.addi %add3A_317, %add3A_330 : i32
      %lt3A_332 = arith.constant 125 : i32
      %lt3A_333 = arith.cmpi slt, %add3A_331, %lt3A_332 : i32
      %ge3A_334 = arith.constant 4 : i32
      %ge3A_335 = arith.cmpi sge, %add3A_331, %ge3A_334 : i32
      %and3A_336 = arith.andi %lt3A_333, %ge3A_335 : i1
      %convert_element_type3A_337 = arith.extui %and3A_336 : i1 to i32
      %cond3A_338 = arith.constant 0 : i32
      %cond3A_339 = arith.cmpi ne, %convert_element_type3A_337, %cond3A_338 : i32
      scf.if %cond3A_339 {
        %sub3A_432 = arith.constant 4 : i32
        %sub3A_433 = arith.subi %add3A_331, %sub3A_432 : i32
        %mul3A_434 = arith.constant 80 : i32
        %mul3A_435 = arith.muli %sub3A_433, %mul3A_434 : i32
        %add3A_436 = arith.addi %mul3A_2, %mul3A_435 : i32
        %jit3A_437 = arith.constant 2 : i32
        %div3A_438 = arith.divsi %add3A_436, %jit3A_437 : i32
        %sign3A_439 = arith.constant 0 : i32
        %sign3A_440 = arith.cmpi sgt, %add3A_436, %sign3A_439 : i32
        %sign3A_441 = arith.extui %sign3A_440 : i1 to i32
        %sign3A_442 = arith.constant 0 : i32
        %sign3A_443 = arith.cmpi slt, %add3A_436, %sign3A_442 : i32
        %sign3A_444 = arith.extui %sign3A_443 : i1 to i32
        %sign3A_445 = arith.subi %sign3A_441, %sign3A_444 : i32
        %sign3A_446 = arith.constant 0 : i32
        %sign3A_447 = arith.cmpi sgt, %jit3A_437, %sign3A_446 : i32
        %sign3A_448 = arith.extui %sign3A_447 : i1 to i32
        %sign3A_449 = arith.constant 0 : i32
        %sign3A_450 = arith.cmpi slt, %jit3A_437, %sign3A_449 : i32
        %sign3A_451 = arith.extui %sign3A_450 : i1 to i32
        %sign3A_452 = arith.subi %sign3A_448, %sign3A_451 : i32
        %ne3A_453 = arith.cmpi ne, %sign3A_445, %sign3A_452 : i32
        %rem3A_454 = arith.remsi %add3A_436, %jit3A_437 : i32
        %ne3A_455 = arith.constant 0 : i32
        %ne3A_456 = arith.cmpi ne, %rem3A_454, %ne3A_455 : i32
        %and3A_457 = arith.andi %ne3A_453, %ne3A_456 : i1
        %sub3A_458 = arith.constant 1 : i32
        %sub3A_459 = arith.subi %div3A_438, %sub3A_458 : i32
        %select_n3A_460 = arith.select %and3A_457, %sub3A_459, %div3A_438 : i32
        %dma_wait3A_461 = arith.constant 0 : i32
        %dma_wait3A_462 = tpu.memref_slice %arg7[%select_n3A_460, %dma_wait3A_461] : memref<160000x128xf32, #tpu.memory_space<hbm>> -> memref<40x128xf32, #tpu.memory_space<hbm>>
        %dma_wait3A_463 = arith.constant 0 : i32
        %dma_wait3A_464 = tpu.memref_slice %arg7[%select_n3A_460, %dma_wait3A_463] : memref<160000x128xf32, #tpu.memory_space<hbm>> -> memref<40x128xf32, #tpu.memory_space<hbm>>
        tpu.wait_dma2 semaphore(%arg46 : memref<!tpu.dma_semaphore, #tpu.memory_space<semaphore_mem>>) src(%arg18 : memref<40x128xf32, #tpu.memory_space<vmem>>) dst(%dma_wait3A_464 : memref<40x128xf32, #tpu.memory_space<hbm>>)
        %sub3A_465 = arith.constant 4 : i32
        %sub3A_466 = arith.subi %add3A_331, %sub3A_465 : i32
        %mul3A_467 = arith.constant 80 : i32
        %mul3A_468 = arith.muli %sub3A_466, %mul3A_467 : i32
        %add3A_469 = arith.addi %mul3A_2, %mul3A_468 : i32
        %jit3A_470 = arith.constant 2 : i32
        %div3A_471 = arith.divsi %add3A_469, %jit3A_470 : i32
        %sign3A_472 = arith.constant 0 : i32
        %sign3A_473 = arith.cmpi sgt, %add3A_469, %sign3A_472 : i32
        %sign3A_474 = arith.extui %sign3A_473 : i1 to i32
        %sign3A_475 = arith.constant 0 : i32
        %sign3A_476 = arith.cmpi slt, %add3A_469, %sign3A_475 : i32
        %sign3A_477 = arith.extui %sign3A_476 : i1 to i32
        %sign3A_478 = arith.subi %sign3A_474, %sign3A_477 : i32
        %sign3A_479 = arith.constant 0 : i32
        %sign3A_480 = arith.cmpi sgt, %jit3A_470, %sign3A_479 : i32
        %sign3A_481 = arith.extui %sign3A_480 : i1 to i32
        %sign3A_482 = arith.constant 0 : i32
        %sign3A_483 = arith.cmpi slt, %jit3A_470, %sign3A_482 : i32
        %sign3A_484 = arith.extui %sign3A_483 : i1 to i32
        %sign3A_485 = arith.subi %sign3A_481, %sign3A_484 : i32
        %ne3A_486 = arith.cmpi ne, %sign3A_478, %sign3A_485 : i32
        %rem3A_487 = arith.remsi %add3A_469, %jit3A_470 : i32
        %ne3A_488 = arith.constant 0 : i32
        %ne3A_489 = arith.cmpi ne, %rem3A_487, %ne3A_488 : i32
        %and3A_490 = arith.andi %ne3A_486, %ne3A_489 : i1
        %sub3A_491 = arith.constant 1 : i32
        %sub3A_492 = arith.subi %div3A_471, %sub3A_491 : i32
        %select_n3A_493 = arith.select %and3A_490, %sub3A_492, %div3A_471 : i32
        %multiple_of3A_494 = tpu.assume_multiple %select_n3A_493, 8 : i32
        %dma_wait3A_495 = arith.constant 0 : i32
        %dma_wait3A_496 = tpu.memref_slice %arg26[%dma_wait3A_495] : memref<48xi32, #tpu.memory_space<vmem>> -> memref<40xi32, #tpu.memory_space<vmem>>
        %dma_wait3A_497 = tpu.memref_slice %arg8[%multiple_of3A_494] : memref<160000xi32, #tpu.memory_space<hbm>> -> memref<40xi32, #tpu.memory_space<hbm>>
        %dma_wait3A_498 = tpu.memref_slice %arg8[%multiple_of3A_494] : memref<160000xi32, #tpu.memory_space<hbm>> -> memref<40xi32, #tpu.memory_space<hbm>>
        %dma_wait3A_499 = arith.constant 0 : i32
        %dma_wait3A_500 = tpu.memref_slice %arg26[%dma_wait3A_499] : memref<48xi32, #tpu.memory_space<vmem>> -> memref<40xi32, #tpu.memory_space<vmem>>
        tpu.wait_dma2 semaphore(%arg50 : memref<!tpu.dma_semaphore, #tpu.memory_space<semaphore_mem>>) src(%dma_wait3A_500 : memref<40xi32, #tpu.memory_space<vmem>>) dst(%dma_wait3A_498 : memref<40xi32, #tpu.memory_space<hbm>>)
        %dma_wait3A_501 = arith.constant 0 : i32
        %dma_wait3A_502 = tpu.memref_slice %arg30[%dma_wait3A_501] : memref<48xi32, #tpu.memory_space<vmem>> -> memref<40xi32, #tpu.memory_space<vmem>>
        %dma_wait3A_503 = tpu.memref_slice %arg9[%multiple_of3A_494] : memref<160000xi32, #tpu.memory_space<hbm>> -> memref<40xi32, #tpu.memory_space<hbm>>
        %dma_wait3A_504 = tpu.memref_slice %arg9[%multiple_of3A_494] : memref<160000xi32, #tpu.memory_space<hbm>> -> memref<40xi32, #tpu.memory_space<hbm>>
        %dma_wait3A_505 = arith.constant 0 : i32
        %dma_wait3A_506 = tpu.memref_slice %arg30[%dma_wait3A_505] : memref<48xi32, #tpu.memory_space<vmem>> -> memref<40xi32, #tpu.memory_space<vmem>>
        tpu.wait_dma2 semaphore(%arg54 : memref<!tpu.dma_semaphore, #tpu.memory_space<semaphore_mem>>) src(%dma_wait3A_506 : memref<40xi32, #tpu.memory_space<vmem>>) dst(%dma_wait3A_504 : memref<40xi32, #tpu.memory_space<hbm>>)
      } else {
      }
      %lt3A_340 = arith.constant 125 : i32
      %lt3A_341 = arith.cmpi slt, %add3A_331, %lt3A_340 : i32
      %convert_element_type3A_342 = arith.extui %lt3A_341 : i1 to i32
      %cond3A_343 = arith.constant 0 : i32
      %cond3A_344 = arith.cmpi ne, %convert_element_type3A_342, %cond3A_343 : i32
      scf.if %cond3A_344 {
        %mul3A_432 = arith.constant 80 : i32
        %mul3A_433 = arith.muli %add3A_331, %mul3A_432 : i32
        %multiple_of3A_434 = tpu.assume_multiple %mul3A_433, 8 : i32
        %dma_start3A = tpu.memref_slice %arg10[%multiple_of3A_434] : memref<10000xi32, #tpu.memory_space<vmem>> -> memref<80xi32, #tpu.memory_space<vmem>>
        %dma_start3A_435 = arith.constant 0 : i32
        %dma_start3A_436 = arith.constant 0 : i32
        %dma_start3A_437 = tpu.memref_slice %arg5[%dma_start3A_435, %dma_start3A_436] : memref<10000x64xf32, #tpu.memory_space<hbm>> -> memref<10000x64xf32, #tpu.memory_space<hbm>>
        tpu.enqueue_indirect_dma source(%dma_start3A_437 : memref<10000x64xf32, #tpu.memory_space<hbm>>) target(%arg14 : memref<80x64xf32, #tpu.memory_space<vmem>>) offsets(%dma_start3A : memref<80xi32, #tpu.memory_space<vmem>>) semaphore(%arg34 : memref<!tpu.dma_semaphore, #tpu.memory_space<semaphore_mem>>)
        %mul3A_438 = arith.constant 80 : i32
        %mul3A_439 = arith.muli %add3A_331, %mul3A_438 : i32
        %multiple_of3A_440 = tpu.assume_multiple %mul3A_439, 8 : i32
        %dma_start3A_441 = arith.constant 0 : i32
        %dma_start3A_442 = tpu.memref_slice %arg22[%dma_start3A_441] : memref<96xi32, #tpu.memory_space<vmem>> -> memref<80xi32, #tpu.memory_space<vmem>>
        %dma_start3A_443 = tpu.memref_slice %arg10[%multiple_of3A_440] : memref<10000xi32, #tpu.memory_space<vmem>> -> memref<80xi32, #tpu.memory_space<vmem>>
        %dma_start3A_444 = arith.constant 0 : i32
        %dma_start3A_445 = tpu.memref_slice %arg4[%dma_start3A_444] : memref<10000xi32, #tpu.memory_space<hbm>> -> memref<10000xi32, #tpu.memory_space<hbm>>
        tpu.enqueue_indirect_dma source(%dma_start3A_445 : memref<10000xi32, #tpu.memory_space<hbm>>) target(%dma_start3A_442 : memref<80xi32, #tpu.memory_space<vmem>>) offsets(%dma_start3A_443 : memref<80xi32, #tpu.memory_space<vmem>>) semaphore(%arg42 : memref<!tpu.dma_semaphore, #tpu.memory_space<semaphore_mem>>)
      } else {
      }
      %add3A_345 = arith.constant 1 : i32
      %add3A_346 = arith.addi %mul3A_315, %add3A_345 : i32
      %lt3A_347 = arith.constant 125 : i32
      %lt3A_348 = arith.cmpi slt, %add3A_346, %lt3A_347 : i32
      %convert_element_type3A_349 = arith.extui %lt3A_348 : i1 to i32
      %cond3A_350 = arith.constant 0 : i32
      %cond3A_351 = arith.cmpi ne, %convert_element_type3A_349, %cond3A_350 : i32
      scf.if %cond3A_351 {
        %mul3A_432 = arith.constant 80 : i32
        %mul3A_433 = arith.muli %add3A_346, %mul3A_432 : i32
        %multiple_of3A_434 = tpu.assume_multiple %mul3A_433, 8 : i32
        %dma_wait3A_435 = tpu.memref_slice %arg11[%multiple_of3A_434] : memref<10000xi32, #tpu.memory_space<vmem>> -> memref<80xi32, #tpu.memory_space<vmem>>
        %dma_wait3A_436 = arith.constant 0 : i32
        %dma_wait3A_437 = arith.constant 0 : i32
        %dma_wait3A_438 = tpu.memref_slice %arg6[%dma_wait3A_436, %dma_wait3A_437] : memref<10000x64xf32, #tpu.memory_space<hbm>> -> memref<10000x64xf32, #tpu.memory_space<hbm>>
        tpu.wait_indirect_dma semaphore(%arg37 : memref<!tpu.dma_semaphore, #tpu.memory_space<semaphore_mem>>) src(%dma_wait3A_438 : memref<10000x64xf32, #tpu.memory_space<hbm>>) dst(%arg13 : memref<80x64xf32, #tpu.memory_space<vmem>>)
        %mul3A_439 = arith.constant 80 : i32
        %mul3A_440 = arith.muli %add3A_346, %mul3A_439 : i32
        %multiple_of3A_441 = tpu.assume_multiple %mul3A_440, 8 : i32
        %dma_wait3A_442 = arith.constant 0 : i32
        %dma_wait3A_443 = tpu.memref_slice %arg21[%dma_wait3A_442] : memref<96xi32, #tpu.memory_space<vmem>> -> memref<80xi32, #tpu.memory_space<vmem>>
        %dma_wait3A_444 = tpu.memref_slice %arg10[%multiple_of3A_441] : memref<10000xi32, #tpu.memory_space<vmem>> -> memref<80xi32, #tpu.memory_space<vmem>>
        %dma_wait3A_445 = arith.constant 0 : i32
        %dma_wait3A_446 = tpu.memref_slice %arg4[%dma_wait3A_445] : memref<10000xi32, #tpu.memory_space<hbm>> -> memref<10000xi32, #tpu.memory_space<hbm>>
        tpu.wait_indirect_dma semaphore(%arg41 : memref<!tpu.dma_semaphore, #tpu.memory_space<semaphore_mem>>) src(%dma_wait3A_446 : memref<10000xi32, #tpu.memory_space<hbm>>) dst(%dma_wait3A_443 : memref<80xi32, #tpu.memory_space<vmem>>)
        %iota3A = tpu.iota {dimensions = array<i32: 0>} : vector<16xi32>
        %mul3A_447 = arith.constant 2 : i32
        %mul3A_448 = vector.broadcast %mul3A_447 : i32 to vector<16xi32>
        %mul3A_449 = arith.muli %mul3A_448, %iota3A : vector<16xi32>
        %add3A_450 = arith.constant 0 : i32
        %add3A_451 = vector.broadcast %add3A_450 : i32 to vector<16xi32>
        %add3A_452 = arith.addi %add3A_451, %mul3A_449 : vector<16xi32>
        %gather3A = tpu.vector_load_idx %arg21[%add3A_452] : memref<96xi32, #tpu.memory_space<vmem>>[vector<16xi32>], vector<16xi32>,
        %swap3A = arith.constant 0 : index
        %swap3A_453 = tpu.vector_load %arg25[%swap3A] {strides = array<i32>} : memref<48xi32, #tpu.memory_space<vmem>>, vector<16xi32>,
        tpu.vector_store %arg25[%swap3A], %gather3A {strides = array<i32>} : memref<48xi32, #tpu.memory_space<vmem>>, vector<16xi32>,
        %add3A_454 = arith.constant 1 : i32
        %add3A_455 = vector.broadcast %add3A_454 : i32 to vector<16xi32>
        %add3A_456 = arith.addi %add3A_452, %add3A_455 : vector<16xi32>
        %gather3A_457 = tpu.vector_load_idx %arg21[%add3A_456] : memref<96xi32, #tpu.memory_space<vmem>>[vector<16xi32>], vector<16xi32>,
        %swap3A_458 = arith.constant 0 : index
        %swap3A_459 = tpu.vector_load %arg29[%swap3A_458] {strides = array<i32>} : memref<48xi32, #tpu.memory_space<vmem>>, vector<16xi32>,
        tpu.vector_store %arg29[%swap3A_458], %gather3A_457 {strides = array<i32>} : memref<48xi32, #tpu.memory_space<vmem>>, vector<16xi32>,
        %mul3A_460 = arith.constant 2 : i32
        %mul3A_461 = vector.broadcast %mul3A_460 : i32 to vector<16xi32>
        %mul3A_462 = arith.muli %mul3A_461, %iota3A : vector<16xi32>
        %add3A_463 = arith.constant 32 : i32
        %add3A_464 = vector.broadcast %add3A_463 : i32 to vector<16xi32>
        %add3A_465 = arith.addi %add3A_464, %mul3A_462 : vector<16xi32>
        %gather3A_466 = tpu.vector_load_idx %arg21[%add3A_465] : memref<96xi32, #tpu.memory_space<vmem>>[vector<16xi32>], vector<16xi32>,
        %swap3A_467 = arith.constant 16 : index
        %swap3A_468 = tpu.vector_load %arg25[%swap3A_467] {strides = array<i32>} : memref<48xi32, #tpu.memory_space<vmem>>, vector<16xi32>,
        tpu.vector_store %arg25[%swap3A_467], %gather3A_466 {strides = array<i32>} : memref<48xi32, #tpu.memory_space<vmem>>, vector<16xi32>,
        %add3A_469 = arith.constant 1 : i32
        %add3A_470 = vector.broadcast %add3A_469 : i32 to vector<16xi32>
        %add3A_471 = arith.addi %add3A_465, %add3A_470 : vector<16xi32>
        %gather3A_472 = tpu.vector_load_idx %arg21[%add3A_471] : memref<96xi32, #tpu.memory_space<vmem>>[vector<16xi32>], vector<16xi32>,
        %swap3A_473 = arith.constant 16 : index
        %swap3A_474 = tpu.vector_load %arg29[%swap3A_473] {strides = array<i32>} : memref<48xi32, #tpu.memory_space<vmem>>, vector<16xi32>,
        tpu.vector_store %arg29[%swap3A_473], %gather3A_472 {strides = array<i32>} : memref<48xi32, #tpu.memory_space<vmem>>, vector<16xi32>,
        %mul3A_475 = arith.constant 2 : i32
        %mul3A_476 = vector.broadcast %mul3A_475 : i32 to vector<16xi32>
        %mul3A_477 = arith.muli %mul3A_476, %iota3A : vector<16xi32>
        %add3A_478 = arith.constant 64 : i32
        %add3A_479 = vector.broadcast %add3A_478 : i32 to vector<16xi32>
        %add3A_480 = arith.addi %add3A_479, %mul3A_477 : vector<16xi32>
        %gather3A_481 = tpu.vector_load_idx %arg21[%add3A_480] : memref<96xi32, #tpu.memory_space<vmem>>[vector<16xi32>], vector<16xi32>,
        %swap3A_482 = arith.constant 32 : index
        %swap3A_483 = tpu.vector_load %arg25[%swap3A_482] {strides = array<i32>} : memref<48xi32, #tpu.memory_space<vmem>>, vector<16xi32>,
        tpu.vector_store %arg25[%swap3A_482], %gather3A_481 {strides = array<i32>} : memref<48xi32, #tpu.memory_space<vmem>>, vector<16xi32>,
        %add3A_484 = arith.constant 1 : i32
        %add3A_485 = vector.broadcast %add3A_484 : i32 to vector<16xi32>
        %add3A_486 = arith.addi %add3A_480, %add3A_485 : vector<16xi32>
        %gather3A_487 = tpu.vector_load_idx %arg21[%add3A_486] : memref<96xi32, #tpu.memory_space<vmem>>[vector<16xi32>], vector<16xi32>,
        %swap3A_488 = arith.constant 32 : index
        %swap3A_489 = tpu.vector_load %arg29[%swap3A_488] {strides = array<i32>} : memref<48xi32, #tpu.memory_space<vmem>>, vector<16xi32>,
        tpu.vector_store %arg29[%swap3A_488], %gather3A_487 {strides = array<i32>} : memref<48xi32, #tpu.memory_space<vmem>>, vector<16xi32>,
        %parallel_loop3A = arith.constant 0 : i32
        %parallel_loop3A_490 = arith.constant 40 : i32
        %parallel_loop3A_491 = arith.constant 1 : i32
        scf.for %parallel_loop3A_562 = %parallel_loop3A to %parallel_loop3A_490 step %parallel_loop3A_491  : i32 {
          %parallel_loop3A_563 = arith.constant 2 : i32
          %parallel_loop3A_564 = arith.muli %parallel_loop3A_563, %parallel_loop3A_562 : i32
          %parallel_loop3A_565 = arith.index_cast %parallel_loop3A_564 : i32 to index
          %parallel_loop3A_566 = arith.constant 0 : index
          %parallel_loop3A_567 = tpu.vector_load %arg13[%parallel_loop3A_565, %parallel_loop3A_566] {strides = array<i32>} : memref<80x64xf32, #tpu.memory_space<vmem>>, vector<16xf32>,
          %parallel_loop3A_568 = arith.index_cast %parallel_loop3A_562 : i32 to index
          %parallel_loop3A_569 = arith.constant 0 : index
          %parallel_loop3A_570 = tpu.vector_load %arg17[%parallel_loop3A_568, %parallel_loop3A_569] {strides = array<i32>} : memref<40x128xf32, #tpu.memory_space<vmem>>, vector<16xf32>,
          tpu.vector_store %arg17[%parallel_loop3A_568, %parallel_loop3A_569], %parallel_loop3A_567 {strides = array<i32>} : memref<40x128xf32, #tpu.memory_space<vmem>>, vector<16xf32>,
          %parallel_loop3A_571 = arith.constant 2 : i32
          %parallel_loop3A_572 = arith.muli %parallel_loop3A_571, %parallel_loop3A_562 : i32
          %parallel_loop3A_573 = arith.index_cast %parallel_loop3A_572 : i32 to index
          %parallel_loop3A_574 = arith.constant 16 : index
          %parallel_loop3A_575 = tpu.vector_load %arg13[%parallel_loop3A_573, %parallel_loop3A_574] {strides = array<i32>} : memref<80x64xf32, #tpu.memory_space<vmem>>, vector<16xf32>,
          %parallel_loop3A_576 = arith.index_cast %parallel_loop3A_562 : i32 to index
          %parallel_loop3A_577 = arith.constant 16 : index
          %parallel_loop3A_578 = tpu.vector_load %arg17[%parallel_loop3A_576, %parallel_loop3A_577] {strides = array<i32>} : memref<40x128xf32, #tpu.memory_space<vmem>>, vector<16xf32>,
          tpu.vector_store %arg17[%parallel_loop3A_576, %parallel_loop3A_577], %parallel_loop3A_575 {strides = array<i32>} : memref<40x128xf32, #tpu.memory_space<vmem>>, vector<16xf32>,
          %parallel_loop3A_579 = arith.constant 2 : i32
          %parallel_loop3A_580 = arith.muli %parallel_loop3A_579, %parallel_loop3A_562 : i32
          %parallel_loop3A_581 = arith.index_cast %parallel_loop3A_580 : i32 to index
          %parallel_loop3A_582 = arith.constant 32 : index
          %parallel_loop3A_583 = tpu.vector_load %arg13[%parallel_loop3A_581, %parallel_loop3A_582] {strides = array<i32>} : memref<80x64xf32, #tpu.memory_space<vmem>>, vector<16xf32>,
          %parallel_loop3A_584 = arith.index_cast %parallel_loop3A_562 : i32 to index
          %parallel_loop3A_585 = arith.constant 32 : index
          %parallel_loop3A_586 = tpu.vector_load %arg17[%parallel_loop3A_584, %parallel_loop3A_585] {strides = array<i32>} : memref<40x128xf32, #tpu.memory_space<vmem>>, vector<16xf32>,
          tpu.vector_store %arg17[%parallel_loop3A_584, %parallel_loop3A_585], %parallel_loop3A_583 {strides = array<i32>} : memref<40x128xf32, #tpu.memory_space<vmem>>, vector<16xf32>,
          %parallel_loop3A_587 = arith.constant 2 : i32
          %parallel_loop3A_588 = arith.muli %parallel_loop3A_587, %parallel_loop3A_562 : i32
          %parallel_loop3A_589 = arith.index_cast %parallel_loop3A_588 : i32 to index
          %parallel_loop3A_590 = arith.constant 48 : index
          %parallel_loop3A_591 = tpu.vector_load %arg13[%parallel_loop3A_589, %parallel_loop3A_590] {strides = array<i32>} : memref<80x64xf32, #tpu.memory_space<vmem>>, vector<16xf32>,
          %parallel_loop3A_592 = arith.index_cast %parallel_loop3A_562 : i32 to index
          %parallel_loop3A_593 = arith.constant 48 : index
          %parallel_loop3A_594 = tpu.vector_load %arg17[%parallel_loop3A_592, %parallel_loop3A_593] {strides = array<i32>} : memref<40x128xf32, #tpu.memory_space<vmem>>, vector<16xf32>,
          tpu.vector_store %arg17[%parallel_loop3A_592, %parallel_loop3A_593], %parallel_loop3A_591 {strides = array<i32>} : memref<40x128xf32, #tpu.memory_space<vmem>>, vector<16xf32>,
          %parallel_loop3A_595 = arith.constant 2 : i32
          %parallel_loop3A_596 = arith.muli %parallel_loop3A_595, %parallel_loop3A_562 : i32
          %parallel_loop3A_597 = arith.constant 1 : i32
          %parallel_loop3A_598 = arith.addi %parallel_loop3A_596, %parallel_loop3A_597 : i32
          %parallel_loop3A_599 = arith.index_cast %parallel_loop3A_598 : i32 to index
          %parallel_loop3A_600 = arith.constant 0 : index
          %parallel_loop3A_601 = tpu.vector_load %arg13[%parallel_loop3A_599, %parallel_loop3A_600] {strides = array<i32>} : memref<80x64xf32, #tpu.memory_space<vmem>>, vector<16xf32>,
          %parallel_loop3A_602 = arith.index_cast %parallel_loop3A_562 : i32 to index
          %parallel_loop3A_603 = arith.constant 64 : index
          %parallel_loop3A_604 = tpu.vector_load %arg17[%parallel_loop3A_602, %parallel_loop3A_603] {strides = array<i32>} : memref<40x128xf32, #tpu.memory_space<vmem>>, vector<16xf32>,
          tpu.vector_store %arg17[%parallel_loop3A_602, %parallel_loop3A_603], %parallel_loop3A_601 {strides = array<i32>} : memref<40x128xf32, #tpu.memory_space<vmem>>, vector<16xf32>,
          %parallel_loop3A_605 = arith.constant 2 : i32
          %parallel_loop3A_606 = arith.muli %parallel_loop3A_605, %parallel_loop3A_562 : i32
          %parallel_loop3A_607 = arith.constant 1 : i32
          %parallel_loop3A_608 = arith.addi %parallel_loop3A_606, %parallel_loop3A_607 : i32
          %parallel_loop3A_609 = arith.index_cast %parallel_loop3A_608 : i32 to index
          %parallel_loop3A_610 = arith.constant 16 : index
          %parallel_loop3A_611 = tpu.vector_load %arg13[%parallel_loop3A_609, %parallel_loop3A_610] {strides = array<i32>} : memref<80x64xf32, #tpu.memory_space<vmem>>, vector<16xf32>,
          %parallel_loop3A_612 = arith.index_cast %parallel_loop3A_562 : i32 to index
          %parallel_loop3A_613 = arith.constant 80 : index
          %parallel_loop3A_614 = tpu.vector_load %arg17[%parallel_loop3A_612, %parallel_loop3A_613] {strides = array<i32>} : memref<40x128xf32, #tpu.memory_space<vmem>>, vector<16xf32>,
          tpu.vector_store %arg17[%parallel_loop3A_612, %parallel_loop3A_613], %parallel_loop3A_611 {strides = array<i32>} : memref<40x128xf32, #tpu.memory_space<vmem>>, vector<16xf32>,
          %parallel_loop3A_615 = arith.constant 2 : i32
          %parallel_loop3A_616 = arith.muli %parallel_loop3A_615, %parallel_loop3A_562 : i32
          %parallel_loop3A_617 = arith.constant 1 : i32
          %parallel_loop3A_618 = arith.addi %parallel_loop3A_616, %parallel_loop3A_617 : i32
          %parallel_loop3A_619 = arith.index_cast %parallel_loop3A_618 : i32 to index
          %parallel_loop3A_620 = arith.constant 32 : index
          %parallel_loop3A_621 = tpu.vector_load %arg13[%parallel_loop3A_619, %parallel_loop3A_620] {strides = array<i32>} : memref<80x64xf32, #tpu.memory_space<vmem>>, vector<16xf32>,
          %parallel_loop3A_622 = arith.index_cast %parallel_loop3A_562 : i32 to index
          %parallel_loop3A_623 = arith.constant 96 : index
          %parallel_loop3A_624 = tpu.vector_load %arg17[%parallel_loop3A_622, %parallel_loop3A_623] {strides = array<i32>} : memref<40x128xf32, #tpu.memory_space<vmem>>, vector<16xf32>,
          tpu.vector_store %arg17[%parallel_loop3A_622, %parallel_loop3A_623], %parallel_loop3A_621 {strides = array<i32>} : memref<40x128xf32, #tpu.memory_space<vmem>>, vector<16xf32>,
          %parallel_loop3A_625 = arith.constant 2 : i32
          %parallel_loop3A_626 = arith.muli %parallel_loop3A_625, %parallel_loop3A_562 : i32
          %parallel_loop3A_627 = arith.constant 1 : i32
          %parallel_loop3A_628 = arith.addi %parallel_loop3A_626, %parallel_loop3A_627 : i32
          %parallel_loop3A_629 = arith.index_cast %parallel_loop3A_628 : i32 to index
          %parallel_loop3A_630 = arith.constant 48 : index
          %parallel_loop3A_631 = tpu.vector_load %arg13[%parallel_loop3A_629, %parallel_loop3A_630] {strides = array<i32>} : memref<80x64xf32, #tpu.memory_space<vmem>>, vector<16xf32>,
          %parallel_loop3A_632 = arith.index_cast %parallel_loop3A_562 : i32 to index
          %parallel_loop3A_633 = arith.constant 112 : index
          %parallel_loop3A_634 = tpu.vector_load %arg17[%parallel_loop3A_632, %parallel_loop3A_633] {strides = array<i32>} : memref<40x128xf32, #tpu.memory_space<vmem>>, vector<16xf32>,
          tpu.vector_store %arg17[%parallel_loop3A_632, %parallel_loop3A_633], %parallel_loop3A_631 {strides = array<i32>} : memref<40x128xf32, #tpu.memory_space<vmem>>, vector<16xf32>,
        } {sc.loop_unroll_factor = 4 : i64, sc.parallel_access}
        %mul3A_492 = arith.constant 80 : i32
        %mul3A_493 = arith.muli %add3A_346, %mul3A_492 : i32
        %add3A_494 = arith.addi %mul3A_2, %mul3A_493 : i32
        %jit3A_495 = arith.constant 2 : i32
        %div3A_496 = arith.divsi %add3A_494, %jit3A_495 : i32
        %sign3A_497 = arith.constant 0 : i32
        %sign3A_498 = arith.cmpi sgt, %add3A_494, %sign3A_497 : i32
        %sign3A_499 = arith.extui %sign3A_498 : i1 to i32
        %sign3A_500 = arith.constant 0 : i32
        %sign3A_501 = arith.cmpi slt, %add3A_494, %sign3A_500 : i32
        %sign3A_502 = arith.extui %sign3A_501 : i1 to i32
        %sign3A_503 = arith.subi %sign3A_499, %sign3A_502 : i32
        %sign3A_504 = arith.constant 0 : i32
        %sign3A_505 = arith.cmpi sgt, %jit3A_495, %sign3A_504 : i32
        %sign3A_506 = arith.extui %sign3A_505 : i1 to i32
        %sign3A_507 = arith.constant 0 : i32
        %sign3A_508 = arith.cmpi slt, %jit3A_495, %sign3A_507 : i32
        %sign3A_509 = arith.extui %sign3A_508 : i1 to i32
        %sign3A_510 = arith.subi %sign3A_506, %sign3A_509 : i32
        %ne3A_511 = arith.cmpi ne, %sign3A_503, %sign3A_510 : i32
        %rem3A_512 = arith.remsi %add3A_494, %jit3A_495 : i32
        %ne3A_513 = arith.constant 0 : i32
        %ne3A_514 = arith.cmpi ne, %rem3A_512, %ne3A_513 : i32
        %and3A_515 = arith.andi %ne3A_511, %ne3A_514 : i1
        %sub3A_516 = arith.constant 1 : i32
        %sub3A_517 = arith.subi %div3A_496, %sub3A_516 : i32
        %select_n3A_518 = arith.select %and3A_515, %sub3A_517, %div3A_496 : i32
        %dma_start3A = arith.constant 0 : i32
        %dma_start3A_519 = tpu.memref_slice %arg7[%select_n3A_518, %dma_start3A] : memref<160000x128xf32, #tpu.memory_space<hbm>> -> memref<40x128xf32, #tpu.memory_space<hbm>>
        %dma_start3A_520 = arith.constant 0 : i32
        %dma_start3A_521 = tpu.memref_slice %arg7[%select_n3A_518, %dma_start3A_520] : memref<160000x128xf32, #tpu.memory_space<hbm>> -> memref<40x128xf32, #tpu.memory_space<hbm>>
        tpu.enqueue_dma source(%arg17 : memref<40x128xf32, #tpu.memory_space<vmem>>) target(%dma_start3A_521 : memref<40x128xf32, #tpu.memory_space<hbm>>) target_semaphore(%arg45 : memref<!tpu.dma_semaphore, #tpu.memory_space<semaphore_mem>>)
        %mul3A_522 = arith.constant 80 : i32
        %mul3A_523 = arith.muli %add3A_346, %mul3A_522 : i32
        %add3A_524 = arith.addi %mul3A_2, %mul3A_523 : i32
        %jit3A_525 = arith.constant 2 : i32
        %div3A_526 = arith.divsi %add3A_524, %jit3A_525 : i32
        %sign3A_527 = arith.constant 0 : i32
        %sign3A_528 = arith.cmpi sgt, %add3A_524, %sign3A_527 : i32
        %sign3A_529 = arith.extui %sign3A_528 : i1 to i32
        %sign3A_530 = arith.constant 0 : i32
        %sign3A_531 = arith.cmpi slt, %add3A_524, %sign3A_530 : i32
        %sign3A_532 = arith.extui %sign3A_531 : i1 to i32
        %sign3A_533 = arith.subi %sign3A_529, %sign3A_532 : i32
        %sign3A_534 = arith.constant 0 : i32
        %sign3A_535 = arith.cmpi sgt, %jit3A_525, %sign3A_534 : i32
        %sign3A_536 = arith.extui %sign3A_535 : i1 to i32
        %sign3A_537 = arith.constant 0 : i32
        %sign3A_538 = arith.cmpi slt, %jit3A_525, %sign3A_537 : i32
        %sign3A_539 = arith.extui %sign3A_538 : i1 to i32
        %sign3A_540 = arith.subi %sign3A_536, %sign3A_539 : i32
        %ne3A_541 = arith.cmpi ne, %sign3A_533, %sign3A_540 : i32
        %rem3A_542 = arith.remsi %add3A_524, %jit3A_525 : i32
        %ne3A_543 = arith.constant 0 : i32
        %ne3A_544 = arith.cmpi ne, %rem3A_542, %ne3A_543 : i32
        %and3A_545 = arith.andi %ne3A_541, %ne3A_544 : i1
        %sub3A_546 = arith.constant 1 : i32
        %sub3A_547 = arith.subi %div3A_526, %sub3A_546 : i32
        %select_n3A_548 = arith.select %and3A_545, %sub3A_547, %div3A_526 : i32
        %multiple_of3A_549 = tpu.assume_multiple %select_n3A_548, 8 : i32
        %dma_start3A_550 = arith.constant 0 : i32
        %dma_start3A_551 = tpu.memref_slice %arg25[%dma_start3A_550] : memref<48xi32, #tpu.memory_space<vmem>> -> memref<40xi32, #tpu.memory_space<vmem>>
        %dma_start3A_552 = tpu.memref_slice %arg8[%multiple_of3A_549] : memref<160000xi32, #tpu.memory_space<hbm>> -> memref<40xi32, #tpu.memory_space<hbm>>
        %dma_start3A_553 = tpu.memref_slice %arg8[%multiple_of3A_549] : memref<160000xi32, #tpu.memory_space<hbm>> -> memref<40xi32, #tpu.memory_space<hbm>>
        %dma_start3A_554 = arith.constant 0 : i32
        %dma_start3A_555 = tpu.memref_slice %arg25[%dma_start3A_554] : memref<48xi32, #tpu.memory_space<vmem>> -> memref<40xi32, #tpu.memory_space<vmem>>
        tpu.enqueue_dma source(%dma_start3A_555 : memref<40xi32, #tpu.memory_space<vmem>>) target(%dma_start3A_553 : memref<40xi32, #tpu.memory_space<hbm>>) target_semaphore(%arg49 : memref<!tpu.dma_semaphore, #tpu.memory_space<semaphore_mem>>)
        %dma_start3A_556 = arith.constant 0 : i32
        %dma_start3A_557 = tpu.memref_slice %arg29[%dma_start3A_556] : memref<48xi32, #tpu.memory_space<vmem>> -> memref<40xi32, #tpu.memory_space<vmem>>
        %dma_start3A_558 = tpu.memref_slice %arg9[%multiple_of3A_549] : memref<160000xi32, #tpu.memory_space<hbm>> -> memref<40xi32, #tpu.memory_space<hbm>>
        %dma_start3A_559 = tpu.memref_slice %arg9[%multiple_of3A_549] : memref<160000xi32, #tpu.memory_space<hbm>> -> memref<40xi32, #tpu.memory_space<hbm>>
        %dma_start3A_560 = arith.constant 0 : i32
        %dma_start3A_561 = tpu.memref_slice %arg29[%dma_start3A_560] : memref<48xi32, #tpu.memory_space<vmem>> -> memref<40xi32, #tpu.memory_space<vmem>>
        tpu.enqueue_dma source(%dma_start3A_561 : memref<40xi32, #tpu.memory_space<vmem>>) target(%dma_start3A_559 : memref<40xi32, #tpu.memory_space<hbm>>) target_semaphore(%arg53 : memref<!tpu.dma_semaphore, #tpu.memory_space<semaphore_mem>>)
      } else {
      }
      %add3A_352 = arith.constant 1 : i32
      %add3A_353 = arith.addi %add3A_346, %add3A_352 : i32
      %lt3A_354 = arith.constant 125 : i32
      %lt3A_355 = arith.cmpi slt, %add3A_353, %lt3A_354 : i32
      %convert_element_type3A_356 = arith.extui %lt3A_355 : i1 to i32
      %cond3A_357 = arith.constant 0 : i32
      %cond3A_358 = arith.cmpi ne, %convert_element_type3A_356, %cond3A_357 : i32
      scf.if %cond3A_358 {
        %mul3A_432 = arith.constant 80 : i32
        %mul3A_433 = arith.muli %add3A_353, %mul3A_432 : i32
        %multiple_of3A_434 = tpu.assume_multiple %mul3A_433, 8 : i32
        %dma_wait3A_435 = tpu.memref_slice %arg10[%multiple_of3A_434] : memref<10000xi32, #tpu.memory_space<vmem>> -> memref<80xi32, #tpu.memory_space<vmem>>
        %dma_wait3A_436 = arith.constant 0 : i32
        %dma_wait3A_437 = arith.constant 0 : i32
        %dma_wait3A_438 = tpu.memref_slice %arg5[%dma_wait3A_436, %dma_wait3A_437] : memref<10000x64xf32, #tpu.memory_space<hbm>> -> memref<10000x64xf32, #tpu.memory_space<hbm>>
        tpu.wait_indirect_dma semaphore(%arg34 : memref<!tpu.dma_semaphore, #tpu.memory_space<semaphore_mem>>) src(%dma_wait3A_438 : memref<10000x64xf32, #tpu.memory_space<hbm>>) dst(%arg14 : memref<80x64xf32, #tpu.memory_space<vmem>>)
        %mul3A_439 = arith.constant 80 : i32
        %mul3A_440 = arith.muli %add3A_353, %mul3A_439 : i32
        %multiple_of3A_441 = tpu.assume_multiple %mul3A_440, 8 : i32
        %dma_start3A = tpu.memref_slice %arg11[%multiple_of3A_441] : memref<10000xi32, #tpu.memory_space<vmem>> -> memref<80xi32, #tpu.memory_space<vmem>>
        %dma_start3A_442 = arith.constant 0 : i32
        %dma_start3A_443 = arith.constant 0 : i32
        %dma_start3A_444 = tpu.memref_slice %arg6[%dma_start3A_442, %dma_start3A_443] : memref<10000x64xf32, #tpu.memory_space<hbm>> -> memref<10000x64xf32, #tpu.memory_space<hbm>>
        tpu.enqueue_indirect_dma source(%dma_start3A_444 : memref<10000x64xf32, #tpu.memory_space<hbm>>) target(%arg14 : memref<80x64xf32, #tpu.memory_space<vmem>>) offsets(%dma_start3A : memref<80xi32, #tpu.memory_space<vmem>>) semaphore(%arg38 : memref<!tpu.dma_semaphore, #tpu.memory_space<semaphore_mem>>) {add = true}
      } else {
      }
      %add3A_359 = arith.constant 2 : i32
      %add3A_360 = arith.addi %add3A_346, %add3A_359 : i32
      %lt3A_361 = arith.constant 125 : i32
      %lt3A_362 = arith.cmpi slt, %add3A_360, %lt3A_361 : i32
      %ge3A_363 = arith.constant 4 : i32
      %ge3A_364 = arith.cmpi sge, %add3A_360, %ge3A_363 : i32
      %and3A_365 = arith.andi %lt3A_362, %ge3A_364 : i1
      %convert_element_type3A_366 = arith.extui %and3A_365 : i1 to i32
      %cond3A_367 = arith.constant 0 : i32
      %cond3A_368 = arith.cmpi ne, %convert_element_type3A_366, %cond3A_367 : i32
      scf.if %cond3A_368 {
        %sub3A_432 = arith.constant 4 : i32
        %sub3A_433 = arith.subi %add3A_360, %sub3A_432 : i32
        %mul3A_434 = arith.constant 80 : i32
        %mul3A_435 = arith.muli %sub3A_433, %mul3A_434 : i32
        %add3A_436 = arith.addi %mul3A_2, %mul3A_435 : i32
        %jit3A_437 = arith.constant 2 : i32
        %div3A_438 = arith.divsi %add3A_436, %jit3A_437 : i32
        %sign3A_439 = arith.constant 0 : i32
        %sign3A_440 = arith.cmpi sgt, %add3A_436, %sign3A_439 : i32
        %sign3A_441 = arith.extui %sign3A_440 : i1 to i32
        %sign3A_442 = arith.constant 0 : i32
        %sign3A_443 = arith.cmpi slt, %add3A_436, %sign3A_442 : i32
        %sign3A_444 = arith.extui %sign3A_443 : i1 to i32
        %sign3A_445 = arith.subi %sign3A_441, %sign3A_444 : i32
        %sign3A_446 = arith.constant 0 : i32
        %sign3A_447 = arith.cmpi sgt, %jit3A_437, %sign3A_446 : i32
        %sign3A_448 = arith.extui %sign3A_447 : i1 to i32
        %sign3A_449 = arith.constant 0 : i32
        %sign3A_450 = arith.cmpi slt, %jit3A_437, %sign3A_449 : i32
        %sign3A_451 = arith.extui %sign3A_450 : i1 to i32
        %sign3A_452 = arith.subi %sign3A_448, %sign3A_451 : i32
        %ne3A_453 = arith.cmpi ne, %sign3A_445, %sign3A_452 : i32
        %rem3A_454 = arith.remsi %add3A_436, %jit3A_437 : i32
        %ne3A_455 = arith.constant 0 : i32
        %ne3A_456 = arith.cmpi ne, %rem3A_454, %ne3A_455 : i32
        %and3A_457 = arith.andi %ne3A_453, %ne3A_456 : i1
        %sub3A_458 = arith.constant 1 : i32
        %sub3A_459 = arith.subi %div3A_438, %sub3A_458 : i32
        %select_n3A_460 = arith.select %and3A_457, %sub3A_459, %div3A_438 : i32
        %dma_wait3A_461 = arith.constant 0 : i32
        %dma_wait3A_462 = tpu.memref_slice %arg7[%select_n3A_460, %dma_wait3A_461] : memref<160000x128xf32, #tpu.memory_space<hbm>> -> memref<40x128xf32, #tpu.memory_space<hbm>>
        %dma_wait3A_463 = arith.constant 0 : i32
        %dma_wait3A_464 = tpu.memref_slice %arg7[%select_n3A_460, %dma_wait3A_463] : memref<160000x128xf32, #tpu.memory_space<hbm>> -> memref<40x128xf32, #tpu.memory_space<hbm>>
        tpu.wait_dma2 semaphore(%arg47 : memref<!tpu.dma_semaphore, #tpu.memory_space<semaphore_mem>>) src(%arg19 : memref<40x128xf32, #tpu.memory_space<vmem>>) dst(%dma_wait3A_464 : memref<40x128xf32, #tpu.memory_space<hbm>>)
        %sub3A_465 = arith.constant 4 : i32
        %sub3A_466 = arith.subi %add3A_360, %sub3A_465 : i32
        %mul3A_467 = arith.constant 80 : i32
        %mul3A_468 = arith.muli %sub3A_466, %mul3A_467 : i32
        %add3A_469 = arith.addi %mul3A_2, %mul3A_468 : i32
        %jit3A_470 = arith.constant 2 : i32
        %div3A_471 = arith.divsi %add3A_469, %jit3A_470 : i32
        %sign3A_472 = arith.constant 0 : i32
        %sign3A_473 = arith.cmpi sgt, %add3A_469, %sign3A_472 : i32
        %sign3A_474 = arith.extui %sign3A_473 : i1 to i32
        %sign3A_475 = arith.constant 0 : i32
        %sign3A_476 = arith.cmpi slt, %add3A_469, %sign3A_475 : i32
        %sign3A_477 = arith.extui %sign3A_476 : i1 to i32
        %sign3A_478 = arith.subi %sign3A_474, %sign3A_477 : i32
        %sign3A_479 = arith.constant 0 : i32
        %sign3A_480 = arith.cmpi sgt, %jit3A_470, %sign3A_479 : i32
        %sign3A_481 = arith.extui %sign3A_480 : i1 to i32
        %sign3A_482 = arith.constant 0 : i32
        %sign3A_483 = arith.cmpi slt, %jit3A_470, %sign3A_482 : i32
        %sign3A_484 = arith.extui %sign3A_483 : i1 to i32
        %sign3A_485 = arith.subi %sign3A_481, %sign3A_484 : i32
        %ne3A_486 = arith.cmpi ne, %sign3A_478, %sign3A_485 : i32
        %rem3A_487 = arith.remsi %add3A_469, %jit3A_470 : i32
        %ne3A_488 = arith.constant 0 : i32
        %ne3A_489 = arith.cmpi ne, %rem3A_487, %ne3A_488 : i32
        %and3A_490 = arith.andi %ne3A_486, %ne3A_489 : i1
        %sub3A_491 = arith.constant 1 : i32
        %sub3A_492 = arith.subi %div3A_471, %sub3A_491 : i32
        %select_n3A_493 = arith.select %and3A_490, %sub3A_492, %div3A_471 : i32
        %multiple_of3A_494 = tpu.assume_multiple %select_n3A_493, 8 : i32
        %dma_wait3A_495 = arith.constant 0 : i32
        %dma_wait3A_496 = tpu.memref_slice %arg27[%dma_wait3A_495] : memref<48xi32, #tpu.memory_space<vmem>> -> memref<40xi32, #tpu.memory_space<vmem>>
        %dma_wait3A_497 = tpu.memref_slice %arg8[%multiple_of3A_494] : memref<160000xi32, #tpu.memory_space<hbm>> -> memref<40xi32, #tpu.memory_space<hbm>>
        %dma_wait3A_498 = tpu.memref_slice %arg8[%multiple_of3A_494] : memref<160000xi32, #tpu.memory_space<hbm>> -> memref<40xi32, #tpu.memory_space<hbm>>
        %dma_wait3A_499 = arith.constant 0 : i32
        %dma_wait3A_500 = tpu.memref_slice %arg27[%dma_wait3A_499] : memref<48xi32, #tpu.memory_space<vmem>> -> memref<40xi32, #tpu.memory_space<vmem>>
        tpu.wait_dma2 semaphore(%arg51 : memref<!tpu.dma_semaphore, #tpu.memory_space<semaphore_mem>>) src(%dma_wait3A_500 : memref<40xi32, #tpu.memory_space<vmem>>) dst(%dma_wait3A_498 : memref<40xi32, #tpu.memory_space<hbm>>)
        %dma_wait3A_501 = arith.constant 0 : i32
        %dma_wait3A_502 = tpu.memref_slice %arg31[%dma_wait3A_501] : memref<48xi32, #tpu.memory_space<vmem>> -> memref<40xi32, #tpu.memory_space<vmem>>
        %dma_wait3A_503 = tpu.memref_slice %arg9[%multiple_of3A_494] : memref<160000xi32, #tpu.memory_space<hbm>> -> memref<40xi32, #tpu.memory_space<hbm>>
        %dma_wait3A_504 = tpu.memref_slice %arg9[%multiple_of3A_494] : memref<160000xi32, #tpu.memory_space<hbm>> -> memref<40xi32, #tpu.memory_space<hbm>>
        %dma_wait3A_505 = arith.constant 0 : i32
        %dma_wait3A_506 = tpu.memref_slice %arg31[%dma_wait3A_505] : memref<48xi32, #tpu.memory_space<vmem>> -> memref<40xi32, #tpu.memory_space<vmem>>
        tpu.wait_dma2 semaphore(%arg55 : memref<!tpu.dma_semaphore, #tpu.memory_space<semaphore_mem>>) src(%dma_wait3A_506 : memref<40xi32, #tpu.memory_space<vmem>>) dst(%dma_wait3A_504 : memref<40xi32, #tpu.memory_space<hbm>>)
      } else {
      }
      %lt3A_369 = arith.constant 125 : i32
      %lt3A_370 = arith.cmpi slt, %add3A_360, %lt3A_369 : i32
      %convert_element_type3A_371 = arith.extui %lt3A_370 : i1 to i32
      %cond3A_372 = arith.constant 0 : i32
      %cond3A_373 = arith.cmpi ne, %convert_element_type3A_371, %cond3A_372 : i32
      scf.if %cond3A_373 {
        %mul3A_432 = arith.constant 80 : i32
        %mul3A_433 = arith.muli %add3A_360, %mul3A_432 : i32
        %multiple_of3A_434 = tpu.assume_multiple %mul3A_433, 8 : i32
        %dma_start3A = tpu.memref_slice %arg10[%multiple_of3A_434] : memref<10000xi32, #tpu.memory_space<vmem>> -> memref<80xi32, #tpu.memory_space<vmem>>
        %dma_start3A_435 = arith.constant 0 : i32
        %dma_start3A_436 = arith.constant 0 : i32
        %dma_start3A_437 = tpu.memref_slice %arg5[%dma_start3A_435, %dma_start3A_436] : memref<10000x64xf32, #tpu.memory_space<hbm>> -> memref<10000x64xf32, #tpu.memory_space<hbm>>
        tpu.enqueue_indirect_dma source(%dma_start3A_437 : memref<10000x64xf32, #tpu.memory_space<hbm>>) target(%arg15 : memref<80x64xf32, #tpu.memory_space<vmem>>) offsets(%dma_start3A : memref<80xi32, #tpu.memory_space<vmem>>) semaphore(%arg35 : memref<!tpu.dma_semaphore, #tpu.memory_space<semaphore_mem>>)
        %mul3A_438 = arith.constant 80 : i32
        %mul3A_439 = arith.muli %add3A_360, %mul3A_438 : i32
        %multiple_of3A_440 = tpu.assume_multiple %mul3A_439, 8 : i32
        %dma_start3A_441 = arith.constant 0 : i32
        %dma_start3A_442 = tpu.memref_slice %arg23[%dma_start3A_441] : memref<96xi32, #tpu.memory_space<vmem>> -> memref<80xi32, #tpu.memory_space<vmem>>
        %dma_start3A_443 = tpu.memref_slice %arg10[%multiple_of3A_440] : memref<10000xi32, #tpu.memory_space<vmem>> -> memref<80xi32, #tpu.memory_space<vmem>>
        %dma_start3A_444 = arith.constant 0 : i32
        %dma_start3A_445 = tpu.memref_slice %arg4[%dma_start3A_444] : memref<10000xi32, #tpu.memory_space<hbm>> -> memref<10000xi32, #tpu.memory_space<hbm>>
        tpu.enqueue_indirect_dma source(%dma_start3A_445 : memref<10000xi32, #tpu.memory_space<hbm>>) target(%dma_start3A_442 : memref<80xi32, #tpu.memory_space<vmem>>) offsets(%dma_start3A_443 : memref<80xi32, #tpu.memory_space<vmem>>) semaphore(%arg43 : memref<!tpu.dma_semaphore, #tpu.memory_space<semaphore_mem>>)
      } else {
      }
      %add3A_374 = arith.constant 2 : i32
      %add3A_375 = arith.addi %mul3A_315, %add3A_374 : i32
      %lt3A_376 = arith.constant 125 : i32
      %lt3A_377 = arith.cmpi slt, %add3A_375, %lt3A_376 : i32
      %convert_element_type3A_378 = arith.extui %lt3A_377 : i1 to i32
      %cond3A_379 = arith.constant 0 : i32
      %cond3A_380 = arith.cmpi ne, %convert_element_type3A_378, %cond3A_379 : i32
      scf.if %cond3A_380 {
        %mul3A_432 = arith.constant 80 : i32
        %mul3A_433 = arith.muli %add3A_375, %mul3A_432 : i32
        %multiple_of3A_434 = tpu.assume_multiple %mul3A_433, 8 : i32
        %dma_wait3A_435 = tpu.memref_slice %arg11[%multiple_of3A_434] : memref<10000xi32, #tpu.memory_space<vmem>> -> memref<80xi32, #tpu.memory_space<vmem>>
        %dma_wait3A_436 = arith.constant 0 : i32
        %dma_wait3A_437 = arith.constant 0 : i32
        %dma_wait3A_438 = tpu.memref_slice %arg6[%dma_wait3A_436, %dma_wait3A_437] : memref<10000x64xf32, #tpu.memory_space<hbm>> -> memref<10000x64xf32, #tpu.memory_space<hbm>>
        tpu.wait_indirect_dma semaphore(%arg38 : memref<!tpu.dma_semaphore, #tpu.memory_space<semaphore_mem>>) src(%dma_wait3A_438 : memref<10000x64xf32, #tpu.memory_space<hbm>>) dst(%arg14 : memref<80x64xf32, #tpu.memory_space<vmem>>)
        %mul3A_439 = arith.constant 80 : i32
        %mul3A_440 = arith.muli %add3A_375, %mul3A_439 : i32
        %multiple_of3A_441 = tpu.assume_multiple %mul3A_440, 8 : i32
        %dma_wait3A_442 = arith.constant 0 : i32
        %dma_wait3A_443 = tpu.memref_slice %arg22[%dma_wait3A_442] : memref<96xi32, #tpu.memory_space<vmem>> -> memref<80xi32, #tpu.memory_space<vmem>>
        %dma_wait3A_444 = tpu.memref_slice %arg10[%multiple_of3A_441] : memref<10000xi32, #tpu.memory_space<vmem>> -> memref<80xi32, #tpu.memory_space<vmem>>
        %dma_wait3A_445 = arith.constant 0 : i32
        %dma_wait3A_446 = tpu.memref_slice %arg4[%dma_wait3A_445] : memref<10000xi32, #tpu.memory_space<hbm>> -> memref<10000xi32, #tpu.memory_space<hbm>>
        tpu.wait_indirect_dma semaphore(%arg42 : memref<!tpu.dma_semaphore, #tpu.memory_space<semaphore_mem>>) src(%dma_wait3A_446 : memref<10000xi32, #tpu.memory_space<hbm>>) dst(%dma_wait3A_443 : memref<80xi32, #tpu.memory_space<vmem>>)
        %iota3A = tpu.iota {dimensions = array<i32: 0>} : vector<16xi32>
        %mul3A_447 = arith.constant 2 : i32
        %mul3A_448 = vector.broadcast %mul3A_447 : i32 to vector<16xi32>
        %mul3A_449 = arith.muli %mul3A_448, %iota3A : vector<16xi32>
        %add3A_450 = arith.constant 0 : i32
        %add3A_451 = vector.broadcast %add3A_450 : i32 to vector<16xi32>
        %add3A_452 = arith.addi %add3A_451, %mul3A_449 : vector<16xi32>
        %gather3A = tpu.vector_load_idx %arg22[%add3A_452] : memref<96xi32, #tpu.memory_space<vmem>>[vector<16xi32>], vector<16xi32>,
        %swap3A = arith.constant 0 : index
        %swap3A_453 = tpu.vector_load %arg26[%swap3A] {strides = array<i32>} : memref<48xi32, #tpu.memory_space<vmem>>, vector<16xi32>,
        tpu.vector_store %arg26[%swap3A], %gather3A {strides = array<i32>} : memref<48xi32, #tpu.memory_space<vmem>>, vector<16xi32>,
        %add3A_454 = arith.constant 1 : i32
        %add3A_455 = vector.broadcast %add3A_454 : i32 to vector<16xi32>
        %add3A_456 = arith.addi %add3A_452, %add3A_455 : vector<16xi32>
        %gather3A_457 = tpu.vector_load_idx %arg22[%add3A_456] : memref<96xi32, #tpu.memory_space<vmem>>[vector<16xi32>], vector<16xi32>,
        %swap3A_458 = arith.constant 0 : index
        %swap3A_459 = tpu.vector_load %arg30[%swap3A_458] {strides = array<i32>} : memref<48xi32, #tpu.memory_space<vmem>>, vector<16xi32>,
        tpu.vector_store %arg30[%swap3A_458], %gather3A_457 {strides = array<i32>} : memref<48xi32, #tpu.memory_space<vmem>>, vector<16xi32>,
        %mul3A_460 = arith.constant 2 : i32
        %mul3A_461 = vector.broadcast %mul3A_460 : i32 to vector<16xi32>
        %mul3A_462 = arith.muli %mul3A_461, %iota3A : vector<16xi32>
        %add3A_463 = arith.constant 32 : i32
        %add3A_464 = vector.broadcast %add3A_463 : i32 to vector<16xi32>
        %add3A_465 = arith.addi %add3A_464, %mul3A_462 : vector<16xi32>
        %gather3A_466 = tpu.vector_load_idx %arg22[%add3A_465] : memref<96xi32, #tpu.memory_space<vmem>>[vector<16xi32>], vector<16xi32>,
        %swap3A_467 = arith.constant 16 : index
        %swap3A_468 = tpu.vector_load %arg26[%swap3A_467] {strides = array<i32>} : memref<48xi32, #tpu.memory_space<vmem>>, vector<16xi32>,
        tpu.vector_store %arg26[%swap3A_467], %gather3A_466 {strides = array<i32>} : memref<48xi32, #tpu.memory_space<vmem>>, vector<16xi32>,
        %add3A_469 = arith.constant 1 : i32
        %add3A_470 = vector.broadcast %add3A_469 : i32 to vector<16xi32>
        %add3A_471 = arith.addi %add3A_465, %add3A_470 : vector<16xi32>
        %gather3A_472 = tpu.vector_load_idx %arg22[%add3A_471] : memref<96xi32, #tpu.memory_space<vmem>>[vector<16xi32>], vector<16xi32>,
        %swap3A_473 = arith.constant 16 : index
        %swap3A_474 = tpu.vector_load %arg30[%swap3A_473] {strides = array<i32>} : memref<48xi32, #tpu.memory_space<vmem>>, vector<16xi32>,
        tpu.vector_store %arg30[%swap3A_473], %gather3A_472 {strides = array<i32>} : memref<48xi32, #tpu.memory_space<vmem>>, vector<16xi32>,
        %mul3A_475 = arith.constant 2 : i32
        %mul3A_476 = vector.broadcast %mul3A_475 : i32 to vector<16xi32>
        %mul3A_477 = arith.muli %mul3A_476, %iota3A : vector<16xi32>
        %add3A_478 = arith.constant 64 : i32
        %add3A_479 = vector.broadcast %add3A_478 : i32 to vector<16xi32>
        %add3A_480 = arith.addi %add3A_479, %mul3A_477 : vector<16xi32>
        %gather3A_481 = tpu.vector_load_idx %arg22[%add3A_480] : memref<96xi32, #tpu.memory_space<vmem>>[vector<16xi32>], vector<16xi32>,
        %swap3A_482 = arith.constant 32 : index
        %swap3A_483 = tpu.vector_load %arg26[%swap3A_482] {strides = array<i32>} : memref<48xi32, #tpu.memory_space<vmem>>, vector<16xi32>,
        tpu.vector_store %arg26[%swap3A_482], %gather3A_481 {strides = array<i32>} : memref<48xi32, #tpu.memory_space<vmem>>, vector<16xi32>,
        %add3A_484 = arith.constant 1 : i32
        %add3A_485 = vector.broadcast %add3A_484 : i32 to vector<16xi32>
        %add3A_486 = arith.addi %add3A_480, %add3A_485 : vector<16xi32>
        %gather3A_487 = tpu.vector_load_idx %arg22[%add3A_486] : memref<96xi32, #tpu.memory_space<vmem>>[vector<16xi32>], vector<16xi32>,
        %swap3A_488 = arith.constant 32 : index
        %swap3A_489 = tpu.vector_load %arg30[%swap3A_488] {strides = array<i32>} : memref<48xi32, #tpu.memory_space<vmem>>, vector<16xi32>,
        tpu.vector_store %arg30[%swap3A_488], %gather3A_487 {strides = array<i32>} : memref<48xi32, #tpu.memory_space<vmem>>, vector<16xi32>,
        %parallel_loop3A = arith.constant 0 : i32
        %parallel_loop3A_490 = arith.constant 40 : i32
        %parallel_loop3A_491 = arith.constant 1 : i32
        scf.for %parallel_loop3A_562 = %parallel_loop3A to %parallel_loop3A_490 step %parallel_loop3A_491  : i32 {
          %parallel_loop3A_563 = arith.constant 2 : i32
          %parallel_loop3A_564 = arith.muli %parallel_loop3A_563, %parallel_loop3A_562 : i32
          %parallel_loop3A_565 = arith.index_cast %parallel_loop3A_564 : i32 to index
          %parallel_loop3A_566 = arith.constant 0 : index
          %parallel_loop3A_567 = tpu.vector_load %arg14[%parallel_loop3A_565, %parallel_loop3A_566] {strides = array<i32>} : memref<80x64xf32, #tpu.memory_space<vmem>>, vector<16xf32>,
          %parallel_loop3A_568 = arith.index_cast %parallel_loop3A_562 : i32 to index
          %parallel_loop3A_569 = arith.constant 0 : index
          %parallel_loop3A_570 = tpu.vector_load %arg18[%parallel_loop3A_568, %parallel_loop3A_569] {strides = array<i32>} : memref<40x128xf32, #tpu.memory_space<vmem>>, vector<16xf32>,
          tpu.vector_store %arg18[%parallel_loop3A_568, %parallel_loop3A_569], %parallel_loop3A_567 {strides = array<i32>} : memref<40x128xf32, #tpu.memory_space<vmem>>, vector<16xf32>,
          %parallel_loop3A_571 = arith.constant 2 : i32
          %parallel_loop3A_572 = arith.muli %parallel_loop3A_571, %parallel_loop3A_562 : i32
          %parallel_loop3A_573 = arith.index_cast %parallel_loop3A_572 : i32 to index
          %parallel_loop3A_574 = arith.constant 16 : index
          %parallel_loop3A_575 = tpu.vector_load %arg14[%parallel_loop3A_573, %parallel_loop3A_574] {strides = array<i32>} : memref<80x64xf32, #tpu.memory_space<vmem>>, vector<16xf32>,
          %parallel_loop3A_576 = arith.index_cast %parallel_loop3A_562 : i32 to index
          %parallel_loop3A_577 = arith.constant 16 : index
          %parallel_loop3A_578 = tpu.vector_load %arg18[%parallel_loop3A_576, %parallel_loop3A_577] {strides = array<i32>} : memref<40x128xf32, #tpu.memory_space<vmem>>, vector<16xf32>,
          tpu.vector_store %arg18[%parallel_loop3A_576, %parallel_loop3A_577], %parallel_loop3A_575 {strides = array<i32>} : memref<40x128xf32, #tpu.memory_space<vmem>>, vector<16xf32>,
          %parallel_loop3A_579 = arith.constant 2 : i32
          %parallel_loop3A_580 = arith.muli %parallel_loop3A_579, %parallel_loop3A_562 : i32
          %parallel_loop3A_581 = arith.index_cast %parallel_loop3A_580 : i32 to index
          %parallel_loop3A_582 = arith.constant 32 : index
          %parallel_loop3A_583 = tpu.vector_load %arg14[%parallel_loop3A_581, %parallel_loop3A_582] {strides = array<i32>} : memref<80x64xf32, #tpu.memory_space<vmem>>, vector<16xf32>,
          %parallel_loop3A_584 = arith.index_cast %parallel_loop3A_562 : i32 to index
          %parallel_loop3A_585 = arith.constant 32 : index
          %parallel_loop3A_586 = tpu.vector_load %arg18[%parallel_loop3A_584, %parallel_loop3A_585] {strides = array<i32>} : memref<40x128xf32, #tpu.memory_space<vmem>>, vector<16xf32>,
          tpu.vector_store %arg18[%parallel_loop3A_584, %parallel_loop3A_585], %parallel_loop3A_583 {strides = array<i32>} : memref<40x128xf32, #tpu.memory_space<vmem>>, vector<16xf32>,
          %parallel_loop3A_587 = arith.constant 2 : i32
          %parallel_loop3A_588 = arith.muli %parallel_loop3A_587, %parallel_loop3A_562 : i32
          %parallel_loop3A_589 = arith.index_cast %parallel_loop3A_588 : i32 to index
          %parallel_loop3A_590 = arith.constant 48 : index
          %parallel_loop3A_591 = tpu.vector_load %arg14[%parallel_loop3A_589, %parallel_loop3A_590] {strides = array<i32>} : memref<80x64xf32, #tpu.memory_space<vmem>>, vector<16xf32>,
          %parallel_loop3A_592 = arith.index_cast %parallel_loop3A_562 : i32 to index
          %parallel_loop3A_593 = arith.constant 48 : index
          %parallel_loop3A_594 = tpu.vector_load %arg18[%parallel_loop3A_592, %parallel_loop3A_593] {strides = array<i32>} : memref<40x128xf32, #tpu.memory_space<vmem>>, vector<16xf32>,
          tpu.vector_store %arg18[%parallel_loop3A_592, %parallel_loop3A_593], %parallel_loop3A_591 {strides = array<i32>} : memref<40x128xf32, #tpu.memory_space<vmem>>, vector<16xf32>,
          %parallel_loop3A_595 = arith.constant 2 : i32
          %parallel_loop3A_596 = arith.muli %parallel_loop3A_595, %parallel_loop3A_562 : i32
          %parallel_loop3A_597 = arith.constant 1 : i32
          %parallel_loop3A_598 = arith.addi %parallel_loop3A_596, %parallel_loop3A_597 : i32
          %parallel_loop3A_599 = arith.index_cast %parallel_loop3A_598 : i32 to index
          %parallel_loop3A_600 = arith.constant 0 : index
          %parallel_loop3A_601 = tpu.vector_load %arg14[%parallel_loop3A_599, %parallel_loop3A_600] {strides = array<i32>} : memref<80x64xf32, #tpu.memory_space<vmem>>, vector<16xf32>,
          %parallel_loop3A_602 = arith.index_cast %parallel_loop3A_562 : i32 to index
          %parallel_loop3A_603 = arith.constant 64 : index
          %parallel_loop3A_604 = tpu.vector_load %arg18[%parallel_loop3A_602, %parallel_loop3A_603] {strides = array<i32>} : memref<40x128xf32, #tpu.memory_space<vmem>>, vector<16xf32>,
          tpu.vector_store %arg18[%parallel_loop3A_602, %parallel_loop3A_603], %parallel_loop3A_601 {strides = array<i32>} : memref<40x128xf32, #tpu.memory_space<vmem>>, vector<16xf32>,
          %parallel_loop3A_605 = arith.constant 2 : i32
          %parallel_loop3A_606 = arith.muli %parallel_loop3A_605, %parallel_loop3A_562 : i32
          %parallel_loop3A_607 = arith.constant 1 : i32
          %parallel_loop3A_608 = arith.addi %parallel_loop3A_606, %parallel_loop3A_607 : i32
          %parallel_loop3A_609 = arith.index_cast %parallel_loop3A_608 : i32 to index
          %parallel_loop3A_610 = arith.constant 16 : index
          %parallel_loop3A_611 = tpu.vector_load %arg14[%parallel_loop3A_609, %parallel_loop3A_610] {strides = array<i32>} : memref<80x64xf32, #tpu.memory_space<vmem>>, vector<16xf32>,
          %parallel_loop3A_612 = arith.index_cast %parallel_loop3A_562 : i32 to index
          %parallel_loop3A_613 = arith.constant 80 : index
          %parallel_loop3A_614 = tpu.vector_load %arg18[%parallel_loop3A_612, %parallel_loop3A_613] {strides = array<i32>} : memref<40x128xf32, #tpu.memory_space<vmem>>, vector<16xf32>,
          tpu.vector_store %arg18[%parallel_loop3A_612, %parallel_loop3A_613], %parallel_loop3A_611 {strides = array<i32>} : memref<40x128xf32, #tpu.memory_space<vmem>>, vector<16xf32>,
          %parallel_loop3A_615 = arith.constant 2 : i32
          %parallel_loop3A_616 = arith.muli %parallel_loop3A_615, %parallel_loop3A_562 : i32
          %parallel_loop3A_617 = arith.constant 1 : i32
          %parallel_loop3A_618 = arith.addi %parallel_loop3A_616, %parallel_loop3A_617 : i32
          %parallel_loop3A_619 = arith.index_cast %parallel_loop3A_618 : i32 to index
          %parallel_loop3A_620 = arith.constant 32 : index
          %parallel_loop3A_621 = tpu.vector_load %arg14[%parallel_loop3A_619, %parallel_loop3A_620] {strides = array<i32>} : memref<80x64xf32, #tpu.memory_space<vmem>>, vector<16xf32>,
          %parallel_loop3A_622 = arith.index_cast %parallel_loop3A_562 : i32 to index
          %parallel_loop3A_623 = arith.constant 96 : index
          %parallel_loop3A_624 = tpu.vector_load %arg18[%parallel_loop3A_622, %parallel_loop3A_623] {strides = array<i32>} : memref<40x128xf32, #tpu.memory_space<vmem>>, vector<16xf32>,
          tpu.vector_store %arg18[%parallel_loop3A_622, %parallel_loop3A_623], %parallel_loop3A_621 {strides = array<i32>} : memref<40x128xf32, #tpu.memory_space<vmem>>, vector<16xf32>,
          %parallel_loop3A_625 = arith.constant 2 : i32
          %parallel_loop3A_626 = arith.muli %parallel_loop3A_625, %parallel_loop3A_562 : i32
          %parallel_loop3A_627 = arith.constant 1 : i32
          %parallel_loop3A_628 = arith.addi %parallel_loop3A_626, %parallel_loop3A_627 : i32
          %parallel_loop3A_629 = arith.index_cast %parallel_loop3A_628 : i32 to index
          %parallel_loop3A_630 = arith.constant 48 : index
          %parallel_loop3A_631 = tpu.vector_load %arg14[%parallel_loop3A_629, %parallel_loop3A_630] {strides = array<i32>} : memref<80x64xf32, #tpu.memory_space<vmem>>, vector<16xf32>,
          %parallel_loop3A_632 = arith.index_cast %parallel_loop3A_562 : i32 to index
          %parallel_loop3A_633 = arith.constant 112 : index
          %parallel_loop3A_634 = tpu.vector_load %arg18[%parallel_loop3A_632, %parallel_loop3A_633] {strides = array<i32>} : memref<40x128xf32, #tpu.memory_space<vmem>>, vector<16xf32>,
          tpu.vector_store %arg18[%parallel_loop3A_632, %parallel_loop3A_633], %parallel_loop3A_631 {strides = array<i32>} : memref<40x128xf32, #tpu.memory_space<vmem>>, vector<16xf32>,
        } {sc.loop_unroll_factor = 4 : i64, sc.parallel_access}
        %mul3A_492 = arith.constant 80 : i32
        %mul3A_493 = arith.muli %add3A_375, %mul3A_492 : i32
        %add3A_494 = arith.addi %mul3A_2, %mul3A_493 : i32
        %jit3A_495 = arith.constant 2 : i32
        %div3A_496 = arith.divsi %add3A_494, %jit3A_495 : i32
        %sign3A_497 = arith.constant 0 : i32
        %sign3A_498 = arith.cmpi sgt, %add3A_494, %sign3A_497 : i32
        %sign3A_499 = arith.extui %sign3A_498 : i1 to i32
        %sign3A_500 = arith.constant 0 : i32
        %sign3A_501 = arith.cmpi slt, %add3A_494, %sign3A_500 : i32
        %sign3A_502 = arith.extui %sign3A_501 : i1 to i32
        %sign3A_503 = arith.subi %sign3A_499, %sign3A_502 : i32
        %sign3A_504 = arith.constant 0 : i32
        %sign3A_505 = arith.cmpi sgt, %jit3A_495, %sign3A_504 : i32
        %sign3A_506 = arith.extui %sign3A_505 : i1 to i32
        %sign3A_507 = arith.constant 0 : i32
        %sign3A_508 = arith.cmpi slt, %jit3A_495, %sign3A_507 : i32
        %sign3A_509 = arith.extui %sign3A_508 : i1 to i32
        %sign3A_510 = arith.subi %sign3A_506, %sign3A_509 : i32
        %ne3A_511 = arith.cmpi ne, %sign3A_503, %sign3A_510 : i32
        %rem3A_512 = arith.remsi %add3A_494, %jit3A_495 : i32
        %ne3A_513 = arith.constant 0 : i32
        %ne3A_514 = arith.cmpi ne, %rem3A_512, %ne3A_513 : i32
        %and3A_515 = arith.andi %ne3A_511, %ne3A_514 : i1
        %sub3A_516 = arith.constant 1 : i32
        %sub3A_517 = arith.subi %div3A_496, %sub3A_516 : i32
        %select_n3A_518 = arith.select %and3A_515, %sub3A_517, %div3A_496 : i32
        %dma_start3A = arith.constant 0 : i32
        %dma_start3A_519 = tpu.memref_slice %arg7[%select_n3A_518, %dma_start3A] : memref<160000x128xf32, #tpu.memory_space<hbm>> -> memref<40x128xf32, #tpu.memory_space<hbm>>
        %dma_start3A_520 = arith.constant 0 : i32
        %dma_start3A_521 = tpu.memref_slice %arg7[%select_n3A_518, %dma_start3A_520] : memref<160000x128xf32, #tpu.memory_space<hbm>> -> memref<40x128xf32, #tpu.memory_space<hbm>>
        tpu.enqueue_dma source(%arg18 : memref<40x128xf32, #tpu.memory_space<vmem>>) target(%dma_start3A_521 : memref<40x128xf32, #tpu.memory_space<hbm>>) target_semaphore(%arg46 : memref<!tpu.dma_semaphore, #tpu.memory_space<semaphore_mem>>)
        %mul3A_522 = arith.constant 80 : i32
        %mul3A_523 = arith.muli %add3A_375, %mul3A_522 : i32
        %add3A_524 = arith.addi %mul3A_2, %mul3A_523 : i32
        %jit3A_525 = arith.constant 2 : i32
        %div3A_526 = arith.divsi %add3A_524, %jit3A_525 : i32
        %sign3A_527 = arith.constant 0 : i32
        %sign3A_528 = arith.cmpi sgt, %add3A_524, %sign3A_527 : i32
        %sign3A_529 = arith.extui %sign3A_528 : i1 to i32
        %sign3A_530 = arith.constant 0 : i32
        %sign3A_531 = arith.cmpi slt, %add3A_524, %sign3A_530 : i32
        %sign3A_532 = arith.extui %sign3A_531 : i1 to i32
        %sign3A_533 = arith.subi %sign3A_529, %sign3A_532 : i32
        %sign3A_534 = arith.constant 0 : i32
        %sign3A_535 = arith.cmpi sgt, %jit3A_525, %sign3A_534 : i32
        %sign3A_536 = arith.extui %sign3A_535 : i1 to i32
        %sign3A_537 = arith.constant 0 : i32
        %sign3A_538 = arith.cmpi slt, %jit3A_525, %sign3A_537 : i32
        %sign3A_539 = arith.extui %sign3A_538 : i1 to i32
        %sign3A_540 = arith.subi %sign3A_536, %sign3A_539 : i32
        %ne3A_541 = arith.cmpi ne, %sign3A_533, %sign3A_540 : i32
        %rem3A_542 = arith.remsi %add3A_524, %jit3A_525 : i32
        %ne3A_543 = arith.constant 0 : i32
        %ne3A_544 = arith.cmpi ne, %rem3A_542, %ne3A_543 : i32
        %and3A_545 = arith.andi %ne3A_541, %ne3A_544 : i1
        %sub3A_546 = arith.constant 1 : i32
        %sub3A_547 = arith.subi %div3A_526, %sub3A_546 : i32
        %select_n3A_548 = arith.select %and3A_545, %sub3A_547, %div3A_526 : i32
        %multiple_of3A_549 = tpu.assume_multiple %select_n3A_548, 8 : i32
        %dma_start3A_550 = arith.constant 0 : i32
        %dma_start3A_551 = tpu.memref_slice %arg26[%dma_start3A_550] : memref<48xi32, #tpu.memory_space<vmem>> -> memref<40xi32, #tpu.memory_space<vmem>>
        %dma_start3A_552 = tpu.memref_slice %arg8[%multiple_of3A_549] : memref<160000xi32, #tpu.memory_space<hbm>> -> memref<40xi32, #tpu.memory_space<hbm>>
        %dma_start3A_553 = tpu.memref_slice %arg8[%multiple_of3A_549] : memref<160000xi32, #tpu.memory_space<hbm>> -> memref<40xi32, #tpu.memory_space<hbm>>
        %dma_start3A_554 = arith.constant 0 : i32
        %dma_start3A_555 = tpu.memref_slice %arg26[%dma_start3A_554] : memref<48xi32, #tpu.memory_space<vmem>> -> memref<40xi32, #tpu.memory_space<vmem>>
        tpu.enqueue_dma source(%dma_start3A_555 : memref<40xi32, #tpu.memory_space<vmem>>) target(%dma_start3A_553 : memref<40xi32, #tpu.memory_space<hbm>>) target_semaphore(%arg50 : memref<!tpu.dma_semaphore, #tpu.memory_space<semaphore_mem>>)
        %dma_start3A_556 = arith.constant 0 : i32
        %dma_start3A_557 = tpu.memref_slice %arg30[%dma_start3A_556] : memref<48xi32, #tpu.memory_space<vmem>> -> memref<40xi32, #tpu.memory_space<vmem>>
        %dma_start3A_558 = tpu.memref_slice %arg9[%multiple_of3A_549] : memref<160000xi32, #tpu.memory_space<hbm>> -> memref<40xi32, #tpu.memory_space<hbm>>
        %dma_start3A_559 = tpu.memref_slice %arg9[%multiple_of3A_549] : memref<160000xi32, #tpu.memory_space<hbm>> -> memref<40xi32, #tpu.memory_space<hbm>>
        %dma_start3A_560 = arith.constant 0 : i32
        %dma_start3A_561 = tpu.memref_slice %arg30[%dma_start3A_560] : memref<48xi32, #tpu.memory_space<vmem>> -> memref<40xi32, #tpu.memory_space<vmem>>
        tpu.enqueue_dma source(%dma_start3A_561 : memref<40xi32, #tpu.memory_space<vmem>>) target(%dma_start3A_559 : memref<40xi32, #tpu.memory_space<hbm>>) target_semaphore(%arg54 : memref<!tpu.dma_semaphore, #tpu.memory_space<semaphore_mem>>)
      } else {
      }
      %add3A_381 = arith.constant 1 : i32
      %add3A_382 = arith.addi %add3A_375, %add3A_381 : i32
      %lt3A_383 = arith.constant 125 : i32
      %lt3A_384 = arith.cmpi slt, %add3A_382, %lt3A_383 : i32
      %convert_element_type3A_385 = arith.extui %lt3A_384 : i1 to i32
      %cond3A_386 = arith.constant 0 : i32
      %cond3A_387 = arith.cmpi ne, %convert_element_type3A_385, %cond3A_386 : i32
      scf.if %cond3A_387 {
        %mul3A_432 = arith.constant 80 : i32
        %mul3A_433 = arith.muli %add3A_382, %mul3A_432 : i32
        %multiple_of3A_434 = tpu.assume_multiple %mul3A_433, 8 : i32
        %dma_wait3A_435 = tpu.memref_slice %arg10[%multiple_of3A_434] : memref<10000xi32, #tpu.memory_space<vmem>> -> memref<80xi32, #tpu.memory_space<vmem>>
        %dma_wait3A_436 = arith.constant 0 : i32
        %dma_wait3A_437 = arith.constant 0 : i32
        %dma_wait3A_438 = tpu.memref_slice %arg5[%dma_wait3A_436, %dma_wait3A_437] : memref<10000x64xf32, #tpu.memory_space<hbm>> -> memref<10000x64xf32, #tpu.memory_space<hbm>>
        tpu.wait_indirect_dma semaphore(%arg35 : memref<!tpu.dma_semaphore, #tpu.memory_space<semaphore_mem>>) src(%dma_wait3A_438 : memref<10000x64xf32, #tpu.memory_space<hbm>>) dst(%arg15 : memref<80x64xf32, #tpu.memory_space<vmem>>)
        %mul3A_439 = arith.constant 80 : i32
        %mul3A_440 = arith.muli %add3A_382, %mul3A_439 : i32
        %multiple_of3A_441 = tpu.assume_multiple %mul3A_440, 8 : i32
        %dma_start3A = tpu.memref_slice %arg11[%multiple_of3A_441] : memref<10000xi32, #tpu.memory_space<vmem>> -> memref<80xi32, #tpu.memory_space<vmem>>
        %dma_start3A_442 = arith.constant 0 : i32
        %dma_start3A_443 = arith.constant 0 : i32
        %dma_start3A_444 = tpu.memref_slice %arg6[%dma_start3A_442, %dma_start3A_443] : memref<10000x64xf32, #tpu.memory_space<hbm>> -> memref<10000x64xf32, #tpu.memory_space<hbm>>
        tpu.enqueue_indirect_dma source(%dma_start3A_444 : memref<10000x64xf32, #tpu.memory_space<hbm>>) target(%arg15 : memref<80x64xf32, #tpu.memory_space<vmem>>) offsets(%dma_start3A : memref<80xi32, #tpu.memory_space<vmem>>) semaphore(%arg39 : memref<!tpu.dma_semaphore, #tpu.memory_space<semaphore_mem>>) {add = true}
      } else {
      }
      %add3A_388 = arith.constant 2 : i32
      %add3A_389 = arith.addi %add3A_375, %add3A_388 : i32
      %lt3A_390 = arith.constant 125 : i32
      %lt3A_391 = arith.cmpi slt, %add3A_389, %lt3A_390 : i32
      %ge3A_392 = arith.constant 4 : i32
      %ge3A_393 = arith.cmpi sge, %add3A_389, %ge3A_392 : i32
      %and3A_394 = arith.andi %lt3A_391, %ge3A_393 : i1
      %convert_element_type3A_395 = arith.extui %and3A_394 : i1 to i32
      %cond3A_396 = arith.constant 0 : i32
      %cond3A_397 = arith.cmpi ne, %convert_element_type3A_395, %cond3A_396 : i32
      scf.if %cond3A_397 {
        %sub3A_432 = arith.constant 4 : i32
        %sub3A_433 = arith.subi %add3A_389, %sub3A_432 : i32
        %mul3A_434 = arith.constant 80 : i32
        %mul3A_435 = arith.muli %sub3A_433, %mul3A_434 : i32
        %add3A_436 = arith.addi %mul3A_2, %mul3A_435 : i32
        %jit3A_437 = arith.constant 2 : i32
        %div3A_438 = arith.divsi %add3A_436, %jit3A_437 : i32
        %sign3A_439 = arith.constant 0 : i32
        %sign3A_440 = arith.cmpi sgt, %add3A_436, %sign3A_439 : i32
        %sign3A_441 = arith.extui %sign3A_440 : i1 to i32
        %sign3A_442 = arith.constant 0 : i32
        %sign3A_443 = arith.cmpi slt, %add3A_436, %sign3A_442 : i32
        %sign3A_444 = arith.extui %sign3A_443 : i1 to i32
        %sign3A_445 = arith.subi %sign3A_441, %sign3A_444 : i32
        %sign3A_446 = arith.constant 0 : i32
        %sign3A_447 = arith.cmpi sgt, %jit3A_437, %sign3A_446 : i32
        %sign3A_448 = arith.extui %sign3A_447 : i1 to i32
        %sign3A_449 = arith.constant 0 : i32
        %sign3A_450 = arith.cmpi slt, %jit3A_437, %sign3A_449 : i32
        %sign3A_451 = arith.extui %sign3A_450 : i1 to i32
        %sign3A_452 = arith.subi %sign3A_448, %sign3A_451 : i32
        %ne3A_453 = arith.cmpi ne, %sign3A_445, %sign3A_452 : i32
        %rem3A_454 = arith.remsi %add3A_436, %jit3A_437 : i32
        %ne3A_455 = arith.constant 0 : i32
        %ne3A_456 = arith.cmpi ne, %rem3A_454, %ne3A_455 : i32
        %and3A_457 = arith.andi %ne3A_453, %ne3A_456 : i1
        %sub3A_458 = arith.constant 1 : i32
        %sub3A_459 = arith.subi %div3A_438, %sub3A_458 : i32
        %select_n3A_460 = arith.select %and3A_457, %sub3A_459, %div3A_438 : i32
        %dma_wait3A_461 = arith.constant 0 : i32
        %dma_wait3A_462 = tpu.memref_slice %arg7[%select_n3A_460, %dma_wait3A_461] : memref<160000x128xf32, #tpu.memory_space<hbm>> -> memref<40x128xf32, #tpu.memory_space<hbm>>
        %dma_wait3A_463 = arith.constant 0 : i32
        %dma_wait3A_464 = tpu.memref_slice %arg7[%select_n3A_460, %dma_wait3A_463] : memref<160000x128xf32, #tpu.memory_space<hbm>> -> memref<40x128xf32, #tpu.memory_space<hbm>>
        tpu.wait_dma2 semaphore(%arg44 : memref<!tpu.dma_semaphore, #tpu.memory_space<semaphore_mem>>) src(%arg16 : memref<40x128xf32, #tpu.memory_space<vmem>>) dst(%dma_wait3A_464 : memref<40x128xf32, #tpu.memory_space<hbm>>)
        %sub3A_465 = arith.constant 4 : i32
        %sub3A_466 = arith.subi %add3A_389, %sub3A_465 : i32
        %mul3A_467 = arith.constant 80 : i32
        %mul3A_468 = arith.muli %sub3A_466, %mul3A_467 : i32
        %add3A_469 = arith.addi %mul3A_2, %mul3A_468 : i32
        %jit3A_470 = arith.constant 2 : i32
        %div3A_471 = arith.divsi %add3A_469, %jit3A_470 : i32
        %sign3A_472 = arith.constant 0 : i32
        %sign3A_473 = arith.cmpi sgt, %add3A_469, %sign3A_472 : i32
        %sign3A_474 = arith.extui %sign3A_473 : i1 to i32
        %sign3A_475 = arith.constant 0 : i32
        %sign3A_476 = arith.cmpi slt, %add3A_469, %sign3A_475 : i32
        %sign3A_477 = arith.extui %sign3A_476 : i1 to i32
        %sign3A_478 = arith.subi %sign3A_474, %sign3A_477 : i32
        %sign3A_479 = arith.constant 0 : i32
        %sign3A_480 = arith.cmpi sgt, %jit3A_470, %sign3A_479 : i32
        %sign3A_481 = arith.extui %sign3A_480 : i1 to i32
        %sign3A_482 = arith.constant 0 : i32
        %sign3A_483 = arith.cmpi slt, %jit3A_470, %sign3A_482 : i32
        %sign3A_484 = arith.extui %sign3A_483 : i1 to i32
        %sign3A_485 = arith.subi %sign3A_481, %sign3A_484 : i32
        %ne3A_486 = arith.cmpi ne, %sign3A_478, %sign3A_485 : i32
        %rem3A_487 = arith.remsi %add3A_469, %jit3A_470 : i32
        %ne3A_488 = arith.constant 0 : i32
        %ne3A_489 = arith.cmpi ne, %rem3A_487, %ne3A_488 : i32
        %and3A_490 = arith.andi %ne3A_486, %ne3A_489 : i1
        %sub3A_491 = arith.constant 1 : i32
        %sub3A_492 = arith.subi %div3A_471, %sub3A_491 : i32
        %select_n3A_493 = arith.select %and3A_490, %sub3A_492, %div3A_471 : i32
        %multiple_of3A_494 = tpu.assume_multiple %select_n3A_493, 8 : i32
        %dma_wait3A_495 = arith.constant 0 : i32
        %dma_wait3A_496 = tpu.memref_slice %arg24[%dma_wait3A_495] : memref<48xi32, #tpu.memory_space<vmem>> -> memref<40xi32, #tpu.memory_space<vmem>>
        %dma_wait3A_497 = tpu.memref_slice %arg8[%multiple_of3A_494] : memref<160000xi32, #tpu.memory_space<hbm>> -> memref<40xi32, #tpu.memory_space<hbm>>
        %dma_wait3A_498 = tpu.memref_slice %arg8[%multiple_of3A_494] : memref<160000xi32, #tpu.memory_space<hbm>> -> memref<40xi32, #tpu.memory_space<hbm>>
        %dma_wait3A_499 = arith.constant 0 : i32
        %dma_wait3A_500 = tpu.memref_slice %arg24[%dma_wait3A_499] : memref<48xi32, #tpu.memory_space<vmem>> -> memref<40xi32, #tpu.memory_space<vmem>>
        tpu.wait_dma2 semaphore(%arg48 : memref<!tpu.dma_semaphore, #tpu.memory_space<semaphore_mem>>) src(%dma_wait3A_500 : memref<40xi32, #tpu.memory_space<vmem>>) dst(%dma_wait3A_498 : memref<40xi32, #tpu.memory_space<hbm>>)
        %dma_wait3A_501 = arith.constant 0 : i32
        %dma_wait3A_502 = tpu.memref_slice %arg28[%dma_wait3A_501] : memref<48xi32, #tpu.memory_space<vmem>> -> memref<40xi32, #tpu.memory_space<vmem>>
        %dma_wait3A_503 = tpu.memref_slice %arg9[%multiple_of3A_494] : memref<160000xi32, #tpu.memory_space<hbm>> -> memref<40xi32, #tpu.memory_space<hbm>>
        %dma_wait3A_504 = tpu.memref_slice %arg9[%multiple_of3A_494] : memref<160000xi32, #tpu.memory_space<hbm>> -> memref<40xi32, #tpu.memory_space<hbm>>
        %dma_wait3A_505 = arith.constant 0 : i32
        %dma_wait3A_506 = tpu.memref_slice %arg28[%dma_wait3A_505] : memref<48xi32, #tpu.memory_space<vmem>> -> memref<40xi32, #tpu.memory_space<vmem>>
        tpu.wait_dma2 semaphore(%arg52 : memref<!tpu.dma_semaphore, #tpu.memory_space<semaphore_mem>>) src(%dma_wait3A_506 : memref<40xi32, #tpu.memory_space<vmem>>) dst(%dma_wait3A_504 : memref<40xi32, #tpu.memory_space<hbm>>)
      } else {
      }
      %lt3A_398 = arith.constant 125 : i32
      %lt3A_399 = arith.cmpi slt, %add3A_389, %lt3A_398 : i32
      %convert_element_type3A_400 = arith.extui %lt3A_399 : i1 to i32
      %cond3A_401 = arith.constant 0 : i32
      %cond3A_402 = arith.cmpi ne, %convert_element_type3A_400, %cond3A_401 : i32
      scf.if %cond3A_402 {
        %mul3A_432 = arith.constant 80 : i32
        %mul3A_433 = arith.muli %add3A_389, %mul3A_432 : i32
        %multiple_of3A_434 = tpu.assume_multiple %mul3A_433, 8 : i32
        %dma_start3A = tpu.memref_slice %arg10[%multiple_of3A_434] : memref<10000xi32, #tpu.memory_space<vmem>> -> memref<80xi32, #tpu.memory_space<vmem>>
        %dma_start3A_435 = arith.constant 0 : i32
        %dma_start3A_436 = arith.constant 0 : i32
        %dma_start3A_437 = tpu.memref_slice %arg5[%dma_start3A_435, %dma_start3A_436] : memref<10000x64xf32, #tpu.memory_space<hbm>> -> memref<10000x64xf32, #tpu.memory_space<hbm>>
        tpu.enqueue_indirect_dma source(%dma_start3A_437 : memref<10000x64xf32, #tpu.memory_space<hbm>>) target(%arg12 : memref<80x64xf32, #tpu.memory_space<vmem>>) offsets(%dma_start3A : memref<80xi32, #tpu.memory_space<vmem>>) semaphore(%arg32 : memref<!tpu.dma_semaphore, #tpu.memory_space<semaphore_mem>>)
        %mul3A_438 = arith.constant 80 : i32
        %mul3A_439 = arith.muli %add3A_389, %mul3A_438 : i32
        %multiple_of3A_440 = tpu.assume_multiple %mul3A_439, 8 : i32
        %dma_start3A_441 = arith.constant 0 : i32
        %dma_start3A_442 = tpu.memref_slice %arg20[%dma_start3A_441] : memref<96xi32, #tpu.memory_space<vmem>> -> memref<80xi32, #tpu.memory_space<vmem>>
        %dma_start3A_443 = tpu.memref_slice %arg10[%multiple_of3A_440] : memref<10000xi32, #tpu.memory_space<vmem>> -> memref<80xi32, #tpu.memory_space<vmem>>
        %dma_start3A_444 = arith.constant 0 : i32
        %dma_start3A_445 = tpu.memref_slice %arg4[%dma_start3A_444] : memref<10000xi32, #tpu.memory_space<hbm>> -> memref<10000xi32, #tpu.memory_space<hbm>>
        tpu.enqueue_indirect_dma source(%dma_start3A_445 : memref<10000xi32, #tpu.memory_space<hbm>>) target(%dma_start3A_442 : memref<80xi32, #tpu.memory_space<vmem>>) offsets(%dma_start3A_443 : memref<80xi32, #tpu.memory_space<vmem>>) semaphore(%arg40 : memref<!tpu.dma_semaphore, #tpu.memory_space<semaphore_mem>>)
      } else {
      }
      %add3A_403 = arith.constant 3 : i32
      %add3A_404 = arith.addi %mul3A_315, %add3A_403 : i32
      %lt3A_405 = arith.constant 125 : i32
      %lt3A_406 = arith.cmpi slt, %add3A_404, %lt3A_405 : i32
      %convert_element_type3A_407 = arith.extui %lt3A_406 : i1 to i32
      %cond3A_408 = arith.constant 0 : i32
      %cond3A_409 = arith.cmpi ne, %convert_element_type3A_407, %cond3A_408 : i32
      scf.if %cond3A_409 {
        %mul3A_432 = arith.constant 80 : i32
        %mul3A_433 = arith.muli %add3A_404, %mul3A_432 : i32
        %multiple_of3A_434 = tpu.assume_multiple %mul3A_433, 8 : i32
        %dma_wait3A_435 = tpu.memref_slice %arg11[%multiple_of3A_434] : memref<10000xi32, #tpu.memory_space<vmem>> -> memref<80xi32, #tpu.memory_space<vmem>>
        %dma_wait3A_436 = arith.constant 0 : i32
        %dma_wait3A_437 = arith.constant 0 : i32
        %dma_wait3A_438 = tpu.memref_slice %arg6[%dma_wait3A_436, %dma_wait3A_437] : memref<10000x64xf32, #tpu.memory_space<hbm>> -> memref<10000x64xf32, #tpu.memory_space<hbm>>
        tpu.wait_indirect_dma semaphore(%arg39 : memref<!tpu.dma_semaphore, #tpu.memory_space<semaphore_mem>>) src(%dma_wait3A_438 : memref<10000x64xf32, #tpu.memory_space<hbm>>) dst(%arg15 : memref<80x64xf32, #tpu.memory_space<vmem>>)
        %mul3A_439 = arith.constant 80 : i32
        %mul3A_440 = arith.muli %add3A_404, %mul3A_439 : i32
        %multiple_of3A_441 = tpu.assume_multiple %mul3A_440, 8 : i32
        %dma_wait3A_442 = arith.constant 0 : i32
        %dma_wait3A_443 = tpu.memref_slice %arg23[%dma_wait3A_442] : memref<96xi32, #tpu.memory_space<vmem>> -> memref<80xi32, #tpu.memory_space<vmem>>
        %dma_wait3A_444 = tpu.memref_slice %arg10[%multiple_of3A_441] : memref<10000xi32, #tpu.memory_space<vmem>> -> memref<80xi32, #tpu.memory_space<vmem>>
        %dma_wait3A_445 = arith.constant 0 : i32
        %dma_wait3A_446 = tpu.memref_slice %arg4[%dma_wait3A_445] : memref<10000xi32, #tpu.memory_space<hbm>> -> memref<10000xi32, #tpu.memory_space<hbm>>
        tpu.wait_indirect_dma semaphore(%arg43 : memref<!tpu.dma_semaphore, #tpu.memory_space<semaphore_mem>>) src(%dma_wait3A_446 : memref<10000xi32, #tpu.memory_space<hbm>>) dst(%dma_wait3A_443 : memref<80xi32, #tpu.memory_space<vmem>>)
        %iota3A = tpu.iota {dimensions = array<i32: 0>} : vector<16xi32>
        %mul3A_447 = arith.constant 2 : i32
        %mul3A_448 = vector.broadcast %mul3A_447 : i32 to vector<16xi32>
        %mul3A_449 = arith.muli %mul3A_448, %iota3A : vector<16xi32>
        %add3A_450 = arith.constant 0 : i32
        %add3A_451 = vector.broadcast %add3A_450 : i32 to vector<16xi32>
        %add3A_452 = arith.addi %add3A_451, %mul3A_449 : vector<16xi32>
        %gather3A = tpu.vector_load_idx %arg23[%add3A_452] : memref<96xi32, #tpu.memory_space<vmem>>[vector<16xi32>], vector<16xi32>,
        %swap3A = arith.constant 0 : index
        %swap3A_453 = tpu.vector_load %arg27[%swap3A] {strides = array<i32>} : memref<48xi32, #tpu.memory_space<vmem>>, vector<16xi32>,
        tpu.vector_store %arg27[%swap3A], %gather3A {strides = array<i32>} : memref<48xi32, #tpu.memory_space<vmem>>, vector<16xi32>,
        %add3A_454 = arith.constant 1 : i32
        %add3A_455 = vector.broadcast %add3A_454 : i32 to vector<16xi32>
        %add3A_456 = arith.addi %add3A_452, %add3A_455 : vector<16xi32>
        %gather3A_457 = tpu.vector_load_idx %arg23[%add3A_456] : memref<96xi32, #tpu.memory_space<vmem>>[vector<16xi32>], vector<16xi32>,
        %swap3A_458 = arith.constant 0 : index
        %swap3A_459 = tpu.vector_load %arg31[%swap3A_458] {strides = array<i32>} : memref<48xi32, #tpu.memory_space<vmem>>, vector<16xi32>,
        tpu.vector_store %arg31[%swap3A_458], %gather3A_457 {strides = array<i32>} : memref<48xi32, #tpu.memory_space<vmem>>, vector<16xi32>,
        %mul3A_460 = arith.constant 2 : i32
        %mul3A_461 = vector.broadcast %mul3A_460 : i32 to vector<16xi32>
        %mul3A_462 = arith.muli %mul3A_461, %iota3A : vector<16xi32>
        %add3A_463 = arith.constant 32 : i32
        %add3A_464 = vector.broadcast %add3A_463 : i32 to vector<16xi32>
        %add3A_465 = arith.addi %add3A_464, %mul3A_462 : vector<16xi32>
        %gather3A_466 = tpu.vector_load_idx %arg23[%add3A_465] : memref<96xi32, #tpu.memory_space<vmem>>[vector<16xi32>], vector<16xi32>,
        %swap3A_467 = arith.constant 16 : index
        %swap3A_468 = tpu.vector_load %arg27[%swap3A_467] {strides = array<i32>} : memref<48xi32, #tpu.memory_space<vmem>>, vector<16xi32>,
        tpu.vector_store %arg27[%swap3A_467], %gather3A_466 {strides = array<i32>} : memref<48xi32, #tpu.memory_space<vmem>>, vector<16xi32>,
        %add3A_469 = arith.constant 1 : i32
        %add3A_470 = vector.broadcast %add3A_469 : i32 to vector<16xi32>
        %add3A_471 = arith.addi %add3A_465, %add3A_470 : vector<16xi32>
        %gather3A_472 = tpu.vector_load_idx %arg23[%add3A_471] : memref<96xi32, #tpu.memory_space<vmem>>[vector<16xi32>], vector<16xi32>,
        %swap3A_473 = arith.constant 16 : index
        %swap3A_474 = tpu.vector_load %arg31[%swap3A_473] {strides = array<i32>} : memref<48xi32, #tpu.memory_space<vmem>>, vector<16xi32>,
        tpu.vector_store %arg31[%swap3A_473], %gather3A_472 {strides = array<i32>} : memref<48xi32, #tpu.memory_space<vmem>>, vector<16xi32>,
        %mul3A_475 = arith.constant 2 : i32
        %mul3A_476 = vector.broadcast %mul3A_475 : i32 to vector<16xi32>
        %mul3A_477 = arith.muli %mul3A_476, %iota3A : vector<16xi32>
        %add3A_478 = arith.constant 64 : i32
        %add3A_479 = vector.broadcast %add3A_478 : i32 to vector<16xi32>
        %add3A_480 = arith.addi %add3A_479, %mul3A_477 : vector<16xi32>
        %gather3A_481 = tpu.vector_load_idx %arg23[%add3A_480] : memref<96xi32, #tpu.memory_space<vmem>>[vector<16xi32>], vector<16xi32>,
        %swap3A_482 = arith.constant 32 : index
        %swap3A_483 = tpu.vector_load %arg27[%swap3A_482] {strides = array<i32>} : memref<48xi32, #tpu.memory_space<vmem>>, vector<16xi32>,
        tpu.vector_store %arg27[%swap3A_482], %gather3A_481 {strides = array<i32>} : memref<48xi32, #tpu.memory_space<vmem>>, vector<16xi32>,
        %add3A_484 = arith.constant 1 : i32
        %add3A_485 = vector.broadcast %add3A_484 : i32 to vector<16xi32>
        %add3A_486 = arith.addi %add3A_480, %add3A_485 : vector<16xi32>
        %gather3A_487 = tpu.vector_load_idx %arg23[%add3A_486] : memref<96xi32, #tpu.memory_space<vmem>>[vector<16xi32>], vector<16xi32>,
        %swap3A_488 = arith.constant 32 : index
        %swap3A_489 = tpu.vector_load %arg31[%swap3A_488] {strides = array<i32>} : memref<48xi32, #tpu.memory_space<vmem>>, vector<16xi32>,
        tpu.vector_store %arg31[%swap3A_488], %gather3A_487 {strides = array<i32>} : memref<48xi32, #tpu.memory_space<vmem>>, vector<16xi32>,
        %parallel_loop3A = arith.constant 0 : i32
        %parallel_loop3A_490 = arith.constant 40 : i32
        %parallel_loop3A_491 = arith.constant 1 : i32
        scf.for %parallel_loop3A_562 = %parallel_loop3A to %parallel_loop3A_490 step %parallel_loop3A_491  : i32 {
          %parallel_loop3A_563 = arith.constant 2 : i32
          %parallel_loop3A_564 = arith.muli %parallel_loop3A_563, %parallel_loop3A_562 : i32
          %parallel_loop3A_565 = arith.index_cast %parallel_loop3A_564 : i32 to index
          %parallel_loop3A_566 = arith.constant 0 : index
          %parallel_loop3A_567 = tpu.vector_load %arg15[%parallel_loop3A_565, %parallel_loop3A_566] {strides = array<i32>} : memref<80x64xf32, #tpu.memory_space<vmem>>, vector<16xf32>,
          %parallel_loop3A_568 = arith.index_cast %parallel_loop3A_562 : i32 to index
          %parallel_loop3A_569 = arith.constant 0 : index
          %parallel_loop3A_570 = tpu.vector_load %arg19[%parallel_loop3A_568, %parallel_loop3A_569] {strides = array<i32>} : memref<40x128xf32, #tpu.memory_space<vmem>>, vector<16xf32>,
          tpu.vector_store %arg19[%parallel_loop3A_568, %parallel_loop3A_569], %parallel_loop3A_567 {strides = array<i32>} : memref<40x128xf32, #tpu.memory_space<vmem>>, vector<16xf32>,
          %parallel_loop3A_571 = arith.constant 2 : i32
          %parallel_loop3A_572 = arith.muli %parallel_loop3A_571, %parallel_loop3A_562 : i32
          %parallel_loop3A_573 = arith.index_cast %parallel_loop3A_572 : i32 to index
          %parallel_loop3A_574 = arith.constant 16 : index
          %parallel_loop3A_575 = tpu.vector_load %arg15[%parallel_loop3A_573, %parallel_loop3A_574] {strides = array<i32>} : memref<80x64xf32, #tpu.memory_space<vmem>>, vector<16xf32>,
          %parallel_loop3A_576 = arith.index_cast %parallel_loop3A_562 : i32 to index
          %parallel_loop3A_577 = arith.constant 16 : index
          %parallel_loop3A_578 = tpu.vector_load %arg19[%parallel_loop3A_576, %parallel_loop3A_577] {strides = array<i32>} : memref<40x128xf32, #tpu.memory_space<vmem>>, vector<16xf32>,
          tpu.vector_store %arg19[%parallel_loop3A_576, %parallel_loop3A_577], %parallel_loop3A_575 {strides = array<i32>} : memref<40x128xf32, #tpu.memory_space<vmem>>, vector<16xf32>,
          %parallel_loop3A_579 = arith.constant 2 : i32
          %parallel_loop3A_580 = arith.muli %parallel_loop3A_579, %parallel_loop3A_562 : i32
          %parallel_loop3A_581 = arith.index_cast %parallel_loop3A_580 : i32 to index
          %parallel_loop3A_582 = arith.constant 32 : index
          %parallel_loop3A_583 = tpu.vector_load %arg15[%parallel_loop3A_581, %parallel_loop3A_582] {strides = array<i32>} : memref<80x64xf32, #tpu.memory_space<vmem>>, vector<16xf32>,
          %parallel_loop3A_584 = arith.index_cast %parallel_loop3A_562 : i32 to index
          %parallel_loop3A_585 = arith.constant 32 : index
          %parallel_loop3A_586 = tpu.vector_load %arg19[%parallel_loop3A_584, %parallel_loop3A_585] {strides = array<i32>} : memref<40x128xf32, #tpu.memory_space<vmem>>, vector<16xf32>,
          tpu.vector_store %arg19[%parallel_loop3A_584, %parallel_loop3A_585], %parallel_loop3A_583 {strides = array<i32>} : memref<40x128xf32, #tpu.memory_space<vmem>>, vector<16xf32>,
          %parallel_loop3A_587 = arith.constant 2 : i32
          %parallel_loop3A_588 = arith.muli %parallel_loop3A_587, %parallel_loop3A_562 : i32
          %parallel_loop3A_589 = arith.index_cast %parallel_loop3A_588 : i32 to index
          %parallel_loop3A_590 = arith.constant 48 : index
          %parallel_loop3A_591 = tpu.vector_load %arg15[%parallel_loop3A_589, %parallel_loop3A_590] {strides = array<i32>} : memref<80x64xf32, #tpu.memory_space<vmem>>, vector<16xf32>,
          %parallel_loop3A_592 = arith.index_cast %parallel_loop3A_562 : i32 to index
          %parallel_loop3A_593 = arith.constant 48 : index
          %parallel_loop3A_594 = tpu.vector_load %arg19[%parallel_loop3A_592, %parallel_loop3A_593] {strides = array<i32>} : memref<40x128xf32, #tpu.memory_space<vmem>>, vector<16xf32>,
          tpu.vector_store %arg19[%parallel_loop3A_592, %parallel_loop3A_593], %parallel_loop3A_591 {strides = array<i32>} : memref<40x128xf32, #tpu.memory_space<vmem>>, vector<16xf32>,
          %parallel_loop3A_595 = arith.constant 2 : i32
          %parallel_loop3A_596 = arith.muli %parallel_loop3A_595, %parallel_loop3A_562 : i32
          %parallel_loop3A_597 = arith.constant 1 : i32
          %parallel_loop3A_598 = arith.addi %parallel_loop3A_596, %parallel_loop3A_597 : i32
          %parallel_loop3A_599 = arith.index_cast %parallel_loop3A_598 : i32 to index
          %parallel_loop3A_600 = arith.constant 0 : index
          %parallel_loop3A_601 = tpu.vector_load %arg15[%parallel_loop3A_599, %parallel_loop3A_600] {strides = array<i32>} : memref<80x64xf32, #tpu.memory_space<vmem>>, vector<16xf32>,
          %parallel_loop3A_602 = arith.index_cast %parallel_loop3A_562 : i32 to index
          %parallel_loop3A_603 = arith.constant 64 : index
          %parallel_loop3A_604 = tpu.vector_load %arg19[%parallel_loop3A_602, %parallel_loop3A_603] {strides = array<i32>} : memref<40x128xf32, #tpu.memory_space<vmem>>, vector<16xf32>,
          tpu.vector_store %arg19[%parallel_loop3A_602, %parallel_loop3A_603], %parallel_loop3A_601 {strides = array<i32>} : memref<40x128xf32, #tpu.memory_space<vmem>>, vector<16xf32>,
          %parallel_loop3A_605 = arith.constant 2 : i32
          %parallel_loop3A_606 = arith.muli %parallel_loop3A_605, %parallel_loop3A_562 : i32
          %parallel_loop3A_607 = arith.constant 1 : i32
          %parallel_loop3A_608 = arith.addi %parallel_loop3A_606, %parallel_loop3A_607 : i32
          %parallel_loop3A_609 = arith.index_cast %parallel_loop3A_608 : i32 to index
          %parallel_loop3A_610 = arith.constant 16 : index
          %parallel_loop3A_611 = tpu.vector_load %arg15[%parallel_loop3A_609, %parallel_loop3A_610] {strides = array<i32>} : memref<80x64xf32, #tpu.memory_space<vmem>>, vector<16xf32>,
          %parallel_loop3A_612 = arith.index_cast %parallel_loop3A_562 : i32 to index
          %parallel_loop3A_613 = arith.constant 80 : index
          %parallel_loop3A_614 = tpu.vector_load %arg19[%parallel_loop3A_612, %parallel_loop3A_613] {strides = array<i32>} : memref<40x128xf32, #tpu.memory_space<vmem>>, vector<16xf32>,
          tpu.vector_store %arg19[%parallel_loop3A_612, %parallel_loop3A_613], %parallel_loop3A_611 {strides = array<i32>} : memref<40x128xf32, #tpu.memory_space<vmem>>, vector<16xf32>,
          %parallel_loop3A_615 = arith.constant 2 : i32
          %parallel_loop3A_616 = arith.muli %parallel_loop3A_615, %parallel_loop3A_562 : i32
          %parallel_loop3A_617 = arith.constant 1 : i32
          %parallel_loop3A_618 = arith.addi %parallel_loop3A_616, %parallel_loop3A_617 : i32
          %parallel_loop3A_619 = arith.index_cast %parallel_loop3A_618 : i32 to index
          %parallel_loop3A_620 = arith.constant 32 : index
          %parallel_loop3A_621 = tpu.vector_load %arg15[%parallel_loop3A_619, %parallel_loop3A_620] {strides = array<i32>} : memref<80x64xf32, #tpu.memory_space<vmem>>, vector<16xf32>,
          %parallel_loop3A_622 = arith.index_cast %parallel_loop3A_562 : i32 to index
          %parallel_loop3A_623 = arith.constant 96 : index
          %parallel_loop3A_624 = tpu.vector_load %arg19[%parallel_loop3A_622, %parallel_loop3A_623] {strides = array<i32>} : memref<40x128xf32, #tpu.memory_space<vmem>>, vector<16xf32>,
          tpu.vector_store %arg19[%parallel_loop3A_622, %parallel_loop3A_623], %parallel_loop3A_621 {strides = array<i32>} : memref<40x128xf32, #tpu.memory_space<vmem>>, vector<16xf32>,
          %parallel_loop3A_625 = arith.constant 2 : i32
          %parallel_loop3A_626 = arith.muli %parallel_loop3A_625, %parallel_loop3A_562 : i32
          %parallel_loop3A_627 = arith.constant 1 : i32
          %parallel_loop3A_628 = arith.addi %parallel_loop3A_626, %parallel_loop3A_627 : i32
          %parallel_loop3A_629 = arith.index_cast %parallel_loop3A_628 : i32 to index
          %parallel_loop3A_630 = arith.constant 48 : index
          %parallel_loop3A_631 = tpu.vector_load %arg15[%parallel_loop3A_629, %parallel_loop3A_630] {strides = array<i32>} : memref<80x64xf32, #tpu.memory_space<vmem>>, vector<16xf32>,
          %parallel_loop3A_632 = arith.index_cast %parallel_loop3A_562 : i32 to index
          %parallel_loop3A_633 = arith.constant 112 : index
          %parallel_loop3A_634 = tpu.vector_load %arg19[%parallel_loop3A_632, %parallel_loop3A_633] {strides = array<i32>} : memref<40x128xf32, #tpu.memory_space<vmem>>, vector<16xf32>,
          tpu.vector_store %arg19[%parallel_loop3A_632, %parallel_loop3A_633], %parallel_loop3A_631 {strides = array<i32>} : memref<40x128xf32, #tpu.memory_space<vmem>>, vector<16xf32>,
        } {sc.loop_unroll_factor = 4 : i64, sc.parallel_access}
        %mul3A_492 = arith.constant 80 : i32
        %mul3A_493 = arith.muli %add3A_404, %mul3A_492 : i32
        %add3A_494 = arith.addi %mul3A_2, %mul3A_493 : i32
        %jit3A_495 = arith.constant 2 : i32
        %div3A_496 = arith.divsi %add3A_494, %jit3A_495 : i32
        %sign3A_497 = arith.constant 0 : i32
        %sign3A_498 = arith.cmpi sgt, %add3A_494, %sign3A_497 : i32
        %sign3A_499 = arith.extui %sign3A_498 : i1 to i32
        %sign3A_500 = arith.constant 0 : i32
        %sign3A_501 = arith.cmpi slt, %add3A_494, %sign3A_500 : i32
        %sign3A_502 = arith.extui %sign3A_501 : i1 to i32
        %sign3A_503 = arith.subi %sign3A_499, %sign3A_502 : i32
        %sign3A_504 = arith.constant 0 : i32
        %sign3A_505 = arith.cmpi sgt, %jit3A_495, %sign3A_504 : i32
        %sign3A_506 = arith.extui %sign3A_505 : i1 to i32
        %sign3A_507 = arith.constant 0 : i32
        %sign3A_508 = arith.cmpi slt, %jit3A_495, %sign3A_507 : i32
        %sign3A_509 = arith.extui %sign3A_508 : i1 to i32
        %sign3A_510 = arith.subi %sign3A_506, %sign3A_509 : i32
        %ne3A_511 = arith.cmpi ne, %sign3A_503, %sign3A_510 : i32
        %rem3A_512 = arith.remsi %add3A_494, %jit3A_495 : i32
        %ne3A_513 = arith.constant 0 : i32
        %ne3A_514 = arith.cmpi ne, %rem3A_512, %ne3A_513 : i32
        %and3A_515 = arith.andi %ne3A_511, %ne3A_514 : i1
        %sub3A_516 = arith.constant 1 : i32
        %sub3A_517 = arith.subi %div3A_496, %sub3A_516 : i32
        %select_n3A_518 = arith.select %and3A_515, %sub3A_517, %div3A_496 : i32
        %dma_start3A = arith.constant 0 : i32
        %dma_start3A_519 = tpu.memref_slice %arg7[%select_n3A_518, %dma_start3A] : memref<160000x128xf32, #tpu.memory_space<hbm>> -> memref<40x128xf32, #tpu.memory_space<hbm>>
        %dma_start3A_520 = arith.constant 0 : i32
        %dma_start3A_521 = tpu.memref_slice %arg7[%select_n3A_518, %dma_start3A_520] : memref<160000x128xf32, #tpu.memory_space<hbm>> -> memref<40x128xf32, #tpu.memory_space<hbm>>
        tpu.enqueue_dma source(%arg19 : memref<40x128xf32, #tpu.memory_space<vmem>>) target(%dma_start3A_521 : memref<40x128xf32, #tpu.memory_space<hbm>>) target_semaphore(%arg47 : memref<!tpu.dma_semaphore, #tpu.memory_space<semaphore_mem>>)
        %mul3A_522 = arith.constant 80 : i32
        %mul3A_523 = arith.muli %add3A_404, %mul3A_522 : i32
        %add3A_524 = arith.addi %mul3A_2, %mul3A_523 : i32
        %jit3A_525 = arith.constant 2 : i32
        %div3A_526 = arith.divsi %add3A_524, %jit3A_525 : i32
        %sign3A_527 = arith.constant 0 : i32
        %sign3A_528 = arith.cmpi sgt, %add3A_524, %sign3A_527 : i32
        %sign3A_529 = arith.extui %sign3A_528 : i1 to i32
        %sign3A_530 = arith.constant 0 : i32
        %sign3A_531 = arith.cmpi slt, %add3A_524, %sign3A_530 : i32
        %sign3A_532 = arith.extui %sign3A_531 : i1 to i32
        %sign3A_533 = arith.subi %sign3A_529, %sign3A_532 : i32
        %sign3A_534 = arith.constant 0 : i32
        %sign3A_535 = arith.cmpi sgt, %jit3A_525, %sign3A_534 : i32
        %sign3A_536 = arith.extui %sign3A_535 : i1 to i32
        %sign3A_537 = arith.constant 0 : i32
        %sign3A_538 = arith.cmpi slt, %jit3A_525, %sign3A_537 : i32
        %sign3A_539 = arith.extui %sign3A_538 : i1 to i32
        %sign3A_540 = arith.subi %sign3A_536, %sign3A_539 : i32
        %ne3A_541 = arith.cmpi ne, %sign3A_533, %sign3A_540 : i32
        %rem3A_542 = arith.remsi %add3A_524, %jit3A_525 : i32
        %ne3A_543 = arith.constant 0 : i32
        %ne3A_544 = arith.cmpi ne, %rem3A_542, %ne3A_543 : i32
        %and3A_545 = arith.andi %ne3A_541, %ne3A_544 : i1
        %sub3A_546 = arith.constant 1 : i32
        %sub3A_547 = arith.subi %div3A_526, %sub3A_546 : i32
        %select_n3A_548 = arith.select %and3A_545, %sub3A_547, %div3A_526 : i32
        %multiple_of3A_549 = tpu.assume_multiple %select_n3A_548, 8 : i32
        %dma_start3A_550 = arith.constant 0 : i32
        %dma_start3A_551 = tpu.memref_slice %arg27[%dma_start3A_550] : memref<48xi32, #tpu.memory_space<vmem>> -> memref<40xi32, #tpu.memory_space<vmem>>
        %dma_start3A_552 = tpu.memref_slice %arg8[%multiple_of3A_549] : memref<160000xi32, #tpu.memory_space<hbm>> -> memref<40xi32, #tpu.memory_space<hbm>>
        %dma_start3A_553 = tpu.memref_slice %arg8[%multiple_of3A_549] : memref<160000xi32, #tpu.memory_space<hbm>> -> memref<40xi32, #tpu.memory_space<hbm>>
        %dma_start3A_554 = arith.constant 0 : i32
        %dma_start3A_555 = tpu.memref_slice %arg27[%dma_start3A_554] : memref<48xi32, #tpu.memory_space<vmem>> -> memref<40xi32, #tpu.memory_space<vmem>>
        tpu.enqueue_dma source(%dma_start3A_555 : memref<40xi32, #tpu.memory_space<vmem>>) target(%dma_start3A_553 : memref<40xi32, #tpu.memory_space<hbm>>) target_semaphore(%arg51 : memref<!tpu.dma_semaphore, #tpu.memory_space<semaphore_mem>>)
        %dma_start3A_556 = arith.constant 0 : i32
        %dma_start3A_557 = tpu.memref_slice %arg31[%dma_start3A_556] : memref<48xi32, #tpu.memory_space<vmem>> -> memref<40xi32, #tpu.memory_space<vmem>>
        %dma_start3A_558 = tpu.memref_slice %arg9[%multiple_of3A_549] : memref<160000xi32, #tpu.memory_space<hbm>> -> memref<40xi32, #tpu.memory_space<hbm>>
        %dma_start3A_559 = tpu.memref_slice %arg9[%multiple_of3A_549] : memref<160000xi32, #tpu.memory_space<hbm>> -> memref<40xi32, #tpu.memory_space<hbm>>
        %dma_start3A_560 = arith.constant 0 : i32
        %dma_start3A_561 = tpu.memref_slice %arg31[%dma_start3A_560] : memref<48xi32, #tpu.memory_space<vmem>> -> memref<40xi32, #tpu.memory_space<vmem>>
        tpu.enqueue_dma source(%dma_start3A_561 : memref<40xi32, #tpu.memory_space<vmem>>) target(%dma_start3A_559 : memref<40xi32, #tpu.memory_space<hbm>>) target_semaphore(%arg55 : memref<!tpu.dma_semaphore, #tpu.memory_space<semaphore_mem>>)
      } else {
      }
      %add3A_410 = arith.constant 1 : i32
      %add3A_411 = arith.addi %add3A_404, %add3A_410 : i32
      %lt3A_412 = arith.constant 125 : i32
      %lt3A_413 = arith.cmpi slt, %add3A_411, %lt3A_412 : i32
      %convert_element_type3A_414 = arith.extui %lt3A_413 : i1 to i32
      %cond3A_415 = arith.constant 0 : i32
      %cond3A_416 = arith.cmpi ne, %convert_element_type3A_414, %cond3A_415 : i32
      scf.if %cond3A_416 {
        %mul3A_432 = arith.constant 80 : i32
        %mul3A_433 = arith.muli %add3A_411, %mul3A_432 : i32
        %multiple_of3A_434 = tpu.assume_multiple %mul3A_433, 8 : i32
        %dma_wait3A_435 = tpu.memref_slice %arg10[%multiple_of3A_434] : memref<10000xi32, #tpu.memory_space<vmem>> -> memref<80xi32, #tpu.memory_space<vmem>>
        %dma_wait3A_436 = arith.constant 0 : i32
        %dma_wait3A_437 = arith.constant 0 : i32
        %dma_wait3A_438 = tpu.memref_slice %arg5[%dma_wait3A_436, %dma_wait3A_437] : memref<10000x64xf32, #tpu.memory_space<hbm>> -> memref<10000x64xf32, #tpu.memory_space<hbm>>
        tpu.wait_indirect_dma semaphore(%arg32 : memref<!tpu.dma_semaphore, #tpu.memory_space<semaphore_mem>>) src(%dma_wait3A_438 : memref<10000x64xf32, #tpu.memory_space<hbm>>) dst(%arg12 : memref<80x64xf32, #tpu.memory_space<vmem>>)
        %mul3A_439 = arith.constant 80 : i32
        %mul3A_440 = arith.muli %add3A_411, %mul3A_439 : i32
        %multiple_of3A_441 = tpu.assume_multiple %mul3A_440, 8 : i32
        %dma_start3A = tpu.memref_slice %arg11[%multiple_of3A_441] : memref<10000xi32, #tpu.memory_space<vmem>> -> memref<80xi32, #tpu.memory_space<vmem>>
        %dma_start3A_442 = arith.constant 0 : i32
        %dma_start3A_443 = arith.constant 0 : i32
        %dma_start3A_444 = tpu.memref_slice %arg6[%dma_start3A_442, %dma_start3A_443] : memref<10000x64xf32, #tpu.memory_space<hbm>> -> memref<10000x64xf32, #tpu.memory_space<hbm>>
        tpu.enqueue_indirect_dma source(%dma_start3A_444 : memref<10000x64xf32, #tpu.memory_space<hbm>>) target(%arg12 : memref<80x64xf32, #tpu.memory_space<vmem>>) offsets(%dma_start3A : memref<80xi32, #tpu.memory_space<vmem>>) semaphore(%arg36 : memref<!tpu.dma_semaphore, #tpu.memory_space<semaphore_mem>>) {add = true}
      } else {
      }
      %add3A_417 = arith.constant 2 : i32
      %add3A_418 = arith.addi %add3A_404, %add3A_417 : i32
      %lt3A_419 = arith.constant 125 : i32
      %lt3A_420 = arith.cmpi slt, %add3A_418, %lt3A_419 : i32
      %ge3A_421 = arith.constant 4 : i32
      %ge3A_422 = arith.cmpi sge, %add3A_418, %ge3A_421 : i32
      %and3A_423 = arith.andi %lt3A_420, %ge3A_422 : i1
      %convert_element_type3A_424 = arith.extui %and3A_423 : i1 to i32
      %cond3A_425 = arith.constant 0 : i32
      %cond3A_426 = arith.cmpi ne, %convert_element_type3A_424, %cond3A_425 : i32
      scf.if %cond3A_426 {
        %sub3A_432 = arith.constant 4 : i32
        %sub3A_433 = arith.subi %add3A_418, %sub3A_432 : i32
        %mul3A_434 = arith.constant 80 : i32
        %mul3A_435 = arith.muli %sub3A_433, %mul3A_434 : i32
        %add3A_436 = arith.addi %mul3A_2, %mul3A_435 : i32
        %jit3A_437 = arith.constant 2 : i32
        %div3A_438 = arith.divsi %add3A_436, %jit3A_437 : i32
        %sign3A_439 = arith.constant 0 : i32
        %sign3A_440 = arith.cmpi sgt, %add3A_436, %sign3A_439 : i32
        %sign3A_441 = arith.extui %sign3A_440 : i1 to i32
        %sign3A_442 = arith.constant 0 : i32
        %sign3A_443 = arith.cmpi slt, %add3A_436, %sign3A_442 : i32
        %sign3A_444 = arith.extui %sign3A_443 : i1 to i32
        %sign3A_445 = arith.subi %sign3A_441, %sign3A_444 : i32
        %sign3A_446 = arith.constant 0 : i32
        %sign3A_447 = arith.cmpi sgt, %jit3A_437, %sign3A_446 : i32
        %sign3A_448 = arith.extui %sign3A_447 : i1 to i32
        %sign3A_449 = arith.constant 0 : i32
        %sign3A_450 = arith.cmpi slt, %jit3A_437, %sign3A_449 : i32
        %sign3A_451 = arith.extui %sign3A_450 : i1 to i32
        %sign3A_452 = arith.subi %sign3A_448, %sign3A_451 : i32
        %ne3A_453 = arith.cmpi ne, %sign3A_445, %sign3A_452 : i32
        %rem3A_454 = arith.remsi %add3A_436, %jit3A_437 : i32
        %ne3A_455 = arith.constant 0 : i32
        %ne3A_456 = arith.cmpi ne, %rem3A_454, %ne3A_455 : i32
        %and3A_457 = arith.andi %ne3A_453, %ne3A_456 : i1
        %sub3A_458 = arith.constant 1 : i32
        %sub3A_459 = arith.subi %div3A_438, %sub3A_458 : i32
        %select_n3A_460 = arith.select %and3A_457, %sub3A_459, %div3A_438 : i32
        %dma_wait3A_461 = arith.constant 0 : i32
        %dma_wait3A_462 = tpu.memref_slice %arg7[%select_n3A_460, %dma_wait3A_461] : memref<160000x128xf32, #tpu.memory_space<hbm>> -> memref<40x128xf32, #tpu.memory_space<hbm>>
        %dma_wait3A_463 = arith.constant 0 : i32
        %dma_wait3A_464 = tpu.memref_slice %arg7[%select_n3A_460, %dma_wait3A_463] : memref<160000x128xf32, #tpu.memory_space<hbm>> -> memref<40x128xf32, #tpu.memory_space<hbm>>
        tpu.wait_dma2 semaphore(%arg45 : memref<!tpu.dma_semaphore, #tpu.memory_space<semaphore_mem>>) src(%arg17 : memref<40x128xf32, #tpu.memory_space<vmem>>) dst(%dma_wait3A_464 : memref<40x128xf32, #tpu.memory_space<hbm>>)
        %sub3A_465 = arith.constant 4 : i32
        %sub3A_466 = arith.subi %add3A_418, %sub3A_465 : i32
        %mul3A_467 = arith.constant 80 : i32
        %mul3A_468 = arith.muli %sub3A_466, %mul3A_467 : i32
        %add3A_469 = arith.addi %mul3A_2, %mul3A_468 : i32
        %jit3A_470 = arith.constant 2 : i32
        %div3A_471 = arith.divsi %add3A_469, %jit3A_470 : i32
        %sign3A_472 = arith.constant 0 : i32
        %sign3A_473 = arith.cmpi sgt, %add3A_469, %sign3A_472 : i32
        %sign3A_474 = arith.extui %sign3A_473 : i1 to i32
        %sign3A_475 = arith.constant 0 : i32
        %sign3A_476 = arith.cmpi slt, %add3A_469, %sign3A_475 : i32
        %sign3A_477 = arith.extui %sign3A_476 : i1 to i32
        %sign3A_478 = arith.subi %sign3A_474, %sign3A_477 : i32
        %sign3A_479 = arith.constant 0 : i32
        %sign3A_480 = arith.cmpi sgt, %jit3A_470, %sign3A_479 : i32
        %sign3A_481 = arith.extui %sign3A_480 : i1 to i32
        %sign3A_482 = arith.constant 0 : i32
        %sign3A_483 = arith.cmpi slt, %jit3A_470, %sign3A_482 : i32
        %sign3A_484 = arith.extui %sign3A_483 : i1 to i32
        %sign3A_485 = arith.subi %sign3A_481, %sign3A_484 : i32
        %ne3A_486 = arith.cmpi ne, %sign3A_478, %sign3A_485 : i32
        %rem3A_487 = arith.remsi %add3A_469, %jit3A_470 : i32
        %ne3A_488 = arith.constant 0 : i32
        %ne3A_489 = arith.cmpi ne, %rem3A_487, %ne3A_488 : i32
        %and3A_490 = arith.andi %ne3A_486, %ne3A_489 : i1
        %sub3A_491 = arith.constant 1 : i32
        %sub3A_492 = arith.subi %div3A_471, %sub3A_491 : i32
        %select_n3A_493 = arith.select %and3A_490, %sub3A_492, %div3A_471 : i32
        %multiple_of3A_494 = tpu.assume_multiple %select_n3A_493, 8 : i32
        %dma_wait3A_495 = arith.constant 0 : i32
        %dma_wait3A_496 = tpu.memref_slice %arg25[%dma_wait3A_495] : memref<48xi32, #tpu.memory_space<vmem>> -> memref<40xi32, #tpu.memory_space<vmem>>
        %dma_wait3A_497 = tpu.memref_slice %arg8[%multiple_of3A_494] : memref<160000xi32, #tpu.memory_space<hbm>> -> memref<40xi32, #tpu.memory_space<hbm>>
        %dma_wait3A_498 = tpu.memref_slice %arg8[%multiple_of3A_494] : memref<160000xi32, #tpu.memory_space<hbm>> -> memref<40xi32, #tpu.memory_space<hbm>>
        %dma_wait3A_499 = arith.constant 0 : i32
        %dma_wait3A_500 = tpu.memref_slice %arg25[%dma_wait3A_499] : memref<48xi32, #tpu.memory_space<vmem>> -> memref<40xi32, #tpu.memory_space<vmem>>
        tpu.wait_dma2 semaphore(%arg49 : memref<!tpu.dma_semaphore, #tpu.memory_space<semaphore_mem>>) src(%dma_wait3A_500 : memref<40xi32, #tpu.memory_space<vmem>>) dst(%dma_wait3A_498 : memref<40xi32, #tpu.memory_space<hbm>>)
        %dma_wait3A_501 = arith.constant 0 : i32
        %dma_wait3A_502 = tpu.memref_slice %arg29[%dma_wait3A_501] : memref<48xi32, #tpu.memory_space<vmem>> -> memref<40xi32, #tpu.memory_space<vmem>>
        %dma_wait3A_503 = tpu.memref_slice %arg9[%multiple_of3A_494] : memref<160000xi32, #tpu.memory_space<hbm>> -> memref<40xi32, #tpu.memory_space<hbm>>
        %dma_wait3A_504 = tpu.memref_slice %arg9[%multiple_of3A_494] : memref<160000xi32, #tpu.memory_space<hbm>> -> memref<40xi32, #tpu.memory_space<hbm>>
        %dma_wait3A_505 = arith.constant 0 : i32
        %dma_wait3A_506 = tpu.memref_slice %arg29[%dma_wait3A_505] : memref<48xi32, #tpu.memory_space<vmem>> -> memref<40xi32, #tpu.memory_space<vmem>>
        tpu.wait_dma2 semaphore(%arg53 : memref<!tpu.dma_semaphore, #tpu.memory_space<semaphore_mem>>) src(%dma_wait3A_506 : memref<40xi32, #tpu.memory_space<vmem>>) dst(%dma_wait3A_504 : memref<40xi32, #tpu.memory_space<hbm>>)
      } else {
      }
      %lt3A_427 = arith.constant 125 : i32
      %lt3A_428 = arith.cmpi slt, %add3A_418, %lt3A_427 : i32
      %convert_element_type3A_429 = arith.extui %lt3A_428 : i1 to i32
      %cond3A_430 = arith.constant 0 : i32
      %cond3A_431 = arith.cmpi ne, %convert_element_type3A_429, %cond3A_430 : i32
      scf.if %cond3A_431 {
        %mul3A_432 = arith.constant 80 : i32
        %mul3A_433 = arith.muli %add3A_418, %mul3A_432 : i32
        %multiple_of3A_434 = tpu.assume_multiple %mul3A_433, 8 : i32
        %dma_start3A = tpu.memref_slice %arg10[%multiple_of3A_434] : memref<10000xi32, #tpu.memory_space<vmem>> -> memref<80xi32, #tpu.memory_space<vmem>>
        %dma_start3A_435 = arith.constant 0 : i32
        %dma_start3A_436 = arith.constant 0 : i32
        %dma_start3A_437 = tpu.memref_slice %arg5[%dma_start3A_435, %dma_start3A_436] : memref<10000x64xf32, #tpu.memory_space<hbm>> -> memref<10000x64xf32, #tpu.memory_space<hbm>>
        tpu.enqueue_indirect_dma source(%dma_start3A_437 : memref<10000x64xf32, #tpu.memory_space<hbm>>) target(%arg13 : memref<80x64xf32, #tpu.memory_space<vmem>>) offsets(%dma_start3A : memref<80xi32, #tpu.memory_space<vmem>>) semaphore(%arg33 : memref<!tpu.dma_semaphore, #tpu.memory_space<semaphore_mem>>)
        %mul3A_438 = arith.constant 80 : i32
        %mul3A_439 = arith.muli %add3A_418, %mul3A_438 : i32
        %multiple_of3A_440 = tpu.assume_multiple %mul3A_439, 8 : i32
        %dma_start3A_441 = arith.constant 0 : i32
        %dma_start3A_442 = tpu.memref_slice %arg21[%dma_start3A_441] : memref<96xi32, #tpu.memory_space<vmem>> -> memref<80xi32, #tpu.memory_space<vmem>>
        %dma_start3A_443 = tpu.memref_slice %arg10[%multiple_of3A_440] : memref<10000xi32, #tpu.memory_space<vmem>> -> memref<80xi32, #tpu.memory_space<vmem>>
        %dma_start3A_444 = arith.constant 0 : i32
        %dma_start3A_445 = tpu.memref_slice %arg4[%dma_start3A_444] : memref<10000xi32, #tpu.memory_space<hbm>> -> memref<10000xi32, #tpu.memory_space<hbm>>
        tpu.enqueue_indirect_dma source(%dma_start3A_445 : memref<10000xi32, #tpu.memory_space<hbm>>) target(%dma_start3A_442 : memref<80xi32, #tpu.memory_space<vmem>>) offsets(%dma_start3A_443 : memref<80xi32, #tpu.memory_space<vmem>>) semaphore(%arg41 : memref<!tpu.dma_semaphore, #tpu.memory_space<semaphore_mem>>)
      } else {
      }
    }
    %scan3A_45 = arith.constant 32 : i32
    %add3A_46 = arith.constant 9680 : i32
    %add3A_47 = arith.addi %mul3A_2, %add3A_46 : i32
    %jit3A = arith.constant 2 : i32
    %div3A = arith.divsi %add3A_47, %jit3A : i32
    %sign3A = arith.constant 0 : i32
    %sign3A_48 = arith.cmpi sgt, %add3A_47, %sign3A : i32
    %sign3A_49 = arith.extui %sign3A_48 : i1 to i32
    %sign3A_50 = arith.constant 0 : i32
    %sign3A_51 = arith.cmpi slt, %add3A_47, %sign3A_50 : i32
    %sign3A_52 = arith.extui %sign3A_51 : i1 to i32
    %sign3A_53 = arith.subi %sign3A_49, %sign3A_52 : i32
    %sign3A_54 = arith.constant 0 : i32
    %sign3A_55 = arith.cmpi sgt, %jit3A, %sign3A_54 : i32
    %sign3A_56 = arith.extui %sign3A_55 : i1 to i32
    %sign3A_57 = arith.constant 0 : i32
    %sign3A_58 = arith.cmpi slt, %jit3A, %sign3A_57 : i32
    %sign3A_59 = arith.extui %sign3A_58 : i1 to i32
    %sign3A_60 = arith.subi %sign3A_56, %sign3A_59 : i32
    %ne3A = arith.cmpi ne, %sign3A_53, %sign3A_60 : i32
    %rem3A = arith.remsi %add3A_47, %jit3A : i32
    %ne3A_61 = arith.constant 0 : i32
    %ne3A_62 = arith.cmpi ne, %rem3A, %ne3A_61 : i32
    %and3A_63 = arith.andi %ne3A, %ne3A_62 : i1
    %sub3A = arith.constant 1 : i32
    %sub3A_64 = arith.subi %div3A, %sub3A : i32
    %select_n3A = arith.select %and3A_63, %sub3A_64, %div3A : i32
    %dma_wait3A = arith.constant 0 : i32
    %dma_wait3A_65 = tpu.memref_slice %arg7[%select_n3A, %dma_wait3A] : memref<160000x128xf32, #tpu.memory_space<hbm>> -> memref<40x128xf32, #tpu.memory_space<hbm>>
    %dma_wait3A_66 = arith.constant 0 : i32
    %dma_wait3A_67 = tpu.memref_slice %arg7[%select_n3A, %dma_wait3A_66] : memref<160000x128xf32, #tpu.memory_space<hbm>> -> memref<40x128xf32, #tpu.memory_space<hbm>>
    tpu.wait_dma2 semaphore(%arg45 : memref<!tpu.dma_semaphore, #tpu.memory_space<semaphore_mem>>) src(%arg17 : memref<40x128xf32, #tpu.memory_space<vmem>>) dst(%dma_wait3A_67 : memref<40x128xf32, #tpu.memory_space<hbm>>)
    %add3A_68 = arith.constant 9680 : i32
    %add3A_69 = arith.addi %mul3A_2, %add3A_68 : i32
    %jit3A_70 = arith.constant 2 : i32
    %div3A_71 = arith.divsi %add3A_69, %jit3A_70 : i32
    %sign3A_72 = arith.constant 0 : i32
    %sign3A_73 = arith.cmpi sgt, %add3A_69, %sign3A_72 : i32
    %sign3A_74 = arith.extui %sign3A_73 : i1 to i32
    %sign3A_75 = arith.constant 0 : i32
    %sign3A_76 = arith.cmpi slt, %add3A_69, %sign3A_75 : i32
    %sign3A_77 = arith.extui %sign3A_76 : i1 to i32
    %sign3A_78 = arith.subi %sign3A_74, %sign3A_77 : i32
    %sign3A_79 = arith.constant 0 : i32
    %sign3A_80 = arith.cmpi sgt, %jit3A_70, %sign3A_79 : i32
    %sign3A_81 = arith.extui %sign3A_80 : i1 to i32
    %sign3A_82 = arith.constant 0 : i32
    %sign3A_83 = arith.cmpi slt, %jit3A_70, %sign3A_82 : i32
    %sign3A_84 = arith.extui %sign3A_83 : i1 to i32
    %sign3A_85 = arith.subi %sign3A_81, %sign3A_84 : i32
    %ne3A_86 = arith.cmpi ne, %sign3A_78, %sign3A_85 : i32
    %rem3A_87 = arith.remsi %add3A_69, %jit3A_70 : i32
    %ne3A_88 = arith.constant 0 : i32
    %ne3A_89 = arith.cmpi ne, %rem3A_87, %ne3A_88 : i32
    %and3A_90 = arith.andi %ne3A_86, %ne3A_89 : i1
    %sub3A_91 = arith.constant 1 : i32
    %sub3A_92 = arith.subi %div3A_71, %sub3A_91 : i32
    %select_n3A_93 = arith.select %and3A_90, %sub3A_92, %div3A_71 : i32
    %multiple_of3A = tpu.assume_multiple %select_n3A_93, 8 : i32
    %dma_wait3A_94 = arith.constant 0 : i32
    %dma_wait3A_95 = tpu.memref_slice %arg25[%dma_wait3A_94] : memref<48xi32, #tpu.memory_space<vmem>> -> memref<40xi32, #tpu.memory_space<vmem>>
    %dma_wait3A_96 = tpu.memref_slice %arg8[%multiple_of3A] : memref<160000xi32, #tpu.memory_space<hbm>> -> memref<40xi32, #tpu.memory_space<hbm>>
    %dma_wait3A_97 = tpu.memref_slice %arg8[%multiple_of3A] : memref<160000xi32, #tpu.memory_space<hbm>> -> memref<40xi32, #tpu.memory_space<hbm>>
    %dma_wait3A_98 = arith.constant 0 : i32
    %dma_wait3A_99 = tpu.memref_slice %arg25[%dma_wait3A_98] : memref<48xi32, #tpu.memory_space<vmem>> -> memref<40xi32, #tpu.memory_space<vmem>>
    tpu.wait_dma2 semaphore(%arg49 : memref<!tpu.dma_semaphore, #tpu.memory_space<semaphore_mem>>) src(%dma_wait3A_99 : memref<40xi32, #tpu.memory_space<vmem>>) dst(%dma_wait3A_97 : memref<40xi32, #tpu.memory_space<hbm>>)
    %dma_wait3A_100 = arith.constant 0 : i32
    %dma_wait3A_101 = tpu.memref_slice %arg29[%dma_wait3A_100] : memref<48xi32, #tpu.memory_space<vmem>> -> memref<40xi32, #tpu.memory_space<vmem>>
    %dma_wait3A_102 = tpu.memref_slice %arg9[%multiple_of3A] : memref<160000xi32, #tpu.memory_space<hbm>> -> memref<40xi32, #tpu.memory_space<hbm>>
    %dma_wait3A_103 = tpu.memref_slice %arg9[%multiple_of3A] : memref<160000xi32, #tpu.memory_space<hbm>> -> memref<40xi32, #tpu.memory_space<hbm>>
    %dma_wait3A_104 = arith.constant 0 : i32
    %dma_wait3A_105 = tpu.memref_slice %arg29[%dma_wait3A_104] : memref<48xi32, #tpu.memory_space<vmem>> -> memref<40xi32, #tpu.memory_space<vmem>>
    tpu.wait_dma2 semaphore(%arg53 : memref<!tpu.dma_semaphore, #tpu.memory_space<semaphore_mem>>) src(%dma_wait3A_105 : memref<40xi32, #tpu.memory_space<vmem>>) dst(%dma_wait3A_103 : memref<40xi32, #tpu.memory_space<hbm>>)
    %add3A_106 = arith.constant 9760 : i32
    %add3A_107 = arith.addi %mul3A_2, %add3A_106 : i32
    %jit3A_108 = arith.constant 2 : i32
    %div3A_109 = arith.divsi %add3A_107, %jit3A_108 : i32
    %sign3A_110 = arith.constant 0 : i32
    %sign3A_111 = arith.cmpi sgt, %add3A_107, %sign3A_110 : i32
    %sign3A_112 = arith.extui %sign3A_111 : i1 to i32
    %sign3A_113 = arith.constant 0 : i32
    %sign3A_114 = arith.cmpi slt, %add3A_107, %sign3A_113 : i32
    %sign3A_115 = arith.extui %sign3A_114 : i1 to i32
    %sign3A_116 = arith.subi %sign3A_112, %sign3A_115 : i32
    %sign3A_117 = arith.constant 0 : i32
    %sign3A_118 = arith.cmpi sgt, %jit3A_108, %sign3A_117 : i32
    %sign3A_119 = arith.extui %sign3A_118 : i1 to i32
    %sign3A_120 = arith.constant 0 : i32
    %sign3A_121 = arith.cmpi slt, %jit3A_108, %sign3A_120 : i32
    %sign3A_122 = arith.extui %sign3A_121 : i1 to i32
    %sign3A_123 = arith.subi %sign3A_119, %sign3A_122 : i32
    %ne3A_124 = arith.cmpi ne, %sign3A_116, %sign3A_123 : i32
    %rem3A_125 = arith.remsi %add3A_107, %jit3A_108 : i32
    %ne3A_126 = arith.constant 0 : i32
    %ne3A_127 = arith.cmpi ne, %rem3A_125, %ne3A_126 : i32
    %and3A_128 = arith.andi %ne3A_124, %ne3A_127 : i1
    %sub3A_129 = arith.constant 1 : i32
    %sub3A_130 = arith.subi %div3A_109, %sub3A_129 : i32
    %select_n3A_131 = arith.select %and3A_128, %sub3A_130, %div3A_109 : i32
    %dma_wait3A_132 = arith.constant 0 : i32
    %dma_wait3A_133 = tpu.memref_slice %arg7[%select_n3A_131, %dma_wait3A_132] : memref<160000x128xf32, #tpu.memory_space<hbm>> -> memref<40x128xf32, #tpu.memory_space<hbm>>
    %dma_wait3A_134 = arith.constant 0 : i32
    %dma_wait3A_135 = tpu.memref_slice %arg7[%select_n3A_131, %dma_wait3A_134] : memref<160000x128xf32, #tpu.memory_space<hbm>> -> memref<40x128xf32, #tpu.memory_space<hbm>>
    tpu.wait_dma2 semaphore(%arg46 : memref<!tpu.dma_semaphore, #tpu.memory_space<semaphore_mem>>) src(%arg18 : memref<40x128xf32, #tpu.memory_space<vmem>>) dst(%dma_wait3A_135 : memref<40x128xf32, #tpu.memory_space<hbm>>)
    %add3A_136 = arith.constant 9760 : i32
    %add3A_137 = arith.addi %mul3A_2, %add3A_136 : i32
    %jit3A_138 = arith.constant 2 : i32
    %div3A_139 = arith.divsi %add3A_137, %jit3A_138 : i32
    %sign3A_140 = arith.constant 0 : i32
    %sign3A_141 = arith.cmpi sgt, %add3A_137, %sign3A_140 : i32
    %sign3A_142 = arith.extui %sign3A_141 : i1 to i32
    %sign3A_143 = arith.constant 0 : i32
    %sign3A_144 = arith.cmpi slt, %add3A_137, %sign3A_143 : i32
    %sign3A_145 = arith.extui %sign3A_144 : i1 to i32
    %sign3A_146 = arith.subi %sign3A_142, %sign3A_145 : i32
    %sign3A_147 = arith.constant 0 : i32
    %sign3A_148 = arith.cmpi sgt, %jit3A_138, %sign3A_147 : i32
    %sign3A_149 = arith.extui %sign3A_148 : i1 to i32
    %sign3A_150 = arith.constant 0 : i32
    %sign3A_151 = arith.cmpi slt, %jit3A_138, %sign3A_150 : i32
    %sign3A_152 = arith.extui %sign3A_151 : i1 to i32
    %sign3A_153 = arith.subi %sign3A_149, %sign3A_152 : i32
    %ne3A_154 = arith.cmpi ne, %sign3A_146, %sign3A_153 : i32
    %rem3A_155 = arith.remsi %add3A_137, %jit3A_138 : i32
    %ne3A_156 = arith.constant 0 : i32
    %ne3A_157 = arith.cmpi ne, %rem3A_155, %ne3A_156 : i32
    %and3A_158 = arith.andi %ne3A_154, %ne3A_157 : i1
    %sub3A_159 = arith.constant 1 : i32
    %sub3A_160 = arith.subi %div3A_139, %sub3A_159 : i32
    %select_n3A_161 = arith.select %and3A_158, %sub3A_160, %div3A_139 : i32
    %multiple_of3A_162 = tpu.assume_multiple %select_n3A_161, 8 : i32
    %dma_wait3A_163 = arith.constant 0 : i32
    %dma_wait3A_164 = tpu.memref_slice %arg26[%dma_wait3A_163] : memref<48xi32, #tpu.memory_space<vmem>> -> memref<40xi32, #tpu.memory_space<vmem>>
    %dma_wait3A_165 = tpu.memref_slice %arg8[%multiple_of3A_162] : memref<160000xi32, #tpu.memory_space<hbm>> -> memref<40xi32, #tpu.memory_space<hbm>>
    %dma_wait3A_166 = tpu.memref_slice %arg8[%multiple_of3A_162] : memref<160000xi32, #tpu.memory_space<hbm>> -> memref<40xi32, #tpu.memory_space<hbm>>
    %dma_wait3A_167 = arith.constant 0 : i32
    %dma_wait3A_168 = tpu.memref_slice %arg26[%dma_wait3A_167] : memref<48xi32, #tpu.memory_space<vmem>> -> memref<40xi32, #tpu.memory_space<vmem>>
    tpu.wait_dma2 semaphore(%arg50 : memref<!tpu.dma_semaphore, #tpu.memory_space<semaphore_mem>>) src(%dma_wait3A_168 : memref<40xi32, #tpu.memory_space<vmem>>) dst(%dma_wait3A_166 : memref<40xi32, #tpu.memory_space<hbm>>)
    %dma_wait3A_169 = arith.constant 0 : i32
    %dma_wait3A_170 = tpu.memref_slice %arg30[%dma_wait3A_169] : memref<48xi32, #tpu.memory_space<vmem>> -> memref<40xi32, #tpu.memory_space<vmem>>
    %dma_wait3A_171 = tpu.memref_slice %arg9[%multiple_of3A_162] : memref<160000xi32, #tpu.memory_space<hbm>> -> memref<40xi32, #tpu.memory_space<hbm>>
    %dma_wait3A_172 = tpu.memref_slice %arg9[%multiple_of3A_162] : memref<160000xi32, #tpu.memory_space<hbm>> -> memref<40xi32, #tpu.memory_space<hbm>>
    %dma_wait3A_173 = arith.constant 0 : i32
    %dma_wait3A_174 = tpu.memref_slice %arg30[%dma_wait3A_173] : memref<48xi32, #tpu.memory_space<vmem>> -> memref<40xi32, #tpu.memory_space<vmem>>
    tpu.wait_dma2 semaphore(%arg54 : memref<!tpu.dma_semaphore, #tpu.memory_space<semaphore_mem>>) src(%dma_wait3A_174 : memref<40xi32, #tpu.memory_space<vmem>>) dst(%dma_wait3A_172 : memref<40xi32, #tpu.memory_space<hbm>>)
    %add3A_175 = arith.constant 9840 : i32
    %add3A_176 = arith.addi %mul3A_2, %add3A_175 : i32
    %jit3A_177 = arith.constant 2 : i32
    %div3A_178 = arith.divsi %add3A_176, %jit3A_177 : i32
    %sign3A_179 = arith.constant 0 : i32
    %sign3A_180 = arith.cmpi sgt, %add3A_176, %sign3A_179 : i32
    %sign3A_181 = arith.extui %sign3A_180 : i1 to i32
    %sign3A_182 = arith.constant 0 : i32
    %sign3A_183 = arith.cmpi slt, %add3A_176, %sign3A_182 : i32
    %sign3A_184 = arith.extui %sign3A_183 : i1 to i32
    %sign3A_185 = arith.subi %sign3A_181, %sign3A_184 : i32
    %sign3A_186 = arith.constant 0 : i32
    %sign3A_187 = arith.cmpi sgt, %jit3A_177, %sign3A_186 : i32
    %sign3A_188 = arith.extui %sign3A_187 : i1 to i32
    %sign3A_189 = arith.constant 0 : i32
    %sign3A_190 = arith.cmpi slt, %jit3A_177, %sign3A_189 : i32
    %sign3A_191 = arith.extui %sign3A_190 : i1 to i32
    %sign3A_192 = arith.subi %sign3A_188, %sign3A_191 : i32
    %ne3A_193 = arith.cmpi ne, %sign3A_185, %sign3A_192 : i32
    %rem3A_194 = arith.remsi %add3A_176, %jit3A_177 : i32
    %ne3A_195 = arith.constant 0 : i32
    %ne3A_196 = arith.cmpi ne, %rem3A_194, %ne3A_195 : i32
    %and3A_197 = arith.andi %ne3A_193, %ne3A_196 : i1
    %sub3A_198 = arith.constant 1 : i32
    %sub3A_199 = arith.subi %div3A_178, %sub3A_198 : i32
    %select_n3A_200 = arith.select %and3A_197, %sub3A_199, %div3A_178 : i32
    %dma_wait3A_201 = arith.constant 0 : i32
    %dma_wait3A_202 = tpu.memref_slice %arg7[%select_n3A_200, %dma_wait3A_201] : memref<160000x128xf32, #tpu.memory_space<hbm>> -> memref<40x128xf32, #tpu.memory_space<hbm>>
    %dma_wait3A_203 = arith.constant 0 : i32
    %dma_wait3A_204 = tpu.memref_slice %arg7[%select_n3A_200, %dma_wait3A_203] : memref<160000x128xf32, #tpu.memory_space<hbm>> -> memref<40x128xf32, #tpu.memory_space<hbm>>
    tpu.wait_dma2 semaphore(%arg47 : memref<!tpu.dma_semaphore, #tpu.memory_space<semaphore_mem>>) src(%arg19 : memref<40x128xf32, #tpu.memory_space<vmem>>) dst(%dma_wait3A_204 : memref<40x128xf32, #tpu.memory_space<hbm>>)
    %add3A_205 = arith.constant 9840 : i32
    %add3A_206 = arith.addi %mul3A_2, %add3A_205 : i32
    %jit3A_207 = arith.constant 2 : i32
    %div3A_208 = arith.divsi %add3A_206, %jit3A_207 : i32
    %sign3A_209 = arith.constant 0 : i32
    %sign3A_210 = arith.cmpi sgt, %add3A_206, %sign3A_209 : i32
    %sign3A_211 = arith.extui %sign3A_210 : i1 to i32
    %sign3A_212 = arith.constant 0 : i32
    %sign3A_213 = arith.cmpi slt, %add3A_206, %sign3A_212 : i32
    %sign3A_214 = arith.extui %sign3A_213 : i1 to i32
    %sign3A_215 = arith.subi %sign3A_211, %sign3A_214 : i32
    %sign3A_216 = arith.constant 0 : i32
    %sign3A_217 = arith.cmpi sgt, %jit3A_207, %sign3A_216 : i32
    %sign3A_218 = arith.extui %sign3A_217 : i1 to i32
    %sign3A_219 = arith.constant 0 : i32
    %sign3A_220 = arith.cmpi slt, %jit3A_207, %sign3A_219 : i32
    %sign3A_221 = arith.extui %sign3A_220 : i1 to i32
    %sign3A_222 = arith.subi %sign3A_218, %sign3A_221 : i32
    %ne3A_223 = arith.cmpi ne, %sign3A_215, %sign3A_222 : i32
    %rem3A_224 = arith.remsi %add3A_206, %jit3A_207 : i32
    %ne3A_225 = arith.constant 0 : i32
    %ne3A_226 = arith.cmpi ne, %rem3A_224, %ne3A_225 : i32
    %and3A_227 = arith.andi %ne3A_223, %ne3A_226 : i1
    %sub3A_228 = arith.constant 1 : i32
    %sub3A_229 = arith.subi %div3A_208, %sub3A_228 : i32
    %select_n3A_230 = arith.select %and3A_227, %sub3A_229, %div3A_208 : i32
    %multiple_of3A_231 = tpu.assume_multiple %select_n3A_230, 8 : i32
    %dma_wait3A_232 = arith.constant 0 : i32
    %dma_wait3A_233 = tpu.memref_slice %arg27[%dma_wait3A_232] : memref<48xi32, #tpu.memory_space<vmem>> -> memref<40xi32, #tpu.memory_space<vmem>>
    %dma_wait3A_234 = tpu.memref_slice %arg8[%multiple_of3A_231] : memref<160000xi32, #tpu.memory_space<hbm>> -> memref<40xi32, #tpu.memory_space<hbm>>
    %dma_wait3A_235 = tpu.memref_slice %arg8[%multiple_of3A_231] : memref<160000xi32, #tpu.memory_space<hbm>> -> memref<40xi32, #tpu.memory_space<hbm>>
    %dma_wait3A_236 = arith.constant 0 : i32
    %dma_wait3A_237 = tpu.memref_slice %arg27[%dma_wait3A_236] : memref<48xi32, #tpu.memory_space<vmem>> -> memref<40xi32, #tpu.memory_space<vmem>>
    tpu.wait_dma2 semaphore(%arg51 : memref<!tpu.dma_semaphore, #tpu.memory_space<semaphore_mem>>) src(%dma_wait3A_237 : memref<40xi32, #tpu.memory_space<vmem>>) dst(%dma_wait3A_235 : memref<40xi32, #tpu.memory_space<hbm>>)
    %dma_wait3A_238 = arith.constant 0 : i32
    %dma_wait3A_239 = tpu.memref_slice %arg31[%dma_wait3A_238] : memref<48xi32, #tpu.memory_space<vmem>> -> memref<40xi32, #tpu.memory_space<vmem>>
    %dma_wait3A_240 = tpu.memref_slice %arg9[%multiple_of3A_231] : memref<160000xi32, #tpu.memory_space<hbm>> -> memref<40xi32, #tpu.memory_space<hbm>>
    %dma_wait3A_241 = tpu.memref_slice %arg9[%multiple_of3A_231] : memref<160000xi32, #tpu.memory_space<hbm>> -> memref<40xi32, #tpu.memory_space<hbm>>
    %dma_wait3A_242 = arith.constant 0 : i32
    %dma_wait3A_243 = tpu.memref_slice %arg31[%dma_wait3A_242] : memref<48xi32, #tpu.memory_space<vmem>> -> memref<40xi32, #tpu.memory_space<vmem>>
    tpu.wait_dma2 semaphore(%arg55 : memref<!tpu.dma_semaphore, #tpu.memory_space<semaphore_mem>>) src(%dma_wait3A_243 : memref<40xi32, #tpu.memory_space<vmem>>) dst(%dma_wait3A_241 : memref<40xi32, #tpu.memory_space<hbm>>)
    %add3A_244 = arith.constant 9920 : i32
    %add3A_245 = arith.addi %mul3A_2, %add3A_244 : i32
    %jit3A_246 = arith.constant 2 : i32
    %div3A_247 = arith.divsi %add3A_245, %jit3A_246 : i32
    %sign3A_248 = arith.constant 0 : i32
    %sign3A_249 = arith.cmpi sgt, %add3A_245, %sign3A_248 : i32
    %sign3A_250 = arith.extui %sign3A_249 : i1 to i32
    %sign3A_251 = arith.constant 0 : i32
    %sign3A_252 = arith.cmpi slt, %add3A_245, %sign3A_251 : i32
    %sign3A_253 = arith.extui %sign3A_252 : i1 to i32
    %sign3A_254 = arith.subi %sign3A_250, %sign3A_253 : i32
    %sign3A_255 = arith.constant 0 : i32
    %sign3A_256 = arith.cmpi sgt, %jit3A_246, %sign3A_255 : i32
    %sign3A_257 = arith.extui %sign3A_256 : i1 to i32
    %sign3A_258 = arith.constant 0 : i32
    %sign3A_259 = arith.cmpi slt, %jit3A_246, %sign3A_258 : i32
    %sign3A_260 = arith.extui %sign3A_259 : i1 to i32
    %sign3A_261 = arith.subi %sign3A_257, %sign3A_260 : i32
    %ne3A_262 = arith.cmpi ne, %sign3A_254, %sign3A_261 : i32
    %rem3A_263 = arith.remsi %add3A_245, %jit3A_246 : i32
    %ne3A_264 = arith.constant 0 : i32
    %ne3A_265 = arith.cmpi ne, %rem3A_263, %ne3A_264 : i32
    %and3A_266 = arith.andi %ne3A_262, %ne3A_265 : i1
    %sub3A_267 = arith.constant 1 : i32
    %sub3A_268 = arith.subi %div3A_247, %sub3A_267 : i32
    %select_n3A_269 = arith.select %and3A_266, %sub3A_268, %div3A_247 : i32
    %dma_wait3A_270 = arith.constant 0 : i32
    %dma_wait3A_271 = tpu.memref_slice %arg7[%select_n3A_269, %dma_wait3A_270] : memref<160000x128xf32, #tpu.memory_space<hbm>> -> memref<40x128xf32, #tpu.memory_space<hbm>>
    %dma_wait3A_272 = arith.constant 0 : i32
    %dma_wait3A_273 = tpu.memref_slice %arg7[%select_n3A_269, %dma_wait3A_272] : memref<160000x128xf32, #tpu.memory_space<hbm>> -> memref<40x128xf32, #tpu.memory_space<hbm>>
    tpu.wait_dma2 semaphore(%arg44 : memref<!tpu.dma_semaphore, #tpu.memory_space<semaphore_mem>>) src(%arg16 : memref<40x128xf32, #tpu.memory_space<vmem>>) dst(%dma_wait3A_273 : memref<40x128xf32, #tpu.memory_space<hbm>>)
    %add3A_274 = arith.constant 9920 : i32
    %add3A_275 = arith.addi %mul3A_2, %add3A_274 : i32
    %jit3A_276 = arith.constant 2 : i32
    %div3A_277 = arith.divsi %add3A_275, %jit3A_276 : i32
    %sign3A_278 = arith.constant 0 : i32
    %sign3A_279 = arith.cmpi sgt, %add3A_275, %sign3A_278 : i32
    %sign3A_280 = arith.extui %sign3A_279 : i1 to i32
    %sign3A_281 = arith.constant 0 : i32
    %sign3A_282 = arith.cmpi slt, %add3A_275, %sign3A_281 : i32
    %sign3A_283 = arith.extui %sign3A_282 : i1 to i32
    %sign3A_284 = arith.subi %sign3A_280, %sign3A_283 : i32
    %sign3A_285 = arith.constant 0 : i32
    %sign3A_286 = arith.cmpi sgt, %jit3A_276, %sign3A_285 : i32
    %sign3A_287 = arith.extui %sign3A_286 : i1 to i32
    %sign3A_288 = arith.constant 0 : i32
    %sign3A_289 = arith.cmpi slt, %jit3A_276, %sign3A_288 : i32
    %sign3A_290 = arith.extui %sign3A_289 : i1 to i32
    %sign3A_291 = arith.subi %sign3A_287, %sign3A_290 : i32
    %ne3A_292 = arith.cmpi ne, %sign3A_284, %sign3A_291 : i32
    %rem3A_293 = arith.remsi %add3A_275, %jit3A_276 : i32
    %ne3A_294 = arith.constant 0 : i32
    %ne3A_295 = arith.cmpi ne, %rem3A_293, %ne3A_294 : i32
    %and3A_296 = arith.andi %ne3A_292, %ne3A_295 : i1
    %sub3A_297 = arith.constant 1 : i32
    %sub3A_298 = arith.subi %div3A_277, %sub3A_297 : i32
    %select_n3A_299 = arith.select %and3A_296, %sub3A_298, %div3A_277 : i32
    %multiple_of3A_300 = tpu.assume_multiple %select_n3A_299, 8 : i32
    %dma_wait3A_301 = arith.constant 0 : i32
    %dma_wait3A_302 = tpu.memref_slice %arg24[%dma_wait3A_301] : memref<48xi32, #tpu.memory_space<vmem>> -> memref<40xi32, #tpu.memory_space<vmem>>
    %dma_wait3A_303 = tpu.memref_slice %arg8[%multiple_of3A_300] : memref<160000xi32, #tpu.memory_space<hbm>> -> memref<40xi32, #tpu.memory_space<hbm>>
    %dma_wait3A_304 = tpu.memref_slice %arg8[%multiple_of3A_300] : memref<160000xi32, #tpu.memory_space<hbm>> -> memref<40xi32, #tpu.memory_space<hbm>>
    %dma_wait3A_305 = arith.constant 0 : i32
    %dma_wait3A_306 = tpu.memref_slice %arg24[%dma_wait3A_305] : memref<48xi32, #tpu.memory_space<vmem>> -> memref<40xi32, #tpu.memory_space<vmem>>
    tpu.wait_dma2 semaphore(%arg48 : memref<!tpu.dma_semaphore, #tpu.memory_space<semaphore_mem>>) src(%dma_wait3A_306 : memref<40xi32, #tpu.memory_space<vmem>>) dst(%dma_wait3A_304 : memref<40xi32, #tpu.memory_space<hbm>>)
    %dma_wait3A_307 = arith.constant 0 : i32
    %dma_wait3A_308 = tpu.memref_slice %arg28[%dma_wait3A_307] : memref<48xi32, #tpu.memory_space<vmem>> -> memref<40xi32, #tpu.memory_space<vmem>>
    %dma_wait3A_309 = tpu.memref_slice %arg9[%multiple_of3A_300] : memref<160000xi32, #tpu.memory_space<hbm>> -> memref<40xi32, #tpu.memory_space<hbm>>
    %dma_wait3A_310 = tpu.memref_slice %arg9[%multiple_of3A_300] : memref<160000xi32, #tpu.memory_space<hbm>> -> memref<40xi32, #tpu.memory_space<hbm>>
    %dma_wait3A_311 = arith.constant 0 : i32
    %dma_wait3A_312 = tpu.memref_slice %arg28[%dma_wait3A_311] : memref<48xi32, #tpu.memory_space<vmem>> -> memref<40xi32, #tpu.memory_space<vmem>>
    tpu.wait_dma2 semaphore(%arg52 : memref<!tpu.dma_semaphore, #tpu.memory_space<semaphore_mem>>) src(%dma_wait3A_312 : memref<40xi32, #tpu.memory_space<vmem>>) dst(%dma_wait3A_310 : memref<40xi32, #tpu.memory_space<hbm>>)
    return
  }
}

module attributes {stable_mosaic.version = 14 : i64} {
  func.func @_prep_body(%arg0: i32, %arg1: memref<2000x128xf32, #tpu.memory_space<vmem>>, %arg2: memref<128x128xf32, #tpu.memory_space<vmem>>, %arg3: memref<1x128xf32, #tpu.memory_space<vmem>>, %arg4: memref<128x64xf32, #tpu.memory_space<vmem>>, %arg5: memref<128x64xf32, #tpu.memory_space<vmem>>, %arg6: memref<8x64xf32, #tpu.memory_space<vmem>>, %arg7: memref<1x64xf32, #tpu.memory_space<vmem>>, %arg8: memref<64x64xf32, #tpu.memory_space<vmem>>, %arg9: memref<1x64xf32, #tpu.memory_space<vmem>>, %arg10: memref<2000x64xf32, #tpu.memory_space<vmem>>, %arg11: memref<2000x64xf32, #tpu.memory_space<vmem>>, %arg12: memref<8x64xf32, #tpu.memory_space<vmem>>, %arg13: memref<1x64xf32, #tpu.memory_space<vmem>>) attributes {dimension_semantics = [#tpu.dimension_semantics<arbitrary>], iteration_bounds = array<i64: 5>, scalar_prefetch = 0 : i64, scratch_operands = 0 : i64, tpu.core_type = #tpu.core_type<tc>, window_params = [{transform_indices = @transform_0, window_bounds = array<i64: 2000, 128>}, {pipeline_mode = #tpu.pipeline_mode<synchronous>, transform_indices = @transform_1, window_bounds = array<i64: 128, 128>}, {pipeline_mode = #tpu.pipeline_mode<synchronous>, transform_indices = @transform_2, window_bounds = array<i64: 1, 128>}, {pipeline_mode = #tpu.pipeline_mode<synchronous>, transform_indices = @transform_3, window_bounds = array<i64: 128, 64>}, {pipeline_mode = #tpu.pipeline_mode<synchronous>, transform_indices = @transform_4, window_bounds = array<i64: 128, 64>}, {pipeline_mode = #tpu.pipeline_mode<synchronous>, transform_indices = @transform_5, window_bounds = array<i64: 8, 64>}, {pipeline_mode = #tpu.pipeline_mode<synchronous>, transform_indices = @transform_6, window_bounds = array<i64: 1, 64>}, {pipeline_mode = #tpu.pipeline_mode<synchronous>, transform_indices = @transform_7, window_bounds = array<i64: 64, 64>}, {pipeline_mode = #tpu.pipeline_mode<synchronous>, transform_indices = @transform_8, window_bounds = array<i64: 1, 64>}, {transform_indices = @transform_9, window_bounds = array<i64: 2000, 64>}, {transform_indices = @transform_10, window_bounds = array<i64: 2000, 64>}, {pipeline_mode = #tpu.pipeline_mode<synchronous>, transform_indices = @transform_11, window_bounds = array<i64: 8, 64>}, {pipeline_mode = #tpu.pipeline_mode<synchronous>, transform_indices = @transform_12, window_bounds = array<i64: 1, 64>}]} {
    %get3A = arith.constant 0 : index
    %get3A_0 = arith.constant 0 : index
    %get3A_1 = vector.load %arg1[%get3A, %get3A_0] : memref<2000x128xf32, #tpu.memory_space<vmem>>, vector<2000x128xf32>
    %get3A_2 = arith.constant 0 : index
    %get3A_3 = arith.constant 0 : index
    %get3A_4 = vector.load %arg2[%get3A_2, %get3A_3] : memref<128x128xf32, #tpu.memory_space<vmem>>, vector<128x128xf32>
    %dot_general3A = arith.constant dense<0.000000e+00> : vector<2000x128xf32>
    %dot_general3A_5 = tpu.matmul %get3A_1, %get3A_4, %dot_general3A {dimension_numbers = #tpu.dot_dimension_numbers<[1], [0], [0], [1], [0, 0, 1, 1], [], []>, precision = #tpu.contract_precision<fp32>, transpose_lhs_hint = false} : vector<2000x128xf32>, vector<128x128xf32>, vector<2000x128xf32> -> vector<2000x128xf32>
    %get3A_6 = arith.constant 0 : index
    %get3A_7 = arith.constant 0 : index
    %get3A_8 = vector.load %arg3[%get3A_6, %get3A_7] : memref<1x128xf32, #tpu.memory_space<vmem>>, vector<1x128xf32>
    %add3A = vector.broadcast %get3A_8 : vector<1x128xf32> to vector<2000x128xf32>
    %add3A_9 = arith.addf %dot_general3A_5, %add3A : vector<2000x128xf32>
    %get3A_10 = arith.constant 0 : index
    %get3A_11 = arith.constant 0 : index
    %get3A_12 = vector.load %arg4[%get3A_10, %get3A_11] : memref<128x64xf32, #tpu.memory_space<vmem>>, vector<128x64xf32>
    %dot_general3A_13 = arith.constant dense<0.000000e+00> : vector<2000x64xf32>
    %dot_general3A_14 = tpu.matmul %add3A_9, %get3A_12, %dot_general3A_13 {dimension_numbers = #tpu.dot_dimension_numbers<[1], [0], [0], [1], [0, 0, 1, 1], [], []>, precision = #tpu.contract_precision<fp32>, transpose_lhs_hint = false} : vector<2000x128xf32>, vector<128x64xf32>, vector<2000x64xf32> -> vector<2000x64xf32>
    %swap3A = arith.constant 0 : index
    %swap3A_15 = arith.constant 0 : index
    %swap3A_16 = vector.load %arg10[%swap3A, %swap3A_15] : memref<2000x64xf32, #tpu.memory_space<vmem>>, vector<2000x64xf32>
    tpu.vector_store %arg10[%swap3A, %swap3A_15], %dot_general3A_14 {strides = array<i32>} : memref<2000x64xf32, #tpu.memory_space<vmem>>, vector<2000x64xf32>,
    %get3A_17 = arith.constant 0 : index
    %get3A_18 = arith.constant 0 : index
    %get3A_19 = vector.load %arg5[%get3A_17, %get3A_18] : memref<128x64xf32, #tpu.memory_space<vmem>>, vector<128x64xf32>
    %dot_general3A_20 = arith.constant dense<0.000000e+00> : vector<2000x64xf32>
    %dot_general3A_21 = tpu.matmul %add3A_9, %get3A_19, %dot_general3A_20 {dimension_numbers = #tpu.dot_dimension_numbers<[1], [0], [0], [1], [0, 0, 1, 1], [], []>, precision = #tpu.contract_precision<fp32>, transpose_lhs_hint = false} : vector<2000x128xf32>, vector<128x64xf32>, vector<2000x64xf32> -> vector<2000x64xf32>
    %swap3A_22 = arith.constant 0 : index
    %swap3A_23 = arith.constant 0 : index
    %swap3A_24 = vector.load %arg11[%swap3A_22, %swap3A_23] : memref<2000x64xf32, #tpu.memory_space<vmem>>, vector<2000x64xf32>
    tpu.vector_store %arg11[%swap3A_22, %swap3A_23], %dot_general3A_21 {strides = array<i32>} : memref<2000x64xf32, #tpu.memory_space<vmem>>, vector<2000x64xf32>,
    %eq3A = arith.constant 0 : i32
    %eq3A_25 = arith.cmpi eq, %arg0, %eq3A : i32
    %convert_element_type3A = arith.extui %eq3A_25 : i1 to i32
    %cond3A = arith.constant 0 : i32
    %cond3A_26 = arith.cmpi ne, %convert_element_type3A, %cond3A : i32
    scf.if %cond3A_26 {
      %get3A_27 = arith.constant 0 : index
      %get3A_28 = arith.constant 0 : index
      %get3A_29 = vector.load %arg6[%get3A_27, %get3A_28] : memref<8x64xf32, #tpu.memory_space<vmem>>, vector<8x64xf32>
      %get3A_30 = arith.constant 0 : index
      %get3A_31 = arith.constant 0 : index
      %get3A_32 = vector.load %arg8[%get3A_30, %get3A_31] : memref<64x64xf32, #tpu.memory_space<vmem>>, vector<64x64xf32>
      %dot_general3A_33 = arith.constant dense<0.000000e+00> : vector<8x64xf32>
      %dot_general3A_34 = tpu.matmul %get3A_29, %get3A_32, %dot_general3A_33 {dimension_numbers = #tpu.dot_dimension_numbers<[1], [0], [0], [1], [0, 0, 1, 1], [], []>, precision = #tpu.contract_precision<fp32>, transpose_lhs_hint = false} : vector<8x64xf32>, vector<64x64xf32>, vector<8x64xf32> -> vector<8x64xf32>
      %swap3A_35 = arith.constant 0 : index
      %swap3A_36 = arith.constant 0 : index
      %swap3A_37 = vector.load %arg12[%swap3A_35, %swap3A_36] : memref<8x64xf32, #tpu.memory_space<vmem>>, vector<8x64xf32>
      tpu.vector_store %arg12[%swap3A_35, %swap3A_36], %dot_general3A_34 {strides = array<i32>} : memref<8x64xf32, #tpu.memory_space<vmem>>, vector<8x64xf32>,
      %get3A_38 = arith.constant 0 : index
      %get3A_39 = arith.constant 0 : index
      %get3A_40 = vector.load %arg7[%get3A_38, %get3A_39] : memref<1x64xf32, #tpu.memory_space<vmem>>, vector<1x64xf32>
      %get3A_41 = arith.constant 0 : index
      %get3A_42 = arith.constant 0 : index
      %get3A_43 = vector.load %arg8[%get3A_41, %get3A_42] : memref<64x64xf32, #tpu.memory_space<vmem>>, vector<64x64xf32>
      %dot_general3A_44 = arith.constant dense<0.000000e+00> : vector<1x64xf32>
      %dot_general3A_45 = tpu.matmul %get3A_40, %get3A_43, %dot_general3A_44 {dimension_numbers = #tpu.dot_dimension_numbers<[1], [0], [0], [1], [0, 0, 1, 1], [], []>, precision = #tpu.contract_precision<fp32>, transpose_lhs_hint = false} : vector<1x64xf32>, vector<64x64xf32>, vector<1x64xf32> -> vector<1x64xf32>
      %get3A_46 = arith.constant 0 : index
      %get3A_47 = arith.constant 0 : index
      %get3A_48 = vector.load %arg9[%get3A_46, %get3A_47] : memref<1x64xf32, #tpu.memory_space<vmem>>, vector<1x64xf32>
      %add3A_49 = arith.addf %dot_general3A_45, %get3A_48 : vector<1x64xf32>
      %swap3A_50 = arith.constant 0 : index
      %swap3A_51 = arith.constant 0 : index
      %swap3A_52 = vector.load %arg13[%swap3A_50, %swap3A_51] : memref<1x64xf32, #tpu.memory_space<vmem>>, vector<1x64xf32>
      tpu.vector_store %arg13[%swap3A_50, %swap3A_51], %add3A_49 {strides = array<i32>} : memref<1x64xf32, #tpu.memory_space<vmem>>, vector<1x64xf32>,
    } else {
    }
    return
  }
  func.func @transform_0(%arg0: i32) -> (i32, i32) {
    %c0_i32 = arith.constant 0 : i32
    %c0_i32_0 = arith.constant 0 : i32
    return %arg0, %c0_i32 : i32, i32
  }
  func.func @transform_1(%arg0: i32) -> (i32, i32) {
    %c0_i32 = arith.constant 0 : i32
    %c0_i32_0 = arith.constant 0 : i32
    %c0_i32_1 = arith.constant 0 : i32
    return %c0_i32, %c0_i32_0 : i32, i32
  }
  func.func @transform_2(%arg0: i32) -> (i32, i32) {
    %c0_i32 = arith.constant 0 : i32
    %c0_i32_0 = arith.constant 0 : i32
    %c0_i32_1 = arith.constant 0 : i32
    return %c0_i32, %c0_i32_0 : i32, i32
  }
  func.func @transform_3(%arg0: i32) -> (i32, i32) {
    %c0_i32 = arith.constant 0 : i32
    %c0_i32_0 = arith.constant 0 : i32
    %c0_i32_1 = arith.constant 0 : i32
    return %c0_i32, %c0_i32_0 : i32, i32
  }
  func.func @transform_4(%arg0: i32) -> (i32, i32) {
    %c0_i32 = arith.constant 0 : i32
    %c0_i32_0 = arith.constant 0 : i32
    %c0_i32_1 = arith.constant 0 : i32
    return %c0_i32, %c0_i32_0 : i32, i32
  }
  func.func @transform_5(%arg0: i32) -> (i32, i32) {
    %c0_i32 = arith.constant 0 : i32
    %c0_i32_0 = arith.constant 0 : i32
    %c0_i32_1 = arith.constant 0 : i32
    return %c0_i32, %c0_i32_0 : i32, i32
  }
  func.func @transform_6(%arg0: i32) -> (i32, i32) {
    %c0_i32 = arith.constant 0 : i32
    %c0_i32_0 = arith.constant 0 : i32
    %c0_i32_1 = arith.constant 0 : i32
    return %c0_i32, %c0_i32_0 : i32, i32
  }
  func.func @transform_7(%arg0: i32) -> (i32, i32) {
    %c0_i32 = arith.constant 0 : i32
    %c0_i32_0 = arith.constant 0 : i32
    %c0_i32_1 = arith.constant 0 : i32
    return %c0_i32, %c0_i32_0 : i32, i32
  }
  func.func @transform_8(%arg0: i32) -> (i32, i32) {
    %c0_i32 = arith.constant 0 : i32
    %c0_i32_0 = arith.constant 0 : i32
    %c0_i32_1 = arith.constant 0 : i32
    return %c0_i32, %c0_i32_0 : i32, i32
  }
  func.func @transform_9(%arg0: i32) -> (i32, i32) {
    %c0_i32 = arith.constant 0 : i32
    %c0_i32_0 = arith.constant 0 : i32
    return %arg0, %c0_i32 : i32, i32
  }
  func.func @transform_10(%arg0: i32) -> (i32, i32) {
    %c0_i32 = arith.constant 0 : i32
    %c0_i32_0 = arith.constant 0 : i32
    return %arg0, %c0_i32 : i32, i32
  }
  func.func @transform_11(%arg0: i32) -> (i32, i32) {
    %c0_i32 = arith.constant 0 : i32
    %c0_i32_0 = arith.constant 0 : i32
    %c0_i32_1 = arith.constant 0 : i32
    return %c0_i32, %c0_i32_0 : i32, i32
  }
  func.func @transform_12(%arg0: i32) -> (i32, i32) {
    %c0_i32 = arith.constant 0 : i32
    %c0_i32_0 = arith.constant 0 : i32
    %c0_i32_1 = arith.constant 0 : i32
    return %c0_i32, %c0_i32_0 : i32, i32
  }
}

module attributes {stable_mosaic.version = 14 : i64} {
  func.func @_reduce_body(%arg0: i32, %arg1: memref<3200x128xf32, #tpu.memory_space<vmem>>, %arg2: memref<16x3200xf32, #tpu.memory_space<vmem>>, %arg3: memref<1x1x3200xi32, #tpu.memory_space<vmem>>, %arg4: memref<1x1x3200xi32, #tpu.memory_space<vmem>>, %arg5: memref<16x128xf32, #tpu.memory_space<vmem>>, %arg6: memref<1x128xf32, #tpu.memory_space<vmem>>, %arg7: memref<128x128xf32, #tpu.memory_space<vmem>>, %arg8: memref<1x128xf32, #tpu.memory_space<vmem>>, %arg9: memref<64x128xf32, #tpu.memory_space<vmem>>, %arg10: memref<1x128xf32, #tpu.memory_space<vmem>>, %arg11: memref<64x128xf32, #tpu.memory_space<vmem>>, %arg12: memref<64x64xf32, #tpu.memory_space<vmem>>) attributes {dimension_semantics = [#tpu.dimension_semantics<arbitrary>], iteration_bounds = array<i64: 50>, scalar_prefetch = 0 : i64, scratch_operands = 1 : i64, tpu.core_type = #tpu.core_type<tc>, window_params = [{transform_indices = @transform_0, window_bounds = array<i64: 3200, 128>}, {transform_indices = @transform_1, window_bounds = array<i64: 16, 3200>}, {transform_indices = @transform_2, window_bounds = array<i64: 1, 1, 3200>}, {transform_indices = @transform_3, window_bounds = array<i64: 1, 1, 3200>}, {pipeline_mode = #tpu.pipeline_mode<synchronous>, transform_indices = @transform_4, window_bounds = array<i64: 16, 128>}, {pipeline_mode = #tpu.pipeline_mode<synchronous>, transform_indices = @transform_5, window_bounds = array<i64: 1, 128>}, {pipeline_mode = #tpu.pipeline_mode<synchronous>, transform_indices = @transform_6, window_bounds = array<i64: 128, 128>}, {pipeline_mode = #tpu.pipeline_mode<synchronous>, transform_indices = @transform_7, window_bounds = array<i64: 1, 128>}, {pipeline_mode = #tpu.pipeline_mode<synchronous>, transform_indices = @transform_8, window_bounds = array<i64: 64, 128>}, {pipeline_mode = #tpu.pipeline_mode<synchronous>, transform_indices = @transform_9, window_bounds = array<i64: 1, 128>}, {pipeline_mode = #tpu.pipeline_mode<synchronous>, transform_indices = @transform_10, window_bounds = array<i64: 64, 128>}]} {
    %eq3A = arith.constant 0 : i32
    %eq3A_0 = arith.cmpi eq, %arg0, %eq3A : i32
    %convert_element_type3A = arith.extui %eq3A_0 : i1 to i32
    %cond3A = arith.constant 0 : i32
    %cond3A_1 = arith.cmpi ne, %convert_element_type3A, %cond3A : i32
    scf.if %cond3A_1 {
      %broadcast_in_dim3A_68 = arith.constant 0.000000e+00 : f32
      %broadcast_in_dim3A_69 = vector.broadcast %broadcast_in_dim3A_68 : f32 to vector<64x64xf32>
      %swap3A_70 = arith.constant 0 : index
      %swap3A_71 = arith.constant 0 : index
      %swap3A_72 = vector.load %arg12[%swap3A_70, %swap3A_71] : memref<64x64xf32, #tpu.memory_space<vmem>>, vector<64x64xf32>
      tpu.vector_store %arg12[%swap3A_70, %swap3A_71], %broadcast_in_dim3A_69 {strides = array<i32>} : memref<64x64xf32, #tpu.memory_space<vmem>>, vector<64x64xf32>,
    } else {
    }
    %get3A = arith.constant 0 : index
    %get3A_2 = arith.constant 0 : index
    %get3A_3 = vector.load %arg2[%get3A, %get3A_2] : memref<16x3200xf32, #tpu.memory_space<vmem>>, vector<16x3200xf32>
    %get3A_4 = arith.constant 0 : index
    %get3A_5 = arith.constant 0 : index
    %get3A_6 = vector.load %arg5[%get3A_4, %get3A_5] : memref<16x128xf32, #tpu.memory_space<vmem>>, vector<16x128xf32>
    %dot_general3A = arith.constant dense<0.000000e+00> : vector<3200x128xf32>
    %dot_general3A_7 = tpu.matmul %get3A_3, %get3A_6, %dot_general3A {dimension_numbers = #tpu.dot_dimension_numbers<[0], [0], [1], [1], [0, 1, 1, 1], [], []>, transpose_lhs_hint = false} : vector<16x3200xf32>, vector<16x128xf32>, vector<3200x128xf32> -> vector<3200x128xf32>
    %get3A_8 = arith.constant 0 : index
    %get3A_9 = arith.constant 0 : index
    %get3A_10 = vector.load %arg1[%get3A_8, %get3A_9] : memref<3200x128xf32, #tpu.memory_space<vmem>>, vector<3200x128xf32>
    %add3A = arith.addf %get3A_10, %dot_general3A_7 : vector<3200x128xf32>
    %get3A_11 = arith.constant 0 : index
    %get3A_12 = arith.constant 0 : index
    %get3A_13 = vector.load %arg6[%get3A_11, %get3A_12] : memref<1x128xf32, #tpu.memory_space<vmem>>, vector<1x128xf32>
    %add3A_14 = vector.broadcast %get3A_13 : vector<1x128xf32> to vector<3200x128xf32>
    %add3A_15 = arith.addf %add3A, %add3A_14 : vector<3200x128xf32>
    %max3A = arith.constant 0.000000e+00 : f32
    %max3A_16 = vector.broadcast %max3A : f32 to vector<3200x128xf32>
    %max3A_17 = arith.maximumf %add3A_15, %max3A_16 : vector<3200x128xf32>
    %get3A_18 = arith.constant 0 : index
    %get3A_19 = arith.constant 0 : index
    %get3A_20 = vector.load %arg7[%get3A_18, %get3A_19] : memref<128x128xf32, #tpu.memory_space<vmem>>, vector<128x128xf32>
    %dot_general3A_21 = arith.constant dense<0.000000e+00> : vector<3200x128xf32>
    %dot_general3A_22 = tpu.matmul %max3A_17, %get3A_20, %dot_general3A_21 {dimension_numbers = #tpu.dot_dimension_numbers<[1], [0], [0], [1], [0, 0, 1, 1], [], []>, transpose_lhs_hint = false} : vector<3200x128xf32>, vector<128x128xf32>, vector<3200x128xf32> -> vector<3200x128xf32>
    %get3A_23 = arith.constant 0 : index
    %get3A_24 = arith.constant 0 : index
    %get3A_25 = vector.load %arg8[%get3A_23, %get3A_24] : memref<1x128xf32, #tpu.memory_space<vmem>>, vector<1x128xf32>
    %add3A_26 = vector.broadcast %get3A_25 : vector<1x128xf32> to vector<3200x128xf32>
    %add3A_27 = arith.addf %dot_general3A_22, %add3A_26 : vector<3200x128xf32>
    %max3A_28 = arith.constant 0.000000e+00 : f32
    %max3A_29 = vector.broadcast %max3A_28 : f32 to vector<3200x128xf32>
    %max3A_30 = arith.maximumf %add3A_27, %max3A_29 : vector<3200x128xf32>
    %get3A_31 = arith.constant 0 : index
    %get3A_32 = arith.constant 0 : index
    %get3A_33 = arith.constant 0 : index
    %get3A_34 = vector.load %arg3[%get3A_31, %get3A_32, %get3A_33] : memref<1x1x3200xi32, #tpu.memory_space<vmem>>, vector<1x1x3200xi32>
    %get3A_35 = vector.shape_cast %get3A_34 : vector<1x1x3200xi32> to vector<3200xi32>
    %get3A_36 = arith.constant 0 : index
    %get3A_37 = arith.constant 0 : index
    %get3A_38 = arith.constant 0 : index
    %get3A_39 = vector.load %arg4[%get3A_36, %get3A_37, %get3A_38] : memref<1x1x3200xi32, #tpu.memory_space<vmem>>, vector<1x1x3200xi32>
    %get3A_40 = vector.shape_cast %get3A_39 : vector<1x1x3200xi32> to vector<3200xi32>
    %iota3A = tpu.iota {dimensions = array<i32: 0>} : vector<64x3200xi32>
    %broadcast_in_dim3A = vector.shape_cast %get3A_35 : vector<3200xi32> to vector<1x3200xi32>
    %eq3A_41 = vector.broadcast %broadcast_in_dim3A : vector<1x3200xi32> to vector<64x3200xi32>
    %eq3A_42 = arith.cmpi eq, %iota3A, %eq3A_41 : vector<64x3200xi32>
    %convert_element_type3A_43 = arith.extui %eq3A_42 : vector<64x3200xi1> to vector<64x3200xi32>
    %convert_element_type3A_44 = arith.sitofp %convert_element_type3A_43 : vector<64x3200xi32> to vector<64x3200xf32>
    %iota3A_45 = tpu.iota {dimensions = array<i32: 0>} : vector<64x3200xi32>
    %broadcast_in_dim3A_46 = vector.shape_cast %get3A_40 : vector<3200xi32> to vector<1x3200xi32>
    %eq3A_47 = vector.broadcast %broadcast_in_dim3A_46 : vector<1x3200xi32> to vector<64x3200xi32>
    %eq3A_48 = arith.cmpi eq, %iota3A_45, %eq3A_47 : vector<64x3200xi32>
    %convert_element_type3A_49 = arith.extui %eq3A_48 : vector<64x3200xi1> to vector<64x3200xi32>
    %convert_element_type3A_50 = arith.sitofp %convert_element_type3A_49 : vector<64x3200xi32> to vector<64x3200xf32>
    %dot_general3A_51 = arith.constant dense<0.000000e+00> : vector<64x128xf32>
    %dot_general3A_52 = tpu.matmul %convert_element_type3A_44, %max3A_30, %dot_general3A_51 {dimension_numbers = #tpu.dot_dimension_numbers<[1], [0], [0], [1], [0, 0, 1, 1], [], []>, transpose_lhs_hint = false} : vector<64x3200xf32>, vector<3200x128xf32>, vector<64x128xf32> -> vector<64x128xf32>
    %dot_general3A_53 = arith.constant dense<0.000000e+00> : vector<64x128xf32>
    %dot_general3A_54 = tpu.matmul %convert_element_type3A_50, %max3A_30, %dot_general3A_53 {dimension_numbers = #tpu.dot_dimension_numbers<[1], [0], [0], [1], [0, 0, 1, 1], [], []>, transpose_lhs_hint = false} : vector<64x3200xf32>, vector<3200x128xf32>, vector<64x128xf32> -> vector<64x128xf32>
    %get3A_55 = arith.constant 0 : index
    %get3A_56 = arith.constant 0 : index
    %get3A_57 = vector.load %arg12[%get3A_55, %get3A_56] : memref<64x64xf32, #tpu.memory_space<vmem>>, vector<64x64xf32>
    %slice3A = vector.extract_strided_slice %dot_general3A_52 {offsets = [0, 0], sizes = [64, 64], strides = [1, 1]} : vector<64x128xf32> to vector<64x64xf32>
    %slice3A_58 = vector.extract_strided_slice %dot_general3A_54 {offsets = [0, 64], sizes = [64, 64], strides = [1, 1]} : vector<64x128xf32> to vector<64x64xf32>
    %add3A_59 = arith.addf %slice3A, %slice3A_58 : vector<64x64xf32>
    %add3A_60 = arith.addf %get3A_57, %add3A_59 : vector<64x64xf32>
    %swap3A = arith.constant 0 : index
    %swap3A_61 = arith.constant 0 : index
    %swap3A_62 = vector.load %arg12[%swap3A, %swap3A_61] : memref<64x64xf32, #tpu.memory_space<vmem>>, vector<64x64xf32>
    tpu.vector_store %arg12[%swap3A, %swap3A_61], %add3A_60 {strides = array<i32>} : memref<64x64xf32, #tpu.memory_space<vmem>>, vector<64x64xf32>,
    %eq3A_63 = arith.constant 49 : i32
    %eq3A_64 = arith.cmpi eq, %arg0, %eq3A_63 : i32
    %convert_element_type3A_65 = arith.extui %eq3A_64 : i1 to i32
    %cond3A_66 = arith.constant 0 : i32
    %cond3A_67 = arith.cmpi ne, %convert_element_type3A_65, %cond3A_66 : i32
    scf.if %cond3A_67 {
      %get3A_68 = arith.constant 0 : index
      %get3A_69 = arith.constant 0 : index
      %get3A_70 = vector.load %arg12[%get3A_68, %get3A_69] : memref<64x64xf32, #tpu.memory_space<vmem>>, vector<64x64xf32>
      %get3A_71 = arith.constant 0 : index
      %get3A_72 = arith.constant 0 : index
      %get3A_73 = vector.load %arg9[%get3A_71, %get3A_72] : memref<64x128xf32, #tpu.memory_space<vmem>>, vector<64x128xf32>
      %dot_general3A_74 = arith.constant dense<0.000000e+00> : vector<64x128xf32>
      %dot_general3A_75 = tpu.matmul %get3A_70, %get3A_73, %dot_general3A_74 {dimension_numbers = #tpu.dot_dimension_numbers<[1], [0], [0], [1], [0, 0, 1, 1], [], []>, transpose_lhs_hint = false} : vector<64x64xf32>, vector<64x128xf32>, vector<64x128xf32> -> vector<64x128xf32>
      %get3A_76 = arith.constant 0 : index
      %get3A_77 = arith.constant 0 : index
      %get3A_78 = vector.load %arg10[%get3A_76, %get3A_77] : memref<1x128xf32, #tpu.memory_space<vmem>>, vector<1x128xf32>
      %add3A_79 = vector.broadcast %get3A_78 : vector<1x128xf32> to vector<64x128xf32>
      %add3A_80 = arith.addf %dot_general3A_75, %add3A_79 : vector<64x128xf32>
      %swap3A_81 = arith.constant 0 : index
      %swap3A_82 = arith.constant 0 : index
      %swap3A_83 = vector.load %arg11[%swap3A_81, %swap3A_82] : memref<64x128xf32, #tpu.memory_space<vmem>>, vector<64x128xf32>
      tpu.vector_store %arg11[%swap3A_81, %swap3A_82], %add3A_80 {strides = array<i32>} : memref<64x128xf32, #tpu.memory_space<vmem>>, vector<64x128xf32>,
    } else {
    }
    return
  }
  func.func @transform_0(%arg0: i32) -> (i32, i32) {
    %c0_i32 = arith.constant 0 : i32
    %c0_i32_0 = arith.constant 0 : i32
    return %arg0, %c0_i32 : i32, i32
  }
  func.func @transform_1(%arg0: i32) -> (i32, i32) {
    %c0_i32 = arith.constant 0 : i32
    %c0_i32_0 = arith.constant 0 : i32
    return %c0_i32, %arg0 : i32, i32
  }
  func.func @transform_2(%arg0: i32) -> (i32, i32, i32) {
    %c0_i32 = arith.constant 0 : i32
    %c0_i32_0 = arith.constant 0 : i32
    %c0_i32_1 = arith.constant 0 : i32
    return %arg0, %c0_i32, %c0_i32_0 : i32, i32, i32
  }
  func.func @transform_3(%arg0: i32) -> (i32, i32, i32) {
    %c0_i32 = arith.constant 0 : i32
    %c0_i32_0 = arith.constant 0 : i32
    %c0_i32_1 = arith.constant 0 : i32
    return %arg0, %c0_i32, %c0_i32_0 : i32, i32, i32
  }
  func.func @transform_4(%arg0: i32) -> (i32, i32) {
    %c0_i32 = arith.constant 0 : i32
    %c0_i32_0 = arith.constant 0 : i32
    %c0_i32_1 = arith.constant 0 : i32
    return %c0_i32, %c0_i32_0 : i32, i32
  }
  func.func @transform_5(%arg0: i32) -> (i32, i32) {
    %c0_i32 = arith.constant 0 : i32
    %c0_i32_0 = arith.constant 0 : i32
    %c0_i32_1 = arith.constant 0 : i32
    return %c0_i32, %c0_i32_0 : i32, i32
  }
  func.func @transform_6(%arg0: i32) -> (i32, i32) {
    %c0_i32 = arith.constant 0 : i32
    %c0_i32_0 = arith.constant 0 : i32
    %c0_i32_1 = arith.constant 0 : i32
    return %c0_i32, %c0_i32_0 : i32, i32
  }
  func.func @transform_7(%arg0: i32) -> (i32, i32) {
    %c0_i32 = arith.constant 0 : i32
    %c0_i32_0 = arith.constant 0 : i32
    %c0_i32_1 = arith.constant 0 : i32
    return %c0_i32, %c0_i32_0 : i32, i32
  }
  func.func @transform_8(%arg0: i32) -> (i32, i32) {
    %c0_i32 = arith.constant 0 : i32
    %c0_i32_0 = arith.constant 0 : i32
    %c0_i32_1 = arith.constant 0 : i32
    return %c0_i32, %c0_i32_0 : i32, i32
  }
  func.func @transform_9(%arg0: i32) -> (i32, i32) {
    %c0_i32 = arith.constant 0 : i32
    %c0_i32_0 = arith.constant 0 : i32
    %c0_i32_1 = arith.constant 0 : i32
    return %c0_i32, %c0_i32_0 : i32, i32
  }
  func.func @transform_10(%arg0: i32) -> (i32, i32) {
    %c0_i32 = arith.constant 0 : i32
    %c0_i32_0 = arith.constant 0 : i32
    %c0_i32_1 = arith.constant 0 : i32
    return %c0_i32, %c0_i32_0 : i32, i32
  }
}

</mosaic_0001>

<sc_bundles>
// kernel: kernel.5.cloned.1.call-start
scs
__scs_entry_jumppad:
0x0: {  	(pc) =	sbr.rel $0x88, $3  }
0x1: {  	(tag) =	ssettag $0x0;
	lr =	simm.s32 $0x1  }
0x2: {  	[smem:$0x3F93] =	sst lr;
	_ =	strace $0xD0000000  }
0x3: {  	_ = 	snop  }
0x4: {  	_ = 	snop  }
0x5: {  	_ = 	snop  }
0x6: {  	_ = 	snop  }
0x7: {  	_ = 	snop  }
__scs_overlays_trampoline_lowered:
0x8: {  	[smem:$0x3FA2] =	sst s0  }
0x9: {  	[smem:$0x3FA3] =	sst s1  }
0xa: {  	[smem:$0x3FA4] =	sst s2  }
0xb: {  	[smem:$0x3FA5] =	sst s3  }
0xc: {  	[smem:$0x3FA6] =	sst s4  }
0xd: {  	[smem:$0x3FA7] =	sst s5  }
0xe: {  	[smem:$0x3FA8] =	sst s6  }
0xf: {  	[smem:$0x3FA9] =	sst s7  }
0x10: {  	[smem:$0x3FAA] =	sst s8  }
0x11: {  	[smem:$0x3FAB] =	sst s9;
	s0 =	simm.s32 @!p0 $0x0  }
0x12: {  	s1 =	sld [smem:$0x3F91];
	s0 =	simm.s32 @p0 $0x1  }
0x13: {  	[smem:$0x3FAC] =	sst s0;
	s0 =	simm.s32 @!p1 $0x0  }
0x14: {  	s2 =	sld [smem:$0x3F90];
	s0 =	simm.s32 @p1 $0x1  }
0x15: {  	[smem:$0x3FAD] =	sst s0;
	s0 =	simm.s32 @!p2 $0x0  }
0x16: {  	s3 =	sld [smem:$0x3FDB];
	s0 =	simm.s32 @p2 $0x1  }
0x17: {  	s4 =	simm.s32 $0x1BF5;
	[smem:$0x3FAF] =	sst s0  }
0x18: {  	s0 =	sld [smem:$0x3F92];
	_ =	swait.ge [sflag:s4], $0x0  }
0x19: {  	s7 =	sld [smem:$0x3F93]  }
0x1a: {  	s8 =	sadd.s32 $0xFFFFE003, lr  }
0x1b: {  	s9 =	sadd.s32 $0xFFFFFEF7, lr;
	s5 =	simm.s32 $0xFFFFFFFF;
	p2 =	slt.u32 s8, $0xFFFFF086  }
0x1c: {  	p1 =	slt.u32 s9, $0xF7A;
	s5 =	simm.s32 @!p2 $0x0  }
0x1d: {  	s5 =	simm.s32 @p1 $0x1;
	p0 =	seq.s32 s7, s2  }
0x1e: {  	s7 =	smul.u32 @!p0 $0xF7A, s2;
	p2 =	seq.s32 @!p0 s5, $0x0  }
0x1f: {  	s9 =	smul.u32 $0xF7A, s1;
	s8 =	simm.s32 @!p0 $0x1BF5;
	p2 =	por !p2, p0  }
0x20: {  	[sflag:s8] =	ssyncset.s32 @!p0 $0xFFFFF086;
	s6 =	sadd.s32 @!p0 s3, s7;
	s7 =	simm.s32 @!p0 $0x108  }
0x21: {  	s3 =	sadd.s32 s3, s9;
	s6 =	sadd.s32 @!p0 $0x88, s6;
	s7 =	simm.s32 @p2 $0x1082  }
0x22: {  	[simem:s7], [sflag:s8] =	dma.local @!p0 [hbm:s6], $0xF7A  }
0x23: {  	s9 =	sor.u32 $0xD0000000, s2;
	s6 =	simm.s32 $0x108;
	_ =	swait.ge @!p0 [sflag:s8], $0x0  }
0x24: {  	s3 =	sadd.s32 $0x88, s3;
	s6 =	simm.s32 @!p1 $0x1082;
	[sflag:s4] =	ssyncset.s32 $0xFFFFF086  }
0x25: {  	[simem:s6], [sflag:s4] =	dma.local [hbm:s3], $0xF7A  }
0x26: {  	[smem:$0x3F93] =	sst s1;
	(tag) =	ssettag s2;
	_ =	strace s9  }
0x27: {  	s1 =	sld [smem:$0x3FA3]  }
0x28: {  	s2 =	sld [smem:$0x3FA4]  }
0x29: {  	s4 =	sld [smem:$0x3FA6]  }
0x2a: {  	p0 =	seq.s32 s5, $0x0;
	s5 =	sld [smem:$0x3FA7]  }
0x2b: {  	s6 =	sld [smem:$0x3FA8]  }
0x2c: {  	s7 =	sld [smem:$0x3FA9]  }
0x2d: {  	s3 =	simm.s32 $0x108;
	s8 =	sld [smem:$0x3FAA]  }
0x2e: {  	s3 =	simm.s32 @!p0 $0x1082;
	s9 =	sld [smem:$0x3FAB]  }
0x2f: {  	lr =	sadd.s32 s0, s3;
	s0 =	sld [smem:$0x3FA2]  }
0x30: {  	s3 =	sld [smem:$0x3FA5]  }
0x31: {  	[smem:$0x3FAE] =	sst s10  }
0x32: {  	s10 =	sld [smem:$0x3FAC];
	_ =	sdelay $0x3  }
0x33: {  	p0 =	seq.s32 s10, $0x1;
	s10 =	sld [smem:$0x3FAE];
	_ =	sdelay $0x3  }
0x34: {  	[smem:$0x3FAE] =	sst s10  }
0x35: {  	s10 =	sld [smem:$0x3FAD];
	_ =	sdelay $0x3  }
0x36: {  	p1 =	seq.s32 s10, $0x1;
	s10 =	sld [smem:$0x3FAE];
	_ =	sdelay $0x3  }
0x37: {  	[smem:$0x3FAE] =	sst s10  }
0x38: {  	s10 =	sld [smem:$0x3FAF]  }
0x39: {  	_ = 	snop;
	(pc) =	sbr.ind lr, $3  }
0x3a: {  	_ = 	snop  }
0x3b: {  	_ = 	snop  }
0x3c: {  	p2 =	seq.s32 s10, $0x1;
	s10 =	sld [smem:$0x3FAE]  }
0x3d: {  	_ =	shalt  }
0x3e: {  	_ =	shalt  }
0x3f: {  	_ =	shalt  }
0x40: {  	_ =	shalt  }
0x41: {  	_ =	shalt  }
0x42: {  	_ =	shalt  }
0x43: {  	_ =	shalt  }
0x44: {  	_ =	shalt  }
0x45: {  	_ =	shalt  }
0x46: {  	_ =	shalt  }
0x47: {  	_ =	shalt  }
0x48: {  	_ =	shalt  }
0x49: {  	_ =	shalt  }
0x4a: {  	_ =	shalt  }
0x4b: {  	_ =	shalt  }
0x4c: {  	_ =	shalt  }
0x4d: {  	_ =	shalt  }
0x4e: {  	_ =	shalt  }
0x4f: {  	_ =	shalt  }
0x50: {  	_ =	shalt  }
0x51: {  	_ =	shalt  }
0x52: {  	_ =	shalt  }
0x53: {  	_ =	shalt  }
0x54: {  	_ =	shalt  }
0x55: {  	_ =	shalt  }
0x56: {  	_ =	shalt  }
0x57: {  	_ =	shalt  }
0x58: {  	_ =	shalt  }
0x59: {  	_ =	shalt  }
0x5a: {  	_ =	shalt  }
0x5b: {  	_ =	shalt  }
0x5c: {  	_ =	shalt  }
0x5d: {  	_ =	shalt  }
0x5e: {  	_ =	shalt  }
0x5f: {  	_ =	shalt  }
0x60: {  	_ =	shalt  }
0x61: {  	_ =	shalt  }
0x62: {  	_ =	shalt  }
0x63: {  	_ =	shalt  }
0x64: {  	_ =	shalt  }
0x65: {  	_ =	shalt  }
0x66: {  	_ =	shalt  }
0x67: {  	_ =	shalt  }
0x68: {  	_ =	shalt  }
0x69: {  	_ =	shalt  }
0x6a: {  	_ =	shalt  }
0x6b: {  	_ =	shalt  }
0x6c: {  	_ =	shalt  }
0x6d: {  	_ =	shalt  }
0x6e: {  	_ =	shalt  }
0x6f: {  	_ =	shalt  }
0x70: {  	_ =	shalt  }
0x71: {  	_ =	shalt  }
0x72: {  	_ =	shalt  }
0x73: {  	_ =	shalt  }
0x74: {  	_ =	shalt  }
0x75: {  	_ =	shalt  }
0x76: {  	_ =	shalt  }
0x77: {  	_ =	shalt  }
0x78: {  	_ =	shalt  }
0x79: {  	_ =	shalt  }
0x7a: {  	_ =	shalt  }
0x7b: {  	_ =	shalt  }
0x7c: {  	_ =	shalt  }
0x7d: {  	_ =	shalt  }
0x7e: {  	_ =	shalt  }
0x7f: {  	_ =	shalt  }
0x80: {  	_ =	shalt  }
0x81: {  	_ =	shalt  }
0x82: {  	_ =	shalt  }
0x83: {  	_ =	shalt  }
0x84: {  	_ =	shalt  }
0x85: {  	_ =	shalt  }
0x86: {  	_ =	shalt  }
0x87: {  	_ =	shalt  }
.Lfunc_end0:
.L_simem_size_0:
called_computation_lowered:
.L_overlay_start_0:
0x88: {  	s2 =	sld [smem:$0x3FD9]  }
0x89: {  	s3 =	sld [smem:$0x3FFE];
	_ =	sdelay $0x1  }
0x8a: {  	s1 =	srdreg.scid  }
0x8b: {  	s0 =	sand.u32 $0x1, s1  }
0x8c: {  	s17 =	sshll.u32 s0, $0xA;
	s2 =	sadd.s32 s3, s2  }
0x8d: {  	s2 =	sadd.s32 s2, s17  }
0x8e: {  	[smem:$0x3FBA] =	sst s2  }
0x8f: {  	_ = 	snop  }
0x90: {  	s2 =	sld [smem:$0x3FBC];
	(tm) =	ssettm $0x1  }
0x91: {  	s18 =	sld [smem:$0x3FFB];
	_ =	sdelay $0x3  }
0x92: {  	_ =	strace s18  }
0x93: {  	s3 =	sld [smem:$0x3FFC];
	_ =	sdelay $0x3  }
0x94: {  	_ =	strace s3  }
0x95: {  	s3 =	sld [smem:$0x3FFD];
	_ =	sdelay $0x3  }
0x96: {  	_ =	strace s3  }
0x97: {  	_ =	strace $0x8FFFFFFF  }
0x98: {  	s19 =	sld [smem:$0x3FDB];
	_ =	sdelay $0x1  }
0x99: {  	s4 =	simm.s32 $_scs_section_size  }
0x9a: {  	s5 =	simm.s32 $_size__tile_overlayer_lowered;
	s6 =	simm.s32 $_tile_overlayer_lowered  }
0x9b: {  	s22 =	simm.s32 $0x1BFF;
	s21 =	sshll.u32 s6, $0x1;
	s3 =	sadd.s32 s4, s19  }
0x9c: {  	s7 =	simm.s32 $0x0;
	s20 =	sshll.u32 s5, $0x1;
	s5 =	sadd.s32 s21, s3  }
0x9d: {  	[timem:s7], [sflag:s22] =	dma.local [hbm:s5], s20  }
0x9e: {  	_ =	swait.ge [sflag:s22], s20  }
0x9f: {  	s4 =	ssub.s32 $0x0, s20;
	[sflag:s22] =	ssyncset.done $0x0  }
0xa0: {  	[sflag:s22] =	ssyncadd.s32 s4;
	_ =	sdelay $0x1  }
0xa1: {  	s23 =	simm.s32 $0x1B8B  }
0xa2: {  	_ =	swait.ge [sflag:s23], $0x1  }
0xa3: {  	[sflag:s23] =	ssyncset.done $0x0  }
0xa4: {  	s25 =	simm.s32 $0x1B8E;
	s24 =	sld [smem:$0x3FFE];
	[sflag:s23] =	ssyncadd.s32 $0xFFFFFFFF  }
0xa5: {  	s26 =	simm.s32 $execute0_lowered;
	[smem:$0x3FD2] =	sst s25  }
0xa6: {  	s5 =	sshll.u32 s26, $0x1;
	_ =	strace $0x80000046;
	[dreg:$0x1] =	wrdreg $0xFFFFFFFF  }
0xa7: {  	s28 =	simm.s32 $_size_execute0_lowered;
	s3 =	sadd.s32 s3, s5;
	[dreg:$0x0] =	wrdreg $0x0  }
0xa8: {  	s5 =	sshll.u32 s28, $0x1;
	[dreg:$0x2] =	wrdreg s3  }
0xa9: {  	[dreg:$0x3] =	wrdreg s5  }
0xaa: {  	[dreg:$0x4] =	wrdreg $0xC0  }
0xab: {  	_ =	task [dreg:s7], $0x5FFFF  }
0xac: {  	[dreg:$0x1] =	wrdreg $0xFFFFFFFF  }
0xad: {  	[dreg:$0x0] =	wrdreg $0x60  }
0xae: {  	[dreg:$0x2] =	wrdreg s24  }
0xaf: {  	[dreg:$0x3] =	wrdreg s2  }
0xb0: {  	[dreg:$0x4] =	wrdreg $0x9  }
0xb1: {  	_ =	task.clear_ibuf [dreg:s7], $0x5FFFF;
	_ =	strace $0x90000046  }
0xb2: {  	s29 =	simm.s32 $0x9;
	_ =	strace $0x80000048  }
0xb3: {  	_ =	swait.ge [sflag:s29], $0x1  }
0xb4: {  	[sflag:s29] =	ssyncadd.s32 $0xFFFFFFFF  }
0xb5: {  	_ =	strace $0x90000048  }
0xb6: {  	_ =	sfence  }
0xb7: {  	s30 =	sld [smem:$0x0];
	_ =	sdelay $0x2  }
0xb8: {  	s31 =	sshll.u32 s1, $0xD;
	s1 =	sshrl.u32 s1, $0x2  }
0xb9: {  	s3 =	sand.u32 $0x4000, s31;
	s1 =	sadd.s32 s1, s30  }
0xba: {  	s0 =	sor.u32 s3, s0;
	s1 =	sshll.u32 s1, $0x11  }
0xbb: {  	s0 =	sor.u32 s1, s0  }
0xbc: {  	s0 =	sadd.s32 $0x8F2B, s0  }
0xbd: {  	[sflag:s0] =	ssyncadd.remote.s32 $0x1  }
0xbe: {  	_ =	sfence.sel $0xFFFF  }
0xbf: {  	[dreg:$0x0] =	wrdreg $0xFFFFFFFF;
	(pc) =	sbr.abs _section_cstart, $3  }
0xc0: {  	[dreg:$0x1] =	wrdreg $0xFFFFFFFF  }
0xc1: {  	_ =	task.clear_ibuf [dreg:s7], $0x2FFFF;
	_ =	strace $0x9FFFFFFF  }
0xc2: {  	(tm) =	ssettm $0x7FFFFFFF  }
0xc3: {  	_ =	shalt  }
tec
execute0_lowered:
.L_overlay_start_1:
0x0: {  	(tag) =	ssettag $0x1  }
0x1: {  	s0 =	srdreg.scid  }
0x2: {  	s1 =	stileid.u32;
	s9 =	rddreg [dreg:$0x0]  }
0x3: {  	s2 =	rddreg [dreg:$0x1];
	s4 =	simm.s32 $0x0;
	s15 =	simm.s32 $0x50  }
0x4: {  	s17 =	simm.s32 $0xEE20;
	s19 =	simm.s32 $0xEE80;
	s21 =	simm.s32 $0x5  }
0x5: {  	s22 =	simm.s32 $0x9;
	s29 =	simm.s32 $0xEEE0;
	s11 =	simm.s32 $0x14  }
0x6: {  	s12 =	simm.s32 $0x18;
	s13 =	simm.s32 $0xEF40;
	s14 =	simm.s32 $0x8  }
0x7: {  	s18 =	simm.s32 $0xC;
	s0 =	sand.u32 $0x1, s0;
	s1 =	sshll.u32 s1, $0x1  }
0x8: {  	s20 =	simm.s32 $0x0;
	[smem:$0x7FF] =	sst s4;
	s1 =	sor.u32 s0, s1  }
0x9: {  	s5 =	sadd.s32 $0x16A00, s9;
	s0 =	ssub.s32 $0x2, s0;
	s3 =	smul.u32 $0x2710, s1  }
0xa: {  	s6 =	sadd.s32 $0x3000, s9;
	s7 =	sadd.s32 $0x48000, s9;
	s10 =	sshrl.u32 s0, $0x1  }
.Ltmp0:
0xb: {  	v0 =	vlaneseq.u32;
	s0 =	ssub.s32 s0, s10;
	s1 =	sshrl.u32 s3, $0x3;
	(pc) =	sbr.rel .LBB2_1-.Ltmp0, $4  }
0xc: {  	s8 =	sadd.s32 $0x3E000, s9;
	v0 =	vmul.u32 $0x2, v0;
	s0 =	smax.u32 s0, $0x1;
	s1 =	sadd.s32 s1, s9  }
0xd: {  	_ =	strace $0x80000047;
	[dreg:$0x5] =	wrdreg s0;
	s31 =	sadd.s32 $0x34200, s1  }
0xe: {  	v1 =	vor.u32 $0x1, v0;
	v2 =	vor.u32 $0x20, v0;
	s10 =	simm.s32 $0x10;
	s1 =	sadd.s32 $0x2A400, s1;
	[dreg:$0x3] =	wrdreg s31  }
0xf: {  	v3 =	vor.u32 $0x21, v0;
	v4 =	vor.u32 $0x40, v0;
	v5 =	vor.u32 $0x41, v0;
	s9 =	sadd.s32 $0x43000, s9;
	s0 =	simm.s32 $0xB;
	[dreg:$0x4] =	wrdreg s1  }
.LBB2_22:
0x10: {  	s1 =	simm.s32 $0xE  }
0x11: {  	_ =	swait.ge [sflag:s1], $0x1400  }
0x12: {  	[sflag:s1] =	ssyncset.done $0x0  }
0x13: {  	s20 =	simm.s32 $0x12;
	[sflag:s1] =	ssyncadd.s32 $0xFFFFEC00  }
0x14: {  	_ =	swait.ge [sflag:s20], $0x28  }
0x15: {  	[sflag:s20] =	ssyncset.done $0x0  }
0x16: {  	s23 =	simm.s32 $0x16;
	[sflag:s20] =	ssyncadd.s32 $0xFFFFFFD8  }
0x17: {  	_ =	swait.ge [sflag:s23], $0x28  }
0x18: {  	[sflag:s23] =	ssyncset.done $0x0  }
0x19: {  	s24 =	simm.s32 $0xF;
	[sflag:s23] =	ssyncadd.s32 $0xFFFFFFD8  }
0x1a: {  	_ =	swait.ge [sflag:s24], $0x1400  }
0x1b: {  	[sflag:s24] =	ssyncset.done $0x0  }
0x1c: {  	s25 =	simm.s32 $0x13;
	[sflag:s24] =	ssyncadd.s32 $0xFFFFEC00  }
0x1d: {  	_ =	swait.ge [sflag:s25], $0x28  }
0x1e: {  	[sflag:s25] =	ssyncset.done $0x0  }
0x1f: {  	s26 =	simm.s32 $0x17;
	[sflag:s25] =	ssyncadd.s32 $0xFFFFFFD8  }
0x20: {  	_ =	swait.ge [sflag:s26], $0x28  }
0x21: {  	[sflag:s26] =	ssyncset.done $0x0  }
0x22: {  	[sflag:s26] =	ssyncadd.s32 $0xFFFFFFD8  }
0x23: {  	_ =	swait.ge [sflag:s10], $0x1400  }
0x24: {  	[sflag:s10] =	ssyncset.done $0x0  }
0x25: {  	[sflag:s10] =	ssyncadd.s32 $0xFFFFEC00  }
0x26: {  	_ =	swait.ge [sflag:s11], $0x28  }
0x27: {  	[sflag:s11] =	ssyncset.done $0x0  }
0x28: {  	[sflag:s11] =	ssyncadd.s32 $0xFFFFFFD8  }
0x29: {  	_ =	swait.ge [sflag:s12], $0x28  }
0x2a: {  	[sflag:s12] =	ssyncset.done $0x0  }
0x2b: {  	s28 =	simm.s32 $0xD;
	[sflag:s12] =	ssyncadd.s32 $0xFFFFFFD8  }
0x2c: {  	_ =	swait.ge [sflag:s28], $0x1400  }
0x2d: {  	[sflag:s28] =	ssyncset.done $0x0  }
0x2e: {  	s30 =	simm.s32 $0x11;
	[sflag:s28] =	ssyncadd.s32 $0xFFFFEC00  }
0x2f: {  	_ =	swait.ge [sflag:s30], $0x28  }
0x30: {  	[sflag:s30] =	ssyncset.done $0x0  }
0x31: {  	s16 =	simm.s32 $0x15;
	[sflag:s30] =	ssyncadd.s32 $0xFFFFFFD8  }
0x32: {  	_ =	swait.ge [sflag:s16], $0x28  }
0x33: {  	s20 =	rddreg [dreg:$0x6]  }
0x34: {  	s31 =	rddreg [dreg:$0x5];
	s20 =	sadd.s32 $0x1, s20  }
0x35: {  	p0 =	sne.s32 s20, s31  }
.Ltmp1:
0x36: {  	_ = 	snop;
	(pc) =	sbr.rel @!p0 .LBB2_23-.Ltmp1, $3  }
0x37: {  	_ =	sdelay $0x1  }
0x38: {  	[sflag:s16] =	ssyncset.done $0x0  }
0x39: {  	[sflag:s16] =	ssyncadd.s32 $0xFFFFFFD8  }
.LBB2_1:
0x3a: {  	[dreg:$0x6] =	wrdreg s20  }
0x3b: {  	s1 =	rddreg [dreg:$0x3];
	s16 =	simm.s32 $0x19  }
0x3c: {  	[tilespmem:s4], [sflag:$0x19] =	stream.linear.gather [hbm4b:s1+s4], $0x2710, $0x38;
	[tilespmem:$0xF120] =	vst v63  }
0x3d: {  	_ =	swait.ge [sflag:s16], $0x2710  }
0x3e: {  	[sflag:s16] =	ssyncset.done $0x0  }
0x3f: {  	s26 =	simm.s32 $0x2710;
	s25 =	rddreg [dreg:$0x4];
	[sflag:s16] =	ssyncadd.s32 $0xFFFFD8F0  }
0x40: {  	[tilespmem:s26], [sflag:$0x19] =	stream.linear.gather [hbm4b:s25+s4], $0x2710, $0x38;
	[tilespmem:$0xF120] =	vst v63  }
0x41: {  	_ =	swait.ge [sflag:s16], $0x2710  }
0x42: {  	[sflag:s16] =	ssyncset.done $0x0  }
0x43: {  	s28 =	simm.s32 $0x4E20;
	[sflag:s16] =	ssyncadd.s32 $0xFFFFD8F0  }
0x44: {  	[tilespmem:s28], [sflag:$0x1] =	stream.indirect.gather [hbm4b:s5+s15], $0x40, s4, s15, $0xb8;
	[tilespmem:$0xF120] =	vst v63  }
0x45: {  	_ = 	snop  }
0x46: {  	[tilespmem:s17], [sflag:$0x9] =	stream.indirect.gather [hbm4b:s2+s15], $0x1, s4, s15, $0xb8;
	[tilespmem:$0xF120] =	vst v63  }
0x47: {  	s30 =	simm.s32 $0x6220  }
0x48: {  	[tilespmem:s30], [sflag:$0x2] =	stream.indirect.gather [hbm4b:s5+s15], $0x40, s15, s15, $0xb8;
	[tilespmem:$0xF120] =	vst v63  }
0x49: {  	_ = 	snop  }
0x4a: {  	[tilespmem:s19], [sflag:$0xA] =	stream.indirect.gather [hbm4b:s2+s15], $0x1, s15, s15, $0xb8;
	[tilespmem:$0xF120] =	vst v63  }
.Ltmp2:
0x4b: {  	s31 =	simm.s32 $0x1;
	(pc) =	sbr.rel .LBB2_2-.Ltmp2, $4  }
0x4c: {  	_ =	swait.ge [sflag:s31], $0x1400  }
0x4d: {  	[sflag:s31] =	ssyncset.done $0x0  }
0x4e: {  	s20 =	simm.s32 $0x0;
	[sflag:s31] =	ssyncadd.s32 $0xFFFFEC00  }
0x4f: {  	[tilespmem:s28], [sflag:$0x5] =	stream.indirect.gather.add.f32 [hbm:s6], $0x40, s26, s15, $0xb8;
	[tilespmem:$0xF120] =	vst v63  }
.LBB2_21:
0x50: {  	s1 =	simm.s32 @!p0 $0x1  }
0x51: {  	_ =	swait.ge @!p0 [sflag:s1], $0x1400  }
0x52: {  	p1 =	sgt.u32 @!p0 s20, $0x1D;
	[sflag:s1] =	ssyncset.done @!p0 $0x0  }
0x53: {  	p1 =	por p1, p0;
	[sflag:s1] =	ssyncadd.s32 @!p0 $0xFFFFEC00;
	s1 =	sadd.s32 @!p0 $0x2710, s23  }
0x54: {  	[tilespmem:s28], [sflag:$0x5] =	stream.indirect.gather.add.f32 @!p0 [hbm:s6], $0x40, s1, s25, $0xb8;
	[tilespmem:$0xF120] =	vst v63  }
0x55: {  	s1 =	simm.s32 @!p1 $0xE  }
0x56: {  	_ =	swait.ge @!p1 [sflag:s1], $0x1400  }
0x57: {  	[sflag:s1] =	ssyncset.done @!p1 $0x0  }
0x58: {  	[sflag:s1] =	ssyncadd.s32 @!p1 $0xFFFFEC00;
	s1 =	simm.s32 @!p1 $0x12  }
0x59: {  	_ =	swait.ge @!p1 [sflag:s1], $0x28  }
0x5a: {  	[sflag:s1] =	ssyncset.done @!p1 $0x0  }
0x5b: {  	[sflag:s1] =	ssyncadd.s32 @!p1 $0xFFFFFFD8;
	s1 =	simm.s32 @!p1 $0x16  }
0x5c: {  	s16 =	smul.u32 @!p1 $0x500, s20;
	_ =	swait.ge @!p1 [sflag:s1], $0x28  }
0x5d: {  	[sflag:s1] =	ssyncset.done @!p1 $0x0  }
0x5e: {  	[sflag:s1] =	ssyncadd.s32 @!p1 $0xFFFFFFD8;
	s1 =	sshra.s32 @!p1 s16, $0x2  }
0x5f: {  	s23 =	simm.s32 @!p1 $0x6220;
	s16 =	simm.s32 @!p1 $0x50;
	s1 =	sadd.s32 @!p1 $0x190, s1  }
0x60: {  	[tilespmem:s23], [sflag:$0x2] =	stream.indirect.gather @!p1 [hbm4b:s5+s16], $0x40, s1, s16, $0xb8;
	[tilespmem:$0xF120] =	vst v63  }
0x61: {  	s20 =	sadd.s32 @!p0 $0x1, s20;
	s23 =	simm.s32 @!p1 $0xEE80  }
0x62: {  	[tilespmem:s23], [sflag:$0xA] =	stream.indirect.gather @!p1 [hbm4b:s2+s16], $0x1, s1, s16, $0xb8;
	[tilespmem:$0xF120] =	vst v63  }
0x63: {  	p1 =	sne.s32 @!p0 s20, $0x20  }
0x64: {  	p0 =	por p0, !p1  }
.Ltmp3:
0x65: {  	_ = 	snop;
	(pc) =	sbr.rel @p0 .LBB2_22-.Ltmp3, $1  }
0x66: {  	_ =	sdelay $0x3  }
.LBB2_2:
0x67: {  	_ =	swait.ge [sflag:s21], $0x1400  }
0x68: {  	[sflag:s21] =	ssyncset.done $0x0  }
0x69: {  	[sflag:s21] =	ssyncadd.s32 $0xFFFFEC00  }
0x6a: {  	_ =	swait.ge [sflag:s22], $0x50  }
0x6b: {  	[sflag:s22] =	ssyncset.done $0x0  }
0x6c: {  	[sflag:s22] =	ssyncadd.s32 $0xFFFFFFB0  }
0x6d: {  	v6 =	vld.idx.msk [tilespmem:v0+s17+$0x0], $0xffff;
	_ =	sdelay $0x4  }
0x6e: {  	[tilespmem:$0xEFA0] =	vst v6  }
0x6f: {  	v6 =	vld.idx.msk [tilespmem:v1+s17+$0x0], $0xffff;
	_ =	sdelay $0x4  }
0x70: {  	[tilespmem:$0xF060] =	vst v6  }
0x71: {  	v6 =	vld.idx.msk [tilespmem:v2+s17+$0x0], $0xffff;
	_ =	sdelay $0x4  }
0x72: {  	[tilespmem:$0xEFB0] =	vst v6  }
0x73: {  	v6 =	vld.idx.msk [tilespmem:v3+s17+$0x0], $0xffff;
	_ =	sdelay $0x4  }
0x74: {  	[tilespmem:$0xF070] =	vst v6  }
0x75: {  	v6 =	vld.idx.msk [tilespmem:v4+s17+$0x0], $0xffff;
	_ =	sdelay $0x4  }
0x76: {  	[tilespmem:$0xEFC0] =	vst v6  }
0x77: {  	v6 =	vld.idx.msk [tilespmem:v5+s17+$0x0], $0xffff;
	_ =	sdelay $0x4  }
0x78: {  	s1 =	simm.s32 $0x4F20;
	[tilespmem:$0xF080] =	vst v6  }
0x79: {  	v6 =	vld [tilespmem:s1+$0x80]  }
0x7a: {  	v8 =	vld [tilespmem:s1+$0x0]  }
0x7b: {  	v7 =	vld [tilespmem:s1+$0xFFFFFF80]  }
0x7c: {  	v9 =	vld [tilespmem:s1+$0xFFFFFF00]  }
0x7d: {  	s23 =	simm.s32 $0x9F20  }
0x7e: {  	[tilespmem:s23+$0x80] =	vst v6  }
0x7f: {  	[tilespmem:s23+$0x0] =	vst v8;
	v6 =	vld [tilespmem:s1+$0x90]  }
0x80: {  	[tilespmem:s23+$0xFFFFFF80] =	vst v7;
	v8 =	vld [tilespmem:s1+$0x10]  }
0x81: {  	[tilespmem:s23+$0xFFFFFF00] =	vst v9;
	v7 =	vld [tilespmem:s1+$0xFFFFFF90]  }
0x82: {  	v9 =	vld [tilespmem:s1+$0xFFFFFF10];
	_ =	sdelay $0x1  }
0x83: {  	[tilespmem:s23+$0x90] =	vst v6  }
0x84: {  	[tilespmem:s23+$0x10] =	vst v8;
	v6 =	vld [tilespmem:s1+$0xA0]  }
0x85: {  	[tilespmem:s23+$0xFFFFFF90] =	vst v7;
	v8 =	vld [tilespmem:s1+$0x20]  }
0x86: {  	[tilespmem:s23+$0xFFFFFF10] =	vst v9;
	v7 =	vld [tilespmem:s1+$0xFFFFFFA0]  }
0x87: {  	v9 =	vld [tilespmem:s1+$0xFFFFFF20];
	_ =	sdelay $0x1  }
0x88: {  	[tilespmem:s23+$0xA0] =	vst v6  }
0x89: {  	[tilespmem:s23+$0x20] =	vst v8;
	v6 =	vld [tilespmem:s1+$0xB0]  }
0x8a: {  	[tilespmem:s23+$0xFFFFFFA0] =	vst v7;
	v8 =	vld [tilespmem:s1+$0x30]  }
0x8b: {  	[tilespmem:s23+$0xFFFFFF20] =	vst v9;
	v7 =	vld [tilespmem:s1+$0xFFFFFFB0]  }
0x8c: {  	v9 =	vld [tilespmem:s1+$0xFFFFFF30];
	_ =	sdelay $0x1  }
0x8d: {  	[tilespmem:s23+$0xB0] =	vst v6  }
0x8e: {  	[tilespmem:s23+$0x30] =	vst v8;
	v6 =	vld [tilespmem:s1+$0xC0]  }
0x8f: {  	[tilespmem:s23+$0xFFFFFFB0] =	vst v7;
	v8 =	vld [tilespmem:s1+$0x40]  }
0x90: {  	[tilespmem:s23+$0xFFFFFF30] =	vst v9;
	v7 =	vld [tilespmem:s1+$0xFFFFFFC0]  }
0x91: {  	v9 =	vld [tilespmem:s1+$0xFFFFFF40]  }
0x92: {  	s24 =	simm.s32 $0x5120  }
0x93: {  	v10 =	vld [tilespmem:s24+$0x80];
	[tilespmem:s23+$0xC0] =	vst v6  }
0x94: {  	[tilespmem:s23+$0x40] =	vst v8;
	v8 =	vld [tilespmem:s24+$0xFFFFFF80]  }
0x95: {  	[tilespmem:s23+$0xFFFFFFC0] =	vst v7;
	v6 =	vld [tilespmem:s1+$0xD0]  }
0x96: {  	[tilespmem:s23+$0xFFFFFF40] =	vst v9;
	v9 =	vld [tilespmem:s24+$0x0]  }
0x97: {  	s25 =	simm.s32 $0xA120;
	v7 =	vld [tilespmem:s1+$0xFFFFFFD0]  }
0x98: {  	v11 =	vld [tilespmem:s24+$0xFFFFFF00];
	[tilespmem:s25+$0x80] =	vst v10  }
0x99: {  	[tilespmem:s25+$0xFFFFFF80] =	vst v8;
	v8 =	vld [tilespmem:s24+$0x90]  }
0x9a: {  	[tilespmem:s23+$0xD0] =	vst v6;
	v10 =	vld [tilespmem:s24+$0xFFFFFF90]  }
0x9b: {  	[tilespmem:s25+$0x0] =	vst v9;
	v6 =	vld [tilespmem:s1+$0xE0]  }
0x9c: {  	[tilespmem:s23+$0xFFFFFFD0] =	vst v7;
	v7 =	vld [tilespmem:s1+$0xFFFFFF50]  }
0x9d: {  	[tilespmem:s25+$0xFFFFFF00] =	vst v11;
	v9 =	vld [tilespmem:s24+$0x10]  }
0x9e: {  	v11 =	vld [tilespmem:s24+$0xFFFFFF10];
	[tilespmem:s25+$0x90] =	vst v8  }
0x9f: {  	[tilespmem:s25+$0xFFFFFF90] =	vst v10;
	v8 =	vld [tilespmem:s24+$0xA0]  }
0xa0: {  	[tilespmem:s23+$0xE0] =	vst v6;
	v10 =	vld [tilespmem:s24+$0xFFFFFFA0]  }
0xa1: {  	[tilespmem:s23+$0xFFFFFF50] =	vst v7;
	v6 =	vld [tilespmem:s1+$0xF0]  }
0xa2: {  	v7 =	vld [tilespmem:s1+$0x50];
	[tilespmem:s25+$0x10] =	vst v9  }
0xa3: {  	[tilespmem:s25+$0xFFFFFF10] =	vst v11;
	v9 =	vld [tilespmem:s24+$0x20]  }
0xa4: {  	v11 =	vld [tilespmem:s24+$0xFFFFFF20];
	[tilespmem:s25+$0xA0] =	vst v8  }
0xa5: {  	[tilespmem:s25+$0xFFFFFFA0] =	vst v10;
	v8 =	vld [tilespmem:s24+$0xB0]  }
0xa6: {  	[tilespmem:s23+$0xF0] =	vst v6;
	v6 =	vld [tilespmem:s1+$0xFFFFFF60]  }
0xa7: {  	[tilespmem:s23+$0x50] =	vst v7;
	v10 =	vld [tilespmem:s24+$0xFFFFFFB0]  }
0xa8: {  	v7 =	vld [tilespmem:s1+$0xFFFFFFE0];
	[tilespmem:s25+$0x20] =	vst v9  }
0xa9: {  	[tilespmem:s25+$0xFFFFFF20] =	vst v11;
	v9 =	vld [tilespmem:s24+$0x30]  }
0xaa: {  	v11 =	vld [tilespmem:s24+$0xFFFFFF30];
	[tilespmem:s25+$0xB0] =	vst v8  }
0xab: {  	[tilespmem:s23+$0xFFFFFF60] =	vst v6;
	v6 =	vld [tilespmem:s1+$0x60]  }
0xac: {  	[tilespmem:s25+$0xFFFFFFB0] =	vst v10;
	v10 =	vld [tilespmem:s24+$0xC0]  }
0xad: {  	[tilespmem:s23+$0xFFFFFFE0] =	vst v7;
	v7 =	vld [tilespmem:s1+$0xFFFFFF70]  }
0xae: {  	[tilespmem:s25+$0x30] =	vst v9;
	v12 =	vld [tilespmem:s24+$0xFFFFFFC0]  }
0xaf: {  	[tilespmem:s25+$0xFFFFFF30] =	vst v11;
	v11 =	vld [tilespmem:s24+$0x40]  }
0xb0: {  	v8 =	vld [tilespmem:s24+$0xFFFFFF40];
	[tilespmem:s23+$0x60] =	vst v6  }
0xb1: {  	v6 =	vld [tilespmem:s1+$0xFFFFFFF0];
	[tilespmem:s25+$0xC0] =	vst v10  }
0xb2: {  	[tilespmem:s23+$0xFFFFFF70] =	vst v7;
	v7 =	vld [tilespmem:s1+$0x70]  }
0xb3: {  	[tilespmem:s25+$0xFFFFFFC0] =	vst v12;
	v10 =	vld [tilespmem:s24+$0xD0]  }
0xb4: {  	s26 =	simm.s32 $0x4;
	s16 =	simm.s32 $0x5320;
	[tilespmem:s25+$0x40] =	vst v11;
	v9 =	vld [tilespmem:s24+$0xFFFFFFD0]  }
.LBB2_3:
0xb5: {  	v11 =	vld [tilespmem:s16+$0x80];
	s26 =	sadd.s32 $0x4, s26;
	[tilespmem:s25+$0xFFFFFF40] =	vst v8  }
0xb6: {  	v8 =	vld [tilespmem:s16+$0xFFFFFF80];
	p0 =	slt.u32 s26, $0x24;
	[tilespmem:s23+$0xFFFFFFF0] =	vst v6  }
0xb7: {  	v6 =	vld [tilespmem:s16+$0x0];
	[tilespmem:s23+$0x70] =	vst v7;
	s23 =	smov.u32 s25  }
0xb8: {  	v7 =	vld [tilespmem:s16+$0xFFFFFF00];
	[tilespmem:s25+$0xD0] =	vst v10  }
0xb9: {  	s25 =	sadd.s32 $0x200, s25;
	[tilespmem:s23+$0xFFFFFFD0] =	vst v9;
	v9 =	vld [tilespmem:s24+$0xE0]  }
0xba: {  	[tilespmem:s25+$0x80] =	vst v11;
	v10 =	vld [tilespmem:s24+$0xFFFFFF50]  }
0xbb: {  	[tilespmem:s25+$0xFFFFFF80] =	vst v8;
	v8 =	vld [tilespmem:s16+$0x90]  }
0xbc: {  	v11 =	vld [tilespmem:s16+$0xFFFFFF90];
	[tilespmem:s25+$0x0] =	vst v6  }
0xbd: {  	[tilespmem:s25+$0xFFFFFF00] =	vst v7;
	v6 =	vld [tilespmem:s16+$0x10]  }
0xbe: {  	v7 =	vld [tilespmem:s16+$0xFFFFFF10];
	[tilespmem:s23+$0xE0] =	vst v9  }
0xbf: {  	[tilespmem:s23+$0xFFFFFF50] =	vst v10;
	v9 =	vld [tilespmem:s24+$0xF0]  }
0xc0: {  	[tilespmem:s25+$0x90] =	vst v8;
	v8 =	vld [tilespmem:s24+$0x50]  }
0xc1: {  	[tilespmem:s25+$0xFFFFFF90] =	vst v11;
	v10 =	vld [tilespmem:s16+$0xA0]  }
0xc2: {  	v11 =	vld [tilespmem:s16+$0xFFFFFFA0];
	[tilespmem:s25+$0x10] =	vst v6  }
0xc3: {  	[tilespmem:s25+$0xFFFFFF10] =	vst v7;
	v6 =	vld [tilespmem:s16+$0x20]  }
0xc4: {  	v7 =	vld [tilespmem:s16+$0xFFFFFF20];
	[tilespmem:s23+$0xF0] =	vst v9  }
0xc5: {  	v9 =	vld [tilespmem:s24+$0xFFFFFF60];
	[tilespmem:s23+$0x50] =	vst v8  }
0xc6: {  	[tilespmem:s25+$0xA0] =	vst v10;
	v8 =	vld [tilespmem:s24+$0xFFFFFFE0]  }
0xc7: {  	[tilespmem:s25+$0xFFFFFFA0] =	vst v11;
	v10 =	vld [tilespmem:s16+$0xB0]  }
0xc8: {  	v11 =	vld [tilespmem:s16+$0xFFFFFFB0];
	[tilespmem:s25+$0x20] =	vst v6  }
0xc9: {  	[tilespmem:s25+$0xFFFFFF20] =	vst v7;
	v6 =	vld [tilespmem:s16+$0x30]  }
0xca: {  	v7 =	vld [tilespmem:s16+$0xFFFFFF30];
	[tilespmem:s23+$0xFFFFFF60] =	vst v9  }
0xcb: {  	[tilespmem:s23+$0xFFFFFFE0] =	vst v8;
	v9 =	vld [tilespmem:s24+$0x60]  }
0xcc: {  	[tilespmem:s25+$0xB0] =	vst v10;
	v10 =	vld [tilespmem:s24+$0xFFFFFF70]  }
0xcd: {  	[tilespmem:s25+$0xFFFFFFB0] =	vst v11;
	v11 =	vld [tilespmem:s16+$0xC0]  }
0xce: {  	v12 =	vld [tilespmem:s16+$0xFFFFFFC0];
	[tilespmem:s25+$0x30] =	vst v6  }
0xcf: {  	[tilespmem:s25+$0xFFFFFF30] =	vst v7;
	v13 =	vld [tilespmem:s16+$0x40]  }
.Ltmp4:
0xd0: {  	v8 =	vld [tilespmem:s16+$0xFFFFFF40];
	[tilespmem:s23+$0x60] =	vst v9;
	(pc) =	sbr.rel @p0 .LBB2_3-.Ltmp4, $4  }
0xd1: {  	[tilespmem:s23+$0xFFFFFF70] =	vst v10;
	v6 =	vld [tilespmem:s24+$0xFFFFFFF0]  }
0xd2: {  	[tilespmem:s25+$0xC0] =	vst v11;
	v7 =	vld [tilespmem:s24+$0x70];
	s24 =	smov.u32 s16  }
0xd3: {  	[tilespmem:s25+$0xFFFFFFC0] =	vst v12;
	v10 =	vld [tilespmem:s16+$0xD0]  }
0xd4: {  	s16 =	sadd.s32 $0x200, s16;
	v9 =	vld [tilespmem:s24+$0xFFFFFFD0];
	[tilespmem:s25+$0x40] =	vst v13  }
0xd5: {  	[tilespmem:s25+$0xFFFFFF40] =	vst v8;
	v11 =	vld [tilespmem:s24+$0x50]  }
0xd6: {  	v8 =	vld [tilespmem:s24+$0xFFFFFF50];
	_ =	sdelay $0x1  }
0xd7: {  	[tilespmem:s25+$0xD0] =	vst v10  }
0xd8: {  	v10 =	vld [tilespmem:s24+$0xE0];
	[tilespmem:s25+$0xFFFFFFD0] =	vst v9  }
0xd9: {  	[tilespmem:s25+$0x50] =	vst v11;
	v9 =	vld [tilespmem:s24+$0xFFFFFFE0]  }
0xda: {  	[tilespmem:s25+$0xFFFFFF50] =	vst v8;
	v11 =	vld [tilespmem:s24+$0x60]  }
0xdb: {  	v8 =	vld [tilespmem:s24+$0xFFFFFF60]  }
0xdc: {  	[tilespmem:s23+$0xFFFFFFF0] =	vst v6  }
0xdd: {  	[tilespmem:s25+$0xE0] =	vst v10  }
0xde: {  	v61 =	vld [tilespmem:s24+$0xF0];
	[tilespmem:s25+$0xFFFFFFE0] =	vst v9  }
0xdf: {  	[tilespmem:s25+$0x60] =	vst v11;
	v63 =	vld [tilespmem:s24+$0xFFFFFFF0]  }
0xe0: {  	[tilespmem:s25+$0xFFFFFF60] =	vst v8;
	v6 =	vld [tilespmem:s24+$0x70]  }
0xe1: {  	v62 =	vld [tilespmem:s24+$0xFFFFFF70]  }
0xe2: {  	s1 =	smul.u32 $0x140, s20;
	[tilespmem:s23+$0x70] =	vst v7  }
0xe3: {  	[tilespmem:s25+$0xF0] =	vst v61  }
0xe4: {  	s1 =	sadd.s32 s3, s1;
	s23 =	sshll.u32 s20, $0x2;
	[tilespmem:s25+$0xFFFFFFF0] =	vst v63  }
0xe5: {  	s16 =	sshll.u32 s1, $0x3;
	s28 =	sor.u32 $0x1, s23;
	[tilespmem:s25+$0x70] =	vst v6  }
0xe6: {  	s16 =	sadd.s32 s7, s16;
	p0 =	slt.u32 s28, $0x7D;
	[tilespmem:s25+$0xFFFFFF70] =	vst v62;
	s25 =	simm.s32 $0x9E20  }
0xe7: {  	[hbm4b:s16+s4] =	stream.linear.scatter [tilespmem:s25], [sflag:$0xD], $0x1400, $0x38;
	[tilespmem:$0xF120] =	vst v63  }
.Ltmp5:
0xe8: {  	s1 =	sshrl.u32 s1, $0x4;
	(pc) =	sbr.rel @!p0 .LBB2_5-.Ltmp5, $4  }
0xe9: {  	s30 =	simm.s32 $0xEFA0;
	s26 =	sadd.s32 s8, s1  }
0xea: {  	[hbm4b:s26+s4] =	stream.linear.scatter [tilespmem:s30], [sflag:$0x11], $0x28, $0x38;
	[tilespmem:$0xF120] =	vst v63  }
0xeb: {  	s31 =	simm.s32 $0xF060;
	s1 =	sadd.s32 s9, s1  }
0xec: {  	[hbm4b:s1+s4] =	stream.linear.scatter [tilespmem:s31], [sflag:$0x15], $0x28, $0x38;
	[tilespmem:$0xF120] =	vst v63  }
0xed: {  	s1 =	smul.u32 $0x140, s28;
	s16 =	simm.s32 $0x2  }
0xee: {  	_ =	swait.ge [sflag:s16], $0x1400  }
0xef: {  	s26 =	simm.s32 $0x6220;
	[sflag:s16] =	ssyncset.done $0x0;
	s1 =	sshra.s32 s1, $0x2  }
0xf0: {  	[sflag:s16] =	ssyncadd.s32 $0xFFFFEC00;
	s1 =	sadd.s32 $0x2710, s1;
	s16 =	sadd.s32 $0xFFFFFFFE, s23  }
0xf1: {  	[tilespmem:s26], [sflag:$0x6] =	stream.indirect.gather.add.f32 [hbm:s6], $0x40, s1, s15, $0xb8;
	[tilespmem:$0xF120] =	vst v63  }
0xf2: {  	p0 =	sgt.u32 s16, $0x78  }
0xf3: {  	s1 =	simm.s32 @!p0 $0xF  }
0xf4: {  	_ =	swait.ge @!p0 [sflag:s1], $0x1400  }
0xf5: {  	[sflag:s1] =	ssyncset.done @!p0 $0x0  }
0xf6: {  	[sflag:s1] =	ssyncadd.s32 @!p0 $0xFFFFEC00;
	s1 =	simm.s32 @!p0 $0x13  }
0xf7: {  	_ =	swait.ge @!p0 [sflag:s1], $0x28  }
0xf8: {  	[sflag:s1] =	ssyncset.done @!p0 $0x0  }
0xf9: {  	s25 =	sor.u32 $0x2, s23;
	[sflag:s1] =	ssyncadd.s32 @!p0 $0xFFFFFFD8;
	s1 =	simm.s32 @!p0 $0x17  }
0xfa: {  	s24 =	smul.u32 $0x140, s25;
	_ =	swait.ge @!p0 [sflag:s1], $0x28  }
0xfb: {  	[sflag:s1] =	ssyncset.done @!p0 $0x0  }
0xfc: {  	s24 =	sshra.s32 s24, $0x2;
	s26 =	simm.s32 $0x7620;
	[sflag:s1] =	ssyncadd.s32 @!p0 $0xFFFFFFD8  }
0xfd: {  	[tilespmem:s26], [sflag:$0x3] =	stream.indirect.gather [hbm4b:s5+s15], $0x40, s24, s15, $0xb8;
	[tilespmem:$0xF120] =	vst v63  }
0xfe: {  	s16 =	simm.s32 $0x6  }
0xff: {  	[tilespmem:s29], [sflag:$0xB] =	stream.indirect.gather [hbm4b:s2+s15], $0x1, s24, s15, $0xb8;
	[tilespmem:$0xF120] =	vst v63  }
0x100: {  	_ =	swait.ge [sflag:s16], $0x1400  }
0x101: {  	[sflag:s16] =	ssyncset.done $0x0  }
0x102: {  	s26 =	simm.s32 $0xA;
	[sflag:s16] =	ssyncadd.s32 $0xFFFFEC00  }
0x103: {  	_ =	swait.ge [sflag:s26], $0x50  }
0x104: {  	[sflag:s26] =	ssyncset.done $0x0  }
0x105: {  	[sflag:s26] =	ssyncadd.s32 $0xFFFFFFB0  }
0x106: {  	v6 =	vld.idx.msk [tilespmem:v0+s19+$0x0], $0xffff;
	_ =	sdelay $0x4  }
0x107: {  	[tilespmem:$0xEFD0] =	vst v6  }
0x108: {  	v6 =	vld.idx.msk [tilespmem:v1+s19+$0x0], $0xffff;
	_ =	sdelay $0x4  }
0x109: {  	[tilespmem:$0xF090] =	vst v6  }
0x10a: {  	v6 =	vld.idx.msk [tilespmem:v2+s19+$0x0], $0xffff;
	_ =	sdelay $0x4  }
0x10b: {  	[tilespmem:$0xEFE0] =	vst v6  }
0x10c: {  	v6 =	vld.idx.msk [tilespmem:v3+s19+$0x0], $0xffff;
	_ =	sdelay $0x4  }
0x10d: {  	[tilespmem:$0xF0A0] =	vst v6  }
0x10e: {  	v6 =	vld.idx.msk [tilespmem:v4+s19+$0x0], $0xffff;
	_ =	sdelay $0x4  }
0x10f: {  	[tilespmem:$0xEFF0] =	vst v6  }
0x110: {  	v6 =	vld.idx.msk [tilespmem:v5+s19+$0x0], $0xffff;
	_ =	sdelay $0x4  }
0x111: {  	s16 =	simm.s32 $0x6320;
	[tilespmem:$0xF0B0] =	vst v6  }
0x112: {  	v6 =	vld [tilespmem:s16+$0x80]  }
0x113: {  	v8 =	vld [tilespmem:s16+$0x0]  }
0x114: {  	v7 =	vld [tilespmem:s16+$0xFFFFFF80];
	_ =	sdelay $0x1  }
0x115: {  	s26 =	simm.s32 $0xB320  }
0x116: {  	v9 =	vld [tilespmem:s16+$0xFFFFFF00];
	[tilespmem:s26+$0x80] =	vst v6  }
0x117: {  	[tilespmem:s26+$0x0] =	vst v8;
	v6 =	vld [tilespmem:s16+$0x90]  }
0x118: {  	[tilespmem:s26+$0xFFFFFF80] =	vst v7;
	v8 =	vld [tilespmem:s16+$0x10]  }
0x119: {  	v7 =	vld [tilespmem:s16+$0xFFFFFF90];
	_ =	sdelay $0x1  }
0x11a: {  	[tilespmem:s26+$0xFFFFFF00] =	vst v9  }
0x11b: {  	v9 =	vld [tilespmem:s16+$0xFFFFFF10];
	[tilespmem:s26+$0x90] =	vst v6  }
0x11c: {  	[tilespmem:s26+$0x10] =	vst v8;
	v6 =	vld [tilespmem:s16+$0xA0]  }
0x11d: {  	[tilespmem:s26+$0xFFFFFF90] =	vst v7;
	v8 =	vld [tilespmem:s16+$0x20]  }
0x11e: {  	v7 =	vld [tilespmem:s16+$0xFFFFFFA0];
	_ =	sdelay $0x1  }
0x11f: {  	[tilespmem:s26+$0xFFFFFF10] =	vst v9  }
0x120: {  	v9 =	vld [tilespmem:s16+$0xFFFFFF20];
	[tilespmem:s26+$0xA0] =	vst v6  }
0x121: {  	[tilespmem:s26+$0x20] =	vst v8;
	v6 =	vld [tilespmem:s16+$0xB0]  }
0x122: {  	[tilespmem:s26+$0xFFFFFFA0] =	vst v7;
	v8 =	vld [tilespmem:s16+$0x30]  }
0x123: {  	v7 =	vld [tilespmem:s16+$0xFFFFFFB0];
	_ =	sdelay $0x1  }
0x124: {  	[tilespmem:s26+$0xFFFFFF20] =	vst v9  }
0x125: {  	v9 =	vld [tilespmem:s16+$0xFFFFFF30];
	[tilespmem:s26+$0xB0] =	vst v6  }
0x126: {  	[tilespmem:s26+$0x30] =	vst v8;
	v6 =	vld [tilespmem:s16+$0xC0]  }
0x127: {  	[tilespmem:s26+$0xFFFFFFB0] =	vst v7;
	v8 =	vld [tilespmem:s16+$0x40]  }
0x128: {  	v7 =	vld [tilespmem:s16+$0xFFFFFFC0]  }
0x129: {  	s30 =	simm.s32 $0x6520  }
0x12a: {  	v10 =	vld [tilespmem:s30+$0x80];
	[tilespmem:s26+$0xFFFFFF30] =	vst v9  }
0x12b: {  	v9 =	vld [tilespmem:s16+$0xFFFFFF40];
	[tilespmem:s26+$0xC0] =	vst v6  }
0x12c: {  	[tilespmem:s26+$0x40] =	vst v8;
	v8 =	vld [tilespmem:s30+$0xFFFFFF80]  }
0x12d: {  	[tilespmem:s26+$0xFFFFFFC0] =	vst v7;
	v6 =	vld [tilespmem:s16+$0xD0]  }
0x12e: {  	s31 =	simm.s32 $0xB520;
	v7 =	vld [tilespmem:s16+$0xFFFFFFD0]  }
0x12f: {  	[tilespmem:s31+$0x80] =	vst v10  }
0x130: {  	[tilespmem:s26+$0xFFFFFF40] =	vst v9;
	v9 =	vld [tilespmem:s30+$0x0]  }
0x131: {  	v11 =	vld [tilespmem:s30+$0xFFFFFF00];
	[tilespmem:s31+$0xFFFFFF80] =	vst v8  }
0x132: {  	v8 =	vld [tilespmem:s30+$0x90];
	[tilespmem:s26+$0xD0] =	vst v6  }
0x133: {  	[tilespmem:s26+$0xFFFFFFD0] =	vst v7;
	v7 =	vld [tilespmem:s16+$0xFFFFFF50]  }
0x134: {  	v6 =	vld [tilespmem:s16+$0xE0]  }
0x135: {  	[tilespmem:s31+$0x0] =	vst v9;
	v10 =	vld [tilespmem:s30+$0xFFFFFF90]  }
0x136: {  	[tilespmem:s31+$0xFFFFFF00] =	vst v11;
	v9 =	vld [tilespmem:s30+$0x10]  }
0x137: {  	v11 =	vld [tilespmem:s30+$0xFFFFFF10];
	[tilespmem:s31+$0x90] =	vst v8  }
0x138: {  	[tilespmem:s26+$0xFFFFFF50] =	vst v7;
	v7 =	vld [tilespmem:s16+$0x50]  }
0x139: {  	v8 =	vld [tilespmem:s30+$0xA0];
	[tilespmem:s26+$0xE0] =	vst v6  }
0x13a: {  	[tilespmem:s31+$0xFFFFFF90] =	vst v10;
	v6 =	vld [tilespmem:s16+$0xF0]  }
0x13b: {  	[tilespmem:s31+$0x10] =	vst v9;
	v10 =	vld [tilespmem:s30+$0xFFFFFFA0]  }
0x13c: {  	[tilespmem:s31+$0xFFFFFF10] =	vst v11;
	v9 =	vld [tilespmem:s30+$0x20]  }
0x13d: {  	v11 =	vld [tilespmem:s30+$0xFFFFFF20];
	[tilespmem:s26+$0x50] =	vst v7  }
0x13e: {  	[tilespmem:s31+$0xA0] =	vst v8;
	v7 =	vld [tilespmem:s16+$0xFFFFFFE0]  }
0x13f: {  	[tilespmem:s26+$0xF0] =	vst v6;
	v6 =	vld [tilespmem:s16+$0xFFFFFF60]  }
0x140: {  	[tilespmem:s31+$0xFFFFFFA0] =	vst v10;
	v8 =	vld [tilespmem:s30+$0xB0]  }
0x141: {  	[tilespmem:s31+$0x20] =	vst v9;
	v10 =	vld [tilespmem:s30+$0xFFFFFFB0]  }
0x142: {  	[tilespmem:s31+$0xFFFFFF20] =	vst v11;
	v9 =	vld [tilespmem:s30+$0x30]  }
0x143: {  	v11 =	vld [tilespmem:s30+$0xFFFFFF30];
	[tilespmem:s26+$0xFFFFFFE0] =	vst v7  }
0x144: {  	[tilespmem:s26+$0xFFFFFF60] =	vst v6;
	v6 =	vld [tilespmem:s16+$0x60]  }
0x145: {  	[tilespmem:s31+$0xB0] =	vst v8;
	v7 =	vld [tilespmem:s16+$0xFFFFFF70]  }
0x146: {  	[tilespmem:s31+$0xFFFFFFB0] =	vst v10;
	v10 =	vld [tilespmem:s30+$0xC0]  }
0x147: {  	[tilespmem:s31+$0x30] =	vst v9;
	v12 =	vld [tilespmem:s30+$0xFFFFFFC0]  }
0x148: {  	[tilespmem:s31+$0xFFFFFF30] =	vst v11;
	v11 =	vld [tilespmem:s30+$0x40]  }
0x149: {  	v8 =	vld [tilespmem:s30+$0xFFFFFF40];
	[tilespmem:s26+$0x60] =	vst v6  }
0x14a: {  	[tilespmem:s26+$0xFFFFFF70] =	vst v7;
	v7 =	vld [tilespmem:s16+$0xFFFFFFF0]  }
0x14b: {  	[tilespmem:s31+$0xC0] =	vst v10;
	v6 =	vld [tilespmem:s16+$0x70]  }
0x14c: {  	[tilespmem:s31+$0xFFFFFFC0] =	vst v12;
	v10 =	vld [tilespmem:s30+$0xD0]  }
0x14d: {  	s1 =	simm.s32 $0x6720;
	s16 =	simm.s32 $0x4;
	[tilespmem:s31+$0x40] =	vst v11;
	v9 =	vld [tilespmem:s30+$0xFFFFFFD0]  }
.LBB2_7:
0x14e: {  	v11 =	vld [tilespmem:s1+$0x80];
	s16 =	sadd.s32 $0x4, s16;
	[tilespmem:s31+$0xFFFFFF40] =	vst v8  }
0x14f: {  	v8 =	vld [tilespmem:s1+$0xFFFFFF80];
	p0 =	slt.u32 s16, $0x24;
	[tilespmem:s26+$0xFFFFFFF0] =	vst v7  }
0x150: {  	v7 =	vld [tilespmem:s1+$0x0];
	[tilespmem:s26+$0x70] =	vst v6;
	s26 =	smov.u32 s31  }
0x151: {  	v6 =	vld [tilespmem:s1+$0xFFFFFF00];
	[tilespmem:s31+$0xD0] =	vst v10  }
0x152: {  	s31 =	sadd.s32 $0x200, s31;
	[tilespmem:s26+$0xFFFFFFD0] =	vst v9;
	v9 =	vld [tilespmem:s30+$0xE0]  }
0x153: {  	[tilespmem:s31+$0x80] =	vst v11;
	v10 =	vld [tilespmem:s30+$0xFFFFFF50]  }
0x154: {  	[tilespmem:s31+$0xFFFFFF80] =	vst v8;
	v8 =	vld [tilespmem:s1+$0x90]  }
0x155: {  	v11 =	vld [tilespmem:s1+$0xFFFFFF90];
	[tilespmem:s31+$0x0] =	vst v7  }
0x156: {  	[tilespmem:s31+$0xFFFFFF00] =	vst v6;
	v6 =	vld [tilespmem:s1+$0x10]  }
0x157: {  	v7 =	vld [tilespmem:s1+$0xFFFFFF10];
	[tilespmem:s26+$0xE0] =	vst v9  }
0x158: {  	[tilespmem:s26+$0xFFFFFF50] =	vst v10;
	v9 =	vld [tilespmem:s30+$0xF0]  }
0x159: {  	[tilespmem:s31+$0x90] =	vst v8;
	v8 =	vld [tilespmem:s30+$0x50]  }
0x15a: {  	[tilespmem:s31+$0xFFFFFF90] =	vst v11;
	v10 =	vld [tilespmem:s1+$0xA0]  }
0x15b: {  	v11 =	vld [tilespmem:s1+$0xFFFFFFA0];
	[tilespmem:s31+$0x10] =	vst v6  }
0x15c: {  	[tilespmem:s31+$0xFFFFFF10] =	vst v7;
	v6 =	vld [tilespmem:s1+$0x20]  }
0x15d: {  	v7 =	vld [tilespmem:s1+$0xFFFFFF20];
	[tilespmem:s26+$0xF0] =	vst v9  }
0x15e: {  	v9 =	vld [tilespmem:s30+$0xFFFFFF60];
	[tilespmem:s26+$0x50] =	vst v8  }
0x15f: {  	[tilespmem:s31+$0xA0] =	vst v10;
	v8 =	vld [tilespmem:s30+$0xFFFFFFE0]  }
0x160: {  	[tilespmem:s31+$0xFFFFFFA0] =	vst v11;
	v10 =	vld [tilespmem:s1+$0xB0]  }
0x161: {  	v11 =	vld [tilespmem:s1+$0xFFFFFFB0];
	[tilespmem:s31+$0x20] =	vst v6  }
0x162: {  	[tilespmem:s31+$0xFFFFFF20] =	vst v7;
	v6 =	vld [tilespmem:s1+$0x30]  }
0x163: {  	v7 =	vld [tilespmem:s1+$0xFFFFFF30];
	[tilespmem:s26+$0xFFFFFF60] =	vst v9  }
0x164: {  	[tilespmem:s26+$0xFFFFFFE0] =	vst v8;
	v9 =	vld [tilespmem:s30+$0x60]  }
0x165: {  	[tilespmem:s31+$0xB0] =	vst v10;
	v10 =	vld [tilespmem:s30+$0xFFFFFF70]  }
0x166: {  	[tilespmem:s31+$0xFFFFFFB0] =	vst v11;
	v11 =	vld [tilespmem:s1+$0xC0]  }
0x167: {  	v12 =	vld [tilespmem:s1+$0xFFFFFFC0];
	[tilespmem:s31+$0x30] =	vst v6  }
0x168: {  	[tilespmem:s31+$0xFFFFFF30] =	vst v7;
	v13 =	vld [tilespmem:s1+$0x40]  }
.Ltmp6:
0x169: {  	v8 =	vld [tilespmem:s1+$0xFFFFFF40];
	[tilespmem:s26+$0x60] =	vst v9;
	(pc) =	sbr.rel @p0 .LBB2_7-.Ltmp6, $4  }
0x16a: {  	[tilespmem:s26+$0xFFFFFF70] =	vst v10;
	v7 =	vld [tilespmem:s30+$0xFFFFFFF0]  }
0x16b: {  	[tilespmem:s31+$0xC0] =	vst v11;
	v6 =	vld [tilespmem:s30+$0x70];
	s30 =	smov.u32 s1  }
0x16c: {  	[tilespmem:s31+$0xFFFFFFC0] =	vst v12;
	v10 =	vld [tilespmem:s1+$0xD0]  }
0x16d: {  	s1 =	sadd.s32 $0x200, s1;
	v9 =	vld [tilespmem:s30+$0xFFFFFFD0];
	[tilespmem:s31+$0x40] =	vst v13  }
0x16e: {  	[tilespmem:s31+$0xFFFFFF40] =	vst v8;
	v11 =	vld [tilespmem:s30+$0x50]  }
0x16f: {  	v8 =	vld [tilespmem:s30+$0xFFFFFF50];
	_ =	sdelay $0x1  }
0x170: {  	[tilespmem:s31+$0xD0] =	vst v10  }
0x171: {  	v10 =	vld [tilespmem:s30+$0xE0];
	[tilespmem:s31+$0xFFFFFFD0] =	vst v9  }
0x172: {  	[tilespmem:s31+$0x50] =	vst v11;
	v9 =	vld [tilespmem:s30+$0xFFFFFFE0]  }
0x173: {  	[tilespmem:s31+$0xFFFFFF50] =	vst v8;
	v11 =	vld [tilespmem:s30+$0x60]  }
0x174: {  	v8 =	vld [tilespmem:s30+$0xFFFFFF60]  }
0x175: {  	[tilespmem:s26+$0xFFFFFFF0] =	vst v7  }
0x176: {  	[tilespmem:s31+$0xE0] =	vst v10  }
0x177: {  	v61 =	vld [tilespmem:s30+$0xF0];
	[tilespmem:s31+$0xFFFFFFE0] =	vst v9  }
0x178: {  	[tilespmem:s31+$0x60] =	vst v11;
	v63 =	vld [tilespmem:s30+$0xFFFFFFF0]  }
0x179: {  	[tilespmem:s31+$0xFFFFFF60] =	vst v8;
	v7 =	vld [tilespmem:s30+$0x70]  }
0x17a: {  	s1 =	smul.u32 $0x50, s28;
	v62 =	vld [tilespmem:s30+$0xFFFFFF70]  }
0x17b: {  	[tilespmem:s26+$0x70] =	vst v6  }
0x17c: {  	s1 =	sadd.s32 s3, s1;
	[tilespmem:s31+$0xF0] =	vst v61  }
0x17d: {  	s16 =	sshll.u32 s1, $0x3;
	[tilespmem:s31+$0xFFFFFFF0] =	vst v63  }
0x17e: {  	s16 =	sand.u32 $0x1FFFFF80, s16;
	[tilespmem:s31+$0x70] =	vst v7  }
0x17f: {  	s1 =	sshrl.u32 s1, $0x4;
	s16 =	sadd.s32 s7, s16;
	[tilespmem:s31+$0xFFFFFF70] =	vst v62;
	s31 =	simm.s32 $0xB220  }
0x180: {  	[hbm4b:s16+s4] =	stream.linear.scatter [tilespmem:s31], [sflag:$0xE], $0x1400, $0x38;
	[tilespmem:$0xF120] =	vst v63  }
0x181: {  	s26 =	sadd.s32 s8, s1;
	s30 =	simm.s32 $0xEFD0  }
0x182: {  	[hbm4b:s26+s4] =	stream.linear.scatter [tilespmem:s30], [sflag:$0x12], $0x28, $0x38;
	[tilespmem:$0xF120] =	vst v63  }
0x183: {  	s1 =	sadd.s32 s9, s1;
	s31 =	simm.s32 $0xF090  }
0x184: {  	[hbm4b:s1+s4] =	stream.linear.scatter [tilespmem:s31], [sflag:$0x16], $0x28, $0x38;
	[tilespmem:$0xF120] =	vst v63  }
.Ltmp7:
0x185: {  	s26 =	simm.s32 $0x3;
	(pc) =	sbr.rel .LBB2_9-.Ltmp7, $4  }
0x186: {  	_ =	swait.ge [sflag:s26], $0x1400  }
0x187: {  	[sflag:s26] =	ssyncset.done $0x0  }
0x188: {  	s30 =	sadd.s32 $0x2710, s24;
	s31 =	simm.s32 $0x7620;
	[sflag:s26] =	ssyncadd.s32 $0xFFFFEC00  }
0x189: {  	[tilespmem:s31], [sflag:$0x7] =	stream.indirect.gather.add.f32 [hbm:s6], $0x40, s30, s15, $0xb8;
	[tilespmem:$0xF120] =	vst v63  }
.LBB2_5:
0x18a: {  	s25 =	sor.u32 $0x2, s23  }
.LBB2_9:
0x18b: {  	s24 =	sor.u32 $0x3, s23;
	p0 =	seq.s32 s20, $0x0  }
0x18c: {  	p1 =	sgt.u32 @!p0 s24, $0x7C  }
0x18d: {  	p0 =	por p0, p1  }
.Ltmp8:
0x18e: {  	_ = 	snop;
	(pc) =	sbr.rel @p0 .LBB2_11-.Ltmp8, $1  }
0x18f: {  	_ =	sdelay $0x3  }
0x190: {  	_ =	swait.ge [sflag:s10], $0x1400  }
0x191: {  	[sflag:s10] =	ssyncset.done $0x0  }
0x192: {  	[sflag:s10] =	ssyncadd.s32 $0xFFFFEC00  }
0x193: {  	_ =	swait.ge [sflag:s11], $0x28  }
0x194: {  	[sflag:s11] =	ssyncset.done $0x0  }
0x195: {  	[sflag:s11] =	ssyncadd.s32 $0xFFFFFFD8  }
0x196: {  	_ =	swait.ge [sflag:s12], $0x28  }
0x197: {  	[sflag:s12] =	ssyncset.done $0x0  }
0x198: {  	[sflag:s12] =	ssyncadd.s32 $0xFFFFFFD8  }
.LBB2_12:
0x199: {  	s1 =	smul.u32 $0x140, s24;
	_ =	sdelay $0x1  }
0x19a: {  	s16 =	simm.s32 $0x8A20;
	s1 =	sshra.s32 s1, $0x2  }
0x19b: {  	[tilespmem:s16], [sflag:$0x4] =	stream.indirect.gather [hbm4b:s5+s15], $0x40, s1, s15, $0xb8;
	[tilespmem:$0xF120] =	vst v63  }
0x19c: {  	_ = 	snop  }
0x19d: {  	[tilespmem:s13], [sflag:$0xC] =	stream.indirect.gather [hbm4b:s2+s15], $0x1, s1, s15, $0xb8;
	[tilespmem:$0xF120] =	vst v63  }
.LBB2_13:
0x19e: {  	p0 =	sgt.u32 s28, $0x7C  }
.Ltmp9:
0x19f: {  	_ = 	snop;
	(pc) =	sbr.rel @p0 .LBB2_17-.Ltmp9, $1  }
0x1a0: {  	_ =	sdelay $0x3  }
0x1a1: {  	s1 =	simm.s32 $0x7  }
0x1a2: {  	_ =	swait.ge [sflag:s1], $0x1400  }
0x1a3: {  	[sflag:s1] =	ssyncset.done $0x0  }
0x1a4: {  	[sflag:s1] =	ssyncadd.s32 $0xFFFFEC00  }
0x1a5: {  	_ =	swait.ge [sflag:s0], $0x50  }
0x1a6: {  	[sflag:s0] =	ssyncset.done $0x0  }
0x1a7: {  	[sflag:s0] =	ssyncadd.s32 $0xFFFFFFB0  }
0x1a8: {  	v6 =	vld.idx.msk [tilespmem:v0+s29+$0x0], $0xffff;
	_ =	sdelay $0x4  }
0x1a9: {  	[tilespmem:$0xF000] =	vst v6  }
0x1aa: {  	v6 =	vld.idx.msk [tilespmem:v1+s29+$0x0], $0xffff;
	_ =	sdelay $0x4  }
0x1ab: {  	[tilespmem:$0xF0C0] =	vst v6  }
0x1ac: {  	v6 =	vld.idx.msk [tilespmem:v2+s29+$0x0], $0xffff;
	_ =	sdelay $0x4  }
0x1ad: {  	[tilespmem:$0xF010] =	vst v6  }
0x1ae: {  	v6 =	vld.idx.msk [tilespmem:v3+s29+$0x0], $0xffff;
	_ =	sdelay $0x4  }
0x1af: {  	[tilespmem:$0xF0D0] =	vst v6  }
0x1b0: {  	v6 =	vld.idx.msk [tilespmem:v4+s29+$0x0], $0xffff;
	_ =	sdelay $0x4  }
0x1b1: {  	[tilespmem:$0xF020] =	vst v6  }
0x1b2: {  	v6 =	vld.idx.msk [tilespmem:v5+s29+$0x0], $0xffff;
	_ =	sdelay $0x4  }
0x1b3: {  	s31 =	simm.s32 $0x7720;
	[tilespmem:$0xF0E0] =	vst v6  }
0x1b4: {  	v6 =	vld [tilespmem:s31+$0x80]  }
0x1b5: {  	v8 =	vld [tilespmem:s31+$0x0]  }
0x1b6: {  	v7 =	vld [tilespmem:s31+$0xFFFFFF80];
	_ =	sdelay $0x1  }
0x1b7: {  	s26 =	simm.s32 $0xC720  }
0x1b8: {  	v9 =	vld [tilespmem:s31+$0xFFFFFF00];
	[tilespmem:s26+$0x80] =	vst v6  }
0x1b9: {  	[tilespmem:s26+$0x0] =	vst v8;
	v6 =	vld [tilespmem:s31+$0x90]  }
0x1ba: {  	[tilespmem:s26+$0xFFFFFF80] =	vst v7;
	v8 =	vld [tilespmem:s31+$0x10]  }
0x1bb: {  	v7 =	vld [tilespmem:s31+$0xFFFFFF90];
	_ =	sdelay $0x1  }
0x1bc: {  	[tilespmem:s26+$0xFFFFFF00] =	vst v9  }
0x1bd: {  	v9 =	vld [tilespmem:s31+$0xFFFFFF10];
	[tilespmem:s26+$0x90] =	vst v6  }
0x1be: {  	[tilespmem:s26+$0x10] =	vst v8;
	v6 =	vld [tilespmem:s31+$0xA0]  }
0x1bf: {  	[tilespmem:s26+$0xFFFFFF90] =	vst v7;
	v8 =	vld [tilespmem:s31+$0x20]  }
0x1c0: {  	v7 =	vld [tilespmem:s31+$0xFFFFFFA0];
	_ =	sdelay $0x1  }
0x1c1: {  	[tilespmem:s26+$0xFFFFFF10] =	vst v9  }
0x1c2: {  	v9 =	vld [tilespmem:s31+$0xFFFFFF20];
	[tilespmem:s26+$0xA0] =	vst v6  }
0x1c3: {  	[tilespmem:s26+$0x20] =	vst v8;
	v6 =	vld [tilespmem:s31+$0xB0]  }
0x1c4: {  	[tilespmem:s26+$0xFFFFFFA0] =	vst v7;
	v8 =	vld [tilespmem:s31+$0x30]  }
0x1c5: {  	v7 =	vld [tilespmem:s31+$0xFFFFFFB0];
	_ =	sdelay $0x1  }
0x1c6: {  	[tilespmem:s26+$0xFFFFFF20] =	vst v9  }
0x1c7: {  	v9 =	vld [tilespmem:s31+$0xFFFFFF30];
	[tilespmem:s26+$0xB0] =	vst v6  }
0x1c8: {  	[tilespmem:s26+$0x30] =	vst v8;
	v6 =	vld [tilespmem:s31+$0xC0]  }
0x1c9: {  	[tilespmem:s26+$0xFFFFFFB0] =	vst v7;
	v8 =	vld [tilespmem:s31+$0x40]  }
0x1ca: {  	v7 =	vld [tilespmem:s31+$0xFFFFFFC0]  }
0x1cb: {  	s28 =	simm.s32 $0x7920  }
0x1cc: {  	v10 =	vld [tilespmem:s28+$0x80];
	[tilespmem:s26+$0xFFFFFF30] =	vst v9  }
0x1cd: {  	v9 =	vld [tilespmem:s31+$0xFFFFFF40];
	[tilespmem:s26+$0xC0] =	vst v6  }
0x1ce: {  	[tilespmem:s26+$0x40] =	vst v8;
	v8 =	vld [tilespmem:s28+$0xFFFFFF80]  }
0x1cf: {  	[tilespmem:s26+$0xFFFFFFC0] =	vst v7;
	v6 =	vld [tilespmem:s31+$0xD0]  }
0x1d0: {  	s30 =	simm.s32 $0xC920;
	v7 =	vld [tilespmem:s31+$0xFFFFFFD0]  }
0x1d1: {  	[tilespmem:s30+$0x80] =	vst v10  }
0x1d2: {  	[tilespmem:s26+$0xFFFFFF40] =	vst v9;
	v9 =	vld [tilespmem:s28+$0x0]  }
0x1d3: {  	v11 =	vld [tilespmem:s28+$0xFFFFFF00];
	[tilespmem:s30+$0xFFFFFF80] =	vst v8  }
0x1d4: {  	v8 =	vld [tilespmem:s28+$0x90];
	[tilespmem:s26+$0xD0] =	vst v6  }
0x1d5: {  	[tilespmem:s26+$0xFFFFFFD0] =	vst v7;
	v7 =	vld [tilespmem:s31+$0xFFFFFF50]  }
0x1d6: {  	v6 =	vld [tilespmem:s31+$0xE0]  }
0x1d7: {  	[tilespmem:s30+$0x0] =	vst v9;
	v10 =	vld [tilespmem:s28+$0xFFFFFF90]  }
0x1d8: {  	[tilespmem:s30+$0xFFFFFF00] =	vst v11;
	v9 =	vld [tilespmem:s28+$0x10]  }
0x1d9: {  	v11 =	vld [tilespmem:s28+$0xFFFFFF10];
	[tilespmem:s30+$0x90] =	vst v8  }
0x1da: {  	[tilespmem:s26+$0xFFFFFF50] =	vst v7;
	v7 =	vld [tilespmem:s31+$0x50]  }
0x1db: {  	v8 =	vld [tilespmem:s28+$0xA0];
	[tilespmem:s26+$0xE0] =	vst v6  }
0x1dc: {  	[tilespmem:s30+$0xFFFFFF90] =	vst v10;
	v6 =	vld [tilespmem:s31+$0xF0]  }
0x1dd: {  	[tilespmem:s30+$0x10] =	vst v9;
	v10 =	vld [tilespmem:s28+$0xFFFFFFA0]  }
0x1de: {  	[tilespmem:s30+$0xFFFFFF10] =	vst v11;
	v9 =	vld [tilespmem:s28+$0x20]  }
0x1df: {  	v11 =	vld [tilespmem:s28+$0xFFFFFF20];
	[tilespmem:s26+$0x50] =	vst v7  }
0x1e0: {  	[tilespmem:s30+$0xA0] =	vst v8;
	v7 =	vld [tilespmem:s31+$0xFFFFFFE0]  }
0x1e1: {  	[tilespmem:s26+$0xF0] =	vst v6;
	v6 =	vld [tilespmem:s31+$0xFFFFFF60]  }
0x1e2: {  	[tilespmem:s30+$0xFFFFFFA0] =	vst v10;
	v8 =	vld [tilespmem:s28+$0xB0]  }
0x1e3: {  	[tilespmem:s30+$0x20] =	vst v9;
	v10 =	vld [tilespmem:s28+$0xFFFFFFB0]  }
0x1e4: {  	[tilespmem:s30+$0xFFFFFF20] =	vst v11;
	v9 =	vld [tilespmem:s28+$0x30]  }
0x1e5: {  	v11 =	vld [tilespmem:s28+$0xFFFFFF30];
	[tilespmem:s26+$0xFFFFFFE0] =	vst v7  }
0x1e6: {  	[tilespmem:s26+$0xFFFFFF60] =	vst v6;
	v6 =	vld [tilespmem:s31+$0x60]  }
0x1e7: {  	[tilespmem:s30+$0xB0] =	vst v8;
	v7 =	vld [tilespmem:s31+$0xFFFFFF70]  }
0x1e8: {  	[tilespmem:s30+$0xFFFFFFB0] =	vst v10;
	v10 =	vld [tilespmem:s28+$0xC0]  }
0x1e9: {  	[tilespmem:s30+$0x30] =	vst v9;
	v12 =	vld [tilespmem:s28+$0xFFFFFFC0]  }
0x1ea: {  	[tilespmem:s30+$0xFFFFFF30] =	vst v11;
	v11 =	vld [tilespmem:s28+$0x40]  }
0x1eb: {  	v8 =	vld [tilespmem:s28+$0xFFFFFF40];
	[tilespmem:s26+$0x60] =	vst v6  }
0x1ec: {  	[tilespmem:s26+$0xFFFFFF70] =	vst v7;
	v7 =	vld [tilespmem:s31+$0xFFFFFFF0]  }
0x1ed: {  	[tilespmem:s30+$0xC0] =	vst v10;
	v6 =	vld [tilespmem:s31+$0x70]  }
0x1ee: {  	[tilespmem:s30+$0xFFFFFFC0] =	vst v12;
	v10 =	vld [tilespmem:s28+$0xD0]  }
0x1ef: {  	s16 =	simm.s32 $0x4;
	s1 =	simm.s32 $0x7B20;
	[tilespmem:s30+$0x40] =	vst v11;
	v9 =	vld [tilespmem:s28+$0xFFFFFFD0]  }
.LBB2_15:
0x1f0: {  	v11 =	vld [tilespmem:s1+$0x80];
	s16 =	sadd.s32 $0x4, s16;
	[tilespmem:s30+$0xFFFFFF40] =	vst v8  }
0x1f1: {  	v8 =	vld [tilespmem:s1+$0xFFFFFF80];
	p0 =	slt.u32 s16, $0x24;
	[tilespmem:s26+$0xFFFFFFF0] =	vst v7  }
0x1f2: {  	v7 =	vld [tilespmem:s1+$0x0];
	[tilespmem:s26+$0x70] =	vst v6;
	s26 =	smov.u32 s30  }
0x1f3: {  	v6 =	vld [tilespmem:s1+$0xFFFFFF00];
	[tilespmem:s30+$0xD0] =	vst v10  }
0x1f4: {  	s30 =	sadd.s32 $0x200, s30;
	[tilespmem:s26+$0xFFFFFFD0] =	vst v9;
	v9 =	vld [tilespmem:s28+$0xE0]  }
0x1f5: {  	[tilespmem:s30+$0x80] =	vst v11;
	v10 =	vld [tilespmem:s28+$0xFFFFFF50]  }
0x1f6: {  	[tilespmem:s30+$0xFFFFFF80] =	vst v8;
	v8 =	vld [tilespmem:s1+$0x90]  }
0x1f7: {  	v11 =	vld [tilespmem:s1+$0xFFFFFF90];
	[tilespmem:s30+$0x0] =	vst v7  }
0x1f8: {  	[tilespmem:s30+$0xFFFFFF00] =	vst v6;
	v6 =	vld [tilespmem:s1+$0x10]  }
0x1f9: {  	v7 =	vld [tilespmem:s1+$0xFFFFFF10];
	[tilespmem:s26+$0xE0] =	vst v9  }
0x1fa: {  	[tilespmem:s26+$0xFFFFFF50] =	vst v10;
	v9 =	vld [tilespmem:s28+$0xF0]  }
0x1fb: {  	[tilespmem:s30+$0x90] =	vst v8;
	v8 =	vld [tilespmem:s28+$0x50]  }
0x1fc: {  	[tilespmem:s30+$0xFFFFFF90] =	vst v11;
	v10 =	vld [tilespmem:s1+$0xA0]  }
0x1fd: {  	v11 =	vld [tilespmem:s1+$0xFFFFFFA0];
	[tilespmem:s30+$0x10] =	vst v6  }
0x1fe: {  	[tilespmem:s30+$0xFFFFFF10] =	vst v7;
	v6 =	vld [tilespmem:s1+$0x20]  }
0x1ff: {  	v7 =	vld [tilespmem:s1+$0xFFFFFF20];
	[tilespmem:s26+$0xF0] =	vst v9  }
0x200: {  	v9 =	vld [tilespmem:s28+$0xFFFFFF60];
	[tilespmem:s26+$0x50] =	vst v8  }
0x201: {  	[tilespmem:s30+$0xA0] =	vst v10;
	v8 =	vld [tilespmem:s28+$0xFFFFFFE0]  }
0x202: {  	[tilespmem:s30+$0xFFFFFFA0] =	vst v11;
	v10 =	vld [tilespmem:s1+$0xB0]  }
0x203: {  	v11 =	vld [tilespmem:s1+$0xFFFFFFB0];
	[tilespmem:s30+$0x20] =	vst v6  }
0x204: {  	[tilespmem:s30+$0xFFFFFF20] =	vst v7;
	v6 =	vld [tilespmem:s1+$0x30]  }
0x205: {  	v7 =	vld [tilespmem:s1+$0xFFFFFF30];
	[tilespmem:s26+$0xFFFFFF60] =	vst v9  }
0x206: {  	[tilespmem:s26+$0xFFFFFFE0] =	vst v8;
	v9 =	vld [tilespmem:s28+$0x60]  }
0x207: {  	[tilespmem:s30+$0xB0] =	vst v10;
	v10 =	vld [tilespmem:s28+$0xFFFFFF70]  }
0x208: {  	[tilespmem:s30+$0xFFFFFFB0] =	vst v11;
	v11 =	vld [tilespmem:s1+$0xC0]  }
0x209: {  	v12 =	vld [tilespmem:s1+$0xFFFFFFC0];
	[tilespmem:s30+$0x30] =	vst v6  }
0x20a: {  	[tilespmem:s30+$0xFFFFFF30] =	vst v7;
	v13 =	vld [tilespmem:s1+$0x40]  }
.Ltmp10:
0x20b: {  	v8 =	vld [tilespmem:s1+$0xFFFFFF40];
	[tilespmem:s26+$0x60] =	vst v9;
	(pc) =	sbr.rel @p0 .LBB2_15-.Ltmp10, $4  }
0x20c: {  	[tilespmem:s26+$0xFFFFFF70] =	vst v10;
	v7 =	vld [tilespmem:s28+$0xFFFFFFF0]  }
0x20d: {  	[tilespmem:s30+$0xC0] =	vst v11;
	v6 =	vld [tilespmem:s28+$0x70];
	s28 =	smov.u32 s1  }
0x20e: {  	[tilespmem:s30+$0xFFFFFFC0] =	vst v12;
	v10 =	vld [tilespmem:s1+$0xD0]  }
0x20f: {  	s1 =	sadd.s32 $0x200, s1;
	v9 =	vld [tilespmem:s28+$0xFFFFFFD0];
	[tilespmem:s30+$0x40] =	vst v13  }
0x210: {  	[tilespmem:s30+$0xFFFFFF40] =	vst v8;
	v11 =	vld [tilespmem:s28+$0x50]  }
0x211: {  	v8 =	vld [tilespmem:s28+$0xFFFFFF50];
	_ =	sdelay $0x1  }
0x212: {  	[tilespmem:s30+$0xD0] =	vst v10  }
0x213: {  	v10 =	vld [tilespmem:s28+$0xE0];
	[tilespmem:s30+$0xFFFFFFD0] =	vst v9  }
0x214: {  	[tilespmem:s30+$0x50] =	vst v11;
	v9 =	vld [tilespmem:s28+$0xFFFFFFE0]  }
0x215: {  	[tilespmem:s30+$0xFFFFFF50] =	vst v8;
	v11 =	vld [tilespmem:s28+$0x60]  }
0x216: {  	v8 =	vld [tilespmem:s28+$0xFFFFFF60]  }
0x217: {  	[tilespmem:s26+$0xFFFFFFF0] =	vst v7  }
0x218: {  	[tilespmem:s30+$0xE0] =	vst v10  }
0x219: {  	v61 =	vld [tilespmem:s28+$0xF0];
	[tilespmem:s30+$0xFFFFFFE0] =	vst v9  }
0x21a: {  	[tilespmem:s30+$0x60] =	vst v11;
	v63 =	vld [tilespmem:s28+$0xFFFFFFF0]  }
0x21b: {  	[tilespmem:s30+$0xFFFFFF60] =	vst v8;
	v7 =	vld [tilespmem:s28+$0x70]  }
0x21c: {  	s1 =	smul.u32 $0x50, s25;
	v62 =	vld [tilespmem:s28+$0xFFFFFF70]  }
0x21d: {  	[tilespmem:s26+$0x70] =	vst v6  }
0x21e: {  	s1 =	sadd.s32 s3, s1;
	[tilespmem:s30+$0xF0] =	vst v61  }
0x21f: {  	s16 =	sshll.u32 s1, $0x3;
	[tilespmem:s30+$0xFFFFFFF0] =	vst v63  }
0x220: {  	s16 =	sand.u32 $0x1FFFFF80, s16;
	[tilespmem:s30+$0x70] =	vst v7  }
0x221: {  	s26 =	simm.s32 $0xC620;
	s1 =	sshrl.u32 s1, $0x4;
	s16 =	sadd.s32 s7, s16;
	[tilespmem:s30+$0xFFFFFF70] =	vst v62  }
0x222: {  	[hbm4b:s16+s4] =	stream.linear.scatter [tilespmem:s26], [sflag:$0xF], $0x1400, $0x38;
	[tilespmem:$0xF120] =	vst v63  }
0x223: {  	s28 =	sadd.s32 s8, s1;
	s30 =	simm.s32 $0xF000  }
0x224: {  	[hbm4b:s28+s4] =	stream.linear.scatter [tilespmem:s30], [sflag:$0x13], $0x28, $0x38;
	[tilespmem:$0xF120] =	vst v63  }
0x225: {  	s31 =	simm.s32 $0xF0C0;
	s1 =	sadd.s32 s9, s1  }
0x226: {  	[hbm4b:s1+s4] =	stream.linear.scatter [tilespmem:s31], [sflag:$0x17], $0x28, $0x38;
	[tilespmem:$0xF120] =	vst v63  }
.LBB2_17:
0x227: {  	p1 =	sgt.u32 s24, $0x7C  }
0x228: {  	s1 =	simm.s32 @!p1 $0x4  }
0x229: {  	s16 =	smul.u32 @!p1 $0x140, s24;
	_ =	swait.ge @!p1 [sflag:s1], $0x1400  }
0x22a: {  	[sflag:s1] =	ssyncset.done @!p1 $0x0  }
0x22b: {  	p0 =	seq.s32 s20, $0x1F;
	[sflag:s1] =	ssyncadd.s32 @!p1 $0xFFFFEC00;
	s1 =	sshra.s32 @!p1 s16, $0x2  }
0x22c: {  	s25 =	simm.s32 @!p1 $0x8A20;
	s16 =	simm.s32 @!p1 $0x50;
	s1 =	sadd.s32 @!p1 $0x2710, s1  }
0x22d: {  	[tilespmem:s25], [sflag:$0x8] =	stream.indirect.gather.add.f32 @!p1 [hbm:s6], $0x40, s1, s16, $0xb8;
	[tilespmem:$0xF120] =	vst v63  }
0x22e: {  	s1 =	simm.s32 @!p0 $0xD  }
0x22f: {  	_ =	swait.ge @!p0 [sflag:s1], $0x1400  }
0x230: {  	[sflag:s1] =	ssyncset.done @!p0 $0x0  }
0x231: {  	[sflag:s1] =	ssyncadd.s32 @!p0 $0xFFFFEC00;
	s1 =	simm.s32 @!p0 $0x11  }
0x232: {  	_ =	swait.ge @!p0 [sflag:s1], $0x28  }
0x233: {  	[sflag:s1] =	ssyncset.done @!p0 $0x0  }
0x234: {  	s16 =	sadd.s32 $0x4, s23;
	[sflag:s1] =	ssyncadd.s32 @!p0 $0xFFFFFFD8;
	s1 =	simm.s32 @!p0 $0x15  }
0x235: {  	s16 =	smul.u32 @!p0 $0x140, s16;
	_ =	swait.ge @!p0 [sflag:s1], $0x28  }
.Ltmp11:
0x236: {  	s28 =	simm.s32 @!p0 $0x4E20;
	[sflag:s1] =	ssyncset.done @!p0 $0x0;
	(pc) =	sbr.rel @p1 .LBB2_21-.Ltmp11, $4  }
0x237: {  	s25 =	simm.s32 @!p0 $0x50;
	s23 =	sshra.s32 @!p0 s16, $0x2;
	[sflag:s1] =	ssyncadd.s32 @!p0 $0xFFFFFFD8  }
0x238: {  	[tilespmem:s28], [sflag:$0x1] =	stream.indirect.gather @!p0 [hbm4b:s5+s25], $0x40, s23, s25, $0xb8;
	[tilespmem:$0xF120] =	vst v63  }
0x239: {  	s1 =	simm.s32 @!p0 $0xEE20  }
0x23a: {  	[tilespmem:s1], [sflag:$0x9] =	stream.indirect.gather @!p0 [hbm4b:s2+s25], $0x1, s23, s25, $0xb8;
	[tilespmem:$0xF120] =	vst v63  }
0x23b: {  	_ =	swait.ge [sflag:s14], $0x1400  }
0x23c: {  	[sflag:s14] =	ssyncset.done $0x0  }
0x23d: {  	[sflag:s14] =	ssyncadd.s32 $0xFFFFEC00  }
0x23e: {  	_ =	swait.ge [sflag:s18], $0x50  }
0x23f: {  	[sflag:s18] =	ssyncset.done $0x0  }
0x240: {  	[sflag:s18] =	ssyncadd.s32 $0xFFFFFFB0  }
0x241: {  	v6 =	vld.idx.msk [tilespmem:v0+s13+$0x0], $0xffff;
	_ =	sdelay $0x4  }
0x242: {  	[tilespmem:$0xF030] =	vst v6  }
0x243: {  	v6 =	vld.idx.msk [tilespmem:v1+s13+$0x0], $0xffff;
	_ =	sdelay $0x4  }
0x244: {  	[tilespmem:$0xF0F0] =	vst v6  }
0x245: {  	v6 =	vld.idx.msk [tilespmem:v2+s13+$0x0], $0xffff;
	_ =	sdelay $0x4  }
0x246: {  	[tilespmem:$0xF040] =	vst v6  }
0x247: {  	v6 =	vld.idx.msk [tilespmem:v3+s13+$0x0], $0xffff;
	_ =	sdelay $0x4  }
0x248: {  	[tilespmem:$0xF100] =	vst v6  }
0x249: {  	v6 =	vld.idx.msk [tilespmem:v4+s13+$0x0], $0xffff;
	_ =	sdelay $0x4  }
0x24a: {  	[tilespmem:$0xF050] =	vst v6  }
0x24b: {  	v6 =	vld.idx.msk [tilespmem:v5+s13+$0x0], $0xffff;
	_ =	sdelay $0x4  }
0x24c: {  	s1 =	simm.s32 $0x8B20;
	[tilespmem:$0xF110] =	vst v6  }
0x24d: {  	v6 =	vld [tilespmem:s1+$0x80]  }
0x24e: {  	v8 =	vld [tilespmem:s1+$0x0]  }
0x24f: {  	v7 =	vld [tilespmem:s1+$0xFFFFFF80];
	_ =	sdelay $0x1  }
0x250: {  	s26 =	simm.s32 $0xDB20  }
0x251: {  	v9 =	vld [tilespmem:s1+$0xFFFFFF00];
	[tilespmem:s26+$0x80] =	vst v6  }
0x252: {  	[tilespmem:s26+$0x0] =	vst v8;
	v6 =	vld [tilespmem:s1+$0x90]  }
0x253: {  	[tilespmem:s26+$0xFFFFFF80] =	vst v7;
	v8 =	vld [tilespmem:s1+$0x10]  }
0x254: {  	v7 =	vld [tilespmem:s1+$0xFFFFFF90];
	_ =	sdelay $0x1  }
0x255: {  	[tilespmem:s26+$0xFFFFFF00] =	vst v9  }
0x256: {  	v9 =	vld [tilespmem:s1+$0xFFFFFF10];
	[tilespmem:s26+$0x90] =	vst v6  }
0x257: {  	[tilespmem:s26+$0x10] =	vst v8;
	v6 =	vld [tilespmem:s1+$0xA0]  }
0x258: {  	[tilespmem:s26+$0xFFFFFF90] =	vst v7;
	v8 =	vld [tilespmem:s1+$0x20]  }
0x259: {  	v7 =	vld [tilespmem:s1+$0xFFFFFFA0];
	_ =	sdelay $0x1  }
0x25a: {  	[tilespmem:s26+$0xFFFFFF10] =	vst v9  }
0x25b: {  	v9 =	vld [tilespmem:s1+$0xFFFFFF20];
	[tilespmem:s26+$0xA0] =	vst v6  }
0x25c: {  	[tilespmem:s26+$0x20] =	vst v8;
	v6 =	vld [tilespmem:s1+$0xB0]  }
0x25d: {  	[tilespmem:s26+$0xFFFFFFA0] =	vst v7;
	v8 =	vld [tilespmem:s1+$0x30]  }
0x25e: {  	v7 =	vld [tilespmem:s1+$0xFFFFFFB0];
	_ =	sdelay $0x1  }
0x25f: {  	[tilespmem:s26+$0xFFFFFF20] =	vst v9  }
0x260: {  	v9 =	vld [tilespmem:s1+$0xFFFFFF30];
	[tilespmem:s26+$0xB0] =	vst v6  }
0x261: {  	[tilespmem:s26+$0x30] =	vst v8;
	v6 =	vld [tilespmem:s1+$0xC0]  }
0x262: {  	[tilespmem:s26+$0xFFFFFFB0] =	vst v7;
	v8 =	vld [tilespmem:s1+$0x40]  }
0x263: {  	v7 =	vld [tilespmem:s1+$0xFFFFFFC0]  }
0x264: {  	s30 =	simm.s32 $0x8D20  }
0x265: {  	v10 =	vld [tilespmem:s30+$0x80];
	[tilespmem:s26+$0xFFFFFF30] =	vst v9  }
0x266: {  	v9 =	vld [tilespmem:s1+$0xFFFFFF40];
	[tilespmem:s26+$0xC0] =	vst v6  }
0x267: {  	[tilespmem:s26+$0x40] =	vst v8;
	v8 =	vld [tilespmem:s30+$0xFFFFFF80]  }
0x268: {  	[tilespmem:s26+$0xFFFFFFC0] =	vst v7;
	v6 =	vld [tilespmem:s1+$0xD0]  }
0x269: {  	s31 =	simm.s32 $0xDD20;
	v7 =	vld [tilespmem:s1+$0xFFFFFFD0]  }
0x26a: {  	[tilespmem:s31+$0x80] =	vst v10  }
0x26b: {  	[tilespmem:s26+$0xFFFFFF40] =	vst v9;
	v9 =	vld [tilespmem:s30+$0x0]  }
0x26c: {  	v11 =	vld [tilespmem:s30+$0xFFFFFF00];
	[tilespmem:s31+$0xFFFFFF80] =	vst v8  }
0x26d: {  	v8 =	vld [tilespmem:s30+$0x90];
	[tilespmem:s26+$0xD0] =	vst v6  }
0x26e: {  	[tilespmem:s26+$0xFFFFFFD0] =	vst v7;
	v7 =	vld [tilespmem:s1+$0xFFFFFF50]  }
0x26f: {  	v6 =	vld [tilespmem:s1+$0xE0]  }
0x270: {  	[tilespmem:s31+$0x0] =	vst v9;
	v10 =	vld [tilespmem:s30+$0xFFFFFF90]  }
0x271: {  	[tilespmem:s31+$0xFFFFFF00] =	vst v11;
	v9 =	vld [tilespmem:s30+$0x10]  }
0x272: {  	v11 =	vld [tilespmem:s30+$0xFFFFFF10];
	[tilespmem:s31+$0x90] =	vst v8  }
0x273: {  	[tilespmem:s26+$0xFFFFFF50] =	vst v7;
	v7 =	vld [tilespmem:s1+$0x50]  }
0x274: {  	v8 =	vld [tilespmem:s30+$0xA0];
	[tilespmem:s26+$0xE0] =	vst v6  }
0x275: {  	[tilespmem:s31+$0xFFFFFF90] =	vst v10;
	v6 =	vld [tilespmem:s1+$0xF0]  }
0x276: {  	[tilespmem:s31+$0x10] =	vst v9;
	v10 =	vld [tilespmem:s30+$0xFFFFFFA0]  }
0x277: {  	[tilespmem:s31+$0xFFFFFF10] =	vst v11;
	v9 =	vld [tilespmem:s30+$0x20]  }
0x278: {  	v11 =	vld [tilespmem:s30+$0xFFFFFF20];
	[tilespmem:s26+$0x50] =	vst v7  }
0x279: {  	[tilespmem:s31+$0xA0] =	vst v8;
	v7 =	vld [tilespmem:s1+$0xFFFFFFE0]  }
0x27a: {  	[tilespmem:s26+$0xF0] =	vst v6;
	v6 =	vld [tilespmem:s1+$0xFFFFFF60]  }
0x27b: {  	[tilespmem:s31+$0xFFFFFFA0] =	vst v10;
	v8 =	vld [tilespmem:s30+$0xB0]  }
0x27c: {  	[tilespmem:s31+$0x20] =	vst v9;
	v10 =	vld [tilespmem:s30+$0xFFFFFFB0]  }
0x27d: {  	[tilespmem:s31+$0xFFFFFF20] =	vst v11;
	v9 =	vld [tilespmem:s30+$0x30]  }
0x27e: {  	v11 =	vld [tilespmem:s30+$0xFFFFFF30];
	[tilespmem:s26+$0xFFFFFFE0] =	vst v7  }
0x27f: {  	[tilespmem:s26+$0xFFFFFF60] =	vst v6;
	v6 =	vld [tilespmem:s1+$0x60]  }
0x280: {  	[tilespmem:s31+$0xB0] =	vst v8;
	v7 =	vld [tilespmem:s1+$0xFFFFFF70]  }
0x281: {  	[tilespmem:s31+$0xFFFFFFB0] =	vst v10;
	v10 =	vld [tilespmem:s30+$0xC0]  }
0x282: {  	[tilespmem:s31+$0x30] =	vst v9;
	v12 =	vld [tilespmem:s30+$0xFFFFFFC0]  }
0x283: {  	[tilespmem:s31+$0xFFFFFF30] =	vst v11;
	v11 =	vld [tilespmem:s30+$0x40]  }
0x284: {  	v8 =	vld [tilespmem:s30+$0xFFFFFF40];
	[tilespmem:s26+$0x60] =	vst v6  }
0x285: {  	[tilespmem:s26+$0xFFFFFF70] =	vst v7;
	v7 =	vld [tilespmem:s1+$0xFFFFFFF0]  }
0x286: {  	[tilespmem:s31+$0xC0] =	vst v10;
	v6 =	vld [tilespmem:s1+$0x70]  }
0x287: {  	[tilespmem:s31+$0xFFFFFFC0] =	vst v12;
	v10 =	vld [tilespmem:s30+$0xD0]  }
0x288: {  	s16 =	simm.s32 $0x4;
	[tilespmem:s31+$0x40] =	vst v11;
	s1 =	simm.s32 $0x8F20;
	v9 =	vld [tilespmem:s30+$0xFFFFFFD0]  }
.LBB2_19:
0x289: {  	v11 =	vld [tilespmem:s1+$0x80];
	s16 =	sadd.s32 $0x4, s16;
	[tilespmem:s31+$0xFFFFFF40] =	vst v8  }
0x28a: {  	v8 =	vld [tilespmem:s1+$0xFFFFFF80];
	p1 =	slt.u32 s16, $0x24;
	[tilespmem:s26+$0xFFFFFFF0] =	vst v7  }
0x28b: {  	v7 =	vld [tilespmem:s1+$0x0];
	[tilespmem:s26+$0x70] =	vst v6;
	s26 =	smov.u32 s31  }
0x28c: {  	v6 =	vld [tilespmem:s1+$0xFFFFFF00];
	[tilespmem:s31+$0xD0] =	vst v10  }
0x28d: {  	s31 =	sadd.s32 $0x200, s31;
	[tilespmem:s26+$0xFFFFFFD0] =	vst v9;
	v9 =	vld [tilespmem:s30+$0xE0]  }
0x28e: {  	[tilespmem:s31+$0x80] =	vst v11;
	v10 =	vld [tilespmem:s30+$0xFFFFFF50]  }
0x28f: {  	[tilespmem:s31+$0xFFFFFF80] =	vst v8;
	v8 =	vld [tilespmem:s1+$0x90]  }
0x290: {  	v11 =	vld [tilespmem:s1+$0xFFFFFF90];
	[tilespmem:s31+$0x0] =	vst v7  }
0x291: {  	[tilespmem:s31+$0xFFFFFF00] =	vst v6;
	v6 =	vld [tilespmem:s1+$0x10]  }
0x292: {  	v7 =	vld [tilespmem:s1+$0xFFFFFF10];
	[tilespmem:s26+$0xE0] =	vst v9  }
0x293: {  	[tilespmem:s26+$0xFFFFFF50] =	vst v10;
	v9 =	vld [tilespmem:s30+$0xF0]  }
0x294: {  	[tilespmem:s31+$0x90] =	vst v8;
	v8 =	vld [tilespmem:s30+$0x50]  }
0x295: {  	[tilespmem:s31+$0xFFFFFF90] =	vst v11;
	v10 =	vld [tilespmem:s1+$0xA0]  }
0x296: {  	v11 =	vld [tilespmem:s1+$0xFFFFFFA0];
	[tilespmem:s31+$0x10] =	vst v6  }
0x297: {  	[tilespmem:s31+$0xFFFFFF10] =	vst v7;
	v6 =	vld [tilespmem:s1+$0x20]  }
0x298: {  	v7 =	vld [tilespmem:s1+$0xFFFFFF20];
	[tilespmem:s26+$0xF0] =	vst v9  }
0x299: {  	v9 =	vld [tilespmem:s30+$0xFFFFFF60];
	[tilespmem:s26+$0x50] =	vst v8  }
0x29a: {  	[tilespmem:s31+$0xA0] =	vst v10;
	v8 =	vld [tilespmem:s30+$0xFFFFFFE0]  }
0x29b: {  	[tilespmem:s31+$0xFFFFFFA0] =	vst v11;
	v10 =	vld [tilespmem:s1+$0xB0]  }
0x29c: {  	v11 =	vld [tilespmem:s1+$0xFFFFFFB0];
	[tilespmem:s31+$0x20] =	vst v6  }
0x29d: {  	[tilespmem:s31+$0xFFFFFF20] =	vst v7;
	v6 =	vld [tilespmem:s1+$0x30]  }
0x29e: {  	v7 =	vld [tilespmem:s1+$0xFFFFFF30];
	[tilespmem:s26+$0xFFFFFF60] =	vst v9  }
0x29f: {  	[tilespmem:s26+$0xFFFFFFE0] =	vst v8;
	v9 =	vld [tilespmem:s30+$0x60]  }
0x2a0: {  	[tilespmem:s31+$0xB0] =	vst v10;
	v10 =	vld [tilespmem:s30+$0xFFFFFF70]  }
0x2a1: {  	[tilespmem:s31+$0xFFFFFFB0] =	vst v11;
	v11 =	vld [tilespmem:s1+$0xC0]  }
0x2a2: {  	v12 =	vld [tilespmem:s1+$0xFFFFFFC0];
	[tilespmem:s31+$0x30] =	vst v6  }
0x2a3: {  	[tilespmem:s31+$0xFFFFFF30] =	vst v7;
	v13 =	vld [tilespmem:s1+$0x40]  }
.Ltmp12:
0x2a4: {  	v8 =	vld [tilespmem:s1+$0xFFFFFF40];
	[tilespmem:s26+$0x60] =	vst v9;
	(pc) =	sbr.rel @p1 .LBB2_19-.Ltmp12, $4  }
0x2a5: {  	[tilespmem:s26+$0xFFFFFF70] =	vst v10;
	v7 =	vld [tilespmem:s30+$0xFFFFFFF0]  }
0x2a6: {  	[tilespmem:s31+$0xC0] =	vst v11;
	v6 =	vld [tilespmem:s30+$0x70];
	s30 =	smov.u32 s1  }
0x2a7: {  	[tilespmem:s31+$0xFFFFFFC0] =	vst v12;
	v10 =	vld [tilespmem:s1+$0xD0]  }
0x2a8: {  	s1 =	sadd.s32 $0x200, s1;
	v9 =	vld [tilespmem:s30+$0xFFFFFFD0];
	[tilespmem:s31+$0x40] =	vst v13  }
0x2a9: {  	[tilespmem:s31+$0xFFFFFF40] =	vst v8;
	v11 =	vld [tilespmem:s30+$0x50]  }
0x2aa: {  	v8 =	vld [tilespmem:s30+$0xFFFFFF50];
	_ =	sdelay $0x1  }
0x2ab: {  	[tilespmem:s31+$0xD0] =	vst v10  }
0x2ac: {  	v10 =	vld [tilespmem:s30+$0xE0];
	[tilespmem:s31+$0xFFFFFFD0] =	vst v9  }
0x2ad: {  	[tilespmem:s31+$0x50] =	vst v11;
	v9 =	vld [tilespmem:s30+$0xFFFFFFE0]  }
0x2ae: {  	[tilespmem:s31+$0xFFFFFF50] =	vst v8;
	v11 =	vld [tilespmem:s30+$0x60]  }
0x2af: {  	v8 =	vld [tilespmem:s30+$0xFFFFFF60]  }
0x2b0: {  	[tilespmem:s26+$0xFFFFFFF0] =	vst v7  }
0x2b1: {  	[tilespmem:s31+$0xE0] =	vst v10  }
0x2b2: {  	v61 =	vld [tilespmem:s30+$0xF0];
	[tilespmem:s31+$0xFFFFFFE0] =	vst v9  }
0x2b3: {  	[tilespmem:s31+$0x60] =	vst v11;
	v63 =	vld [tilespmem:s30+$0xFFFFFFF0]  }
0x2b4: {  	[tilespmem:s31+$0xFFFFFF60] =	vst v8;
	v7 =	vld [tilespmem:s30+$0x70]  }
0x2b5: {  	s1 =	smul.u32 $0x50, s24;
	v62 =	vld [tilespmem:s30+$0xFFFFFF70]  }
0x2b6: {  	[tilespmem:s26+$0x70] =	vst v6  }
0x2b7: {  	s1 =	sadd.s32 s3, s1;
	[tilespmem:s31+$0xF0] =	vst v61  }
0x2b8: {  	s16 =	sshll.u32 s1, $0x3;
	[tilespmem:s31+$0xFFFFFFF0] =	vst v63  }
0x2b9: {  	s16 =	sand.u32 $0x1FFFFF80, s16;
	[tilespmem:s31+$0x70] =	vst v7  }
0x2ba: {  	s16 =	sadd.s32 s7, s16;
	[tilespmem:s31+$0xFFFFFF70] =	vst v62;
	s31 =	simm.s32 $0xDA20  }
0x2bb: {  	[hbm4b:s16+s4] =	stream.linear.scatter [tilespmem:s31], [sflag:$0x10], $0x1400, $0x38;
	[tilespmem:$0xF120] =	vst v63  }
.Ltmp13:
0x2bc: {  	s1 =	sshrl.u32 s1, $0x4;
	(pc) =	sbr.rel .LBB2_21-.Ltmp13, $4  }
0x2bd: {  	s26 =	sadd.s32 s8, s1;
	s30 =	simm.s32 $0xF030  }
0x2be: {  	[hbm4b:s26+s4] =	stream.linear.scatter [tilespmem:s30], [sflag:$0x14], $0x28, $0x38;
	[tilespmem:$0xF120] =	vst v63  }
0x2bf: {  	s1 =	sadd.s32 s9, s1;
	s31 =	simm.s32 $0xF0F0  }
0x2c0: {  	[hbm4b:s1+s4] =	stream.linear.scatter [tilespmem:s31], [sflag:$0x18], $0x28, $0x38;
	[tilespmem:$0xF120] =	vst v63  }
.LBB2_11:
0x2c1: {  	p0 =	sgt.u32 s24, $0x7C  }
.Ltmp14:
0x2c2: {  	_ = 	snop;
	(pc) =	sbr.rel @p0 .LBB2_13-.Ltmp14, $4  }
.Ltmp15:
0x2c3: {  	_ = 	snop;
	(pc) =	sbr.rel @!p0 .LBB2_12-.Ltmp15, $4  }
0x2c4: {  	_ = 	snop  }
0x2c5: {  	_ = 	snop  }
0x2c6: {  	_ = 	snop  }
0x2c7: {  	_ = 	snop  }
.LBB2_23:
0x2c8: {  	_ =	sfence.sel $0x180000  }
0x2c9: {  	[bflag:$0x0] =	sbarrier.arrive $0xFFFF  }
0x2ca: {  	_ =	strace $0x90000047  }
0x2cb: {  	s0 =	stileid.u32;
	[bflag:$0x2] =	sbarrier.arrive $0xFFFF  }
0x2cc: {  	p0 =	sne.s32 s0, $0x0;
	s0 =	rddreg [dreg:$0x2]  }
0x2cd: {  	s0 =	sadd.s32 @!p0 $0x100000, s0  }
0x2ce: {  	[sflag:s0] =	ssyncadd.tile.s32 @!p0 $0x1;
	_ =	shalt  }
.Lfunc_end2:
_tile_overlayer_lowered:
.L_overlay_start_2:
0x2cf: {  	(tag) =	ssettag $0x2  }
0x2d0: {  	s0 =	rddreg [dreg:$0x0];
	s2 =	stileid.u32  }
0x2d1: {  	s1 =	rddreg [dreg:$0x1];
	p0 =	sne.s32 s2, $0x0  }
0x2d2: {  	s3 =	rddreg [dreg:$0x2];
	[bflag:$0x3] =	sbarrier.arrive $0xFFFF;
	s2 =	simm.s32 @!p0 $0x1C19  }
0x2d3: {  	[timem:s3], [sflag:s2] =	dma.local @!p0 [hbm:s0], s1  }
0x2d4: {  	s0 =	simm.s32 @!p0 $0x19  }
0x2d5: {  	_ =	swait.ge @!p0 [sflag:s0], s1  }
0x2d6: {  	s1 =	ssub.s32 @!p0 $0x0, s1;
	[sflag:s0] =	ssyncset.done @!p0 $0x0  }
0x2d7: {  	[sflag:s0] =	ssyncadd.s32 @!p0 s1  }
0x2d8: {  	[bflag:$0x3] =	sbarrier.arrive $0xFFFF  }
0x2d9: {  	_ =	shalt  }

</sc_bundles>
